<compile_context>
chip_gen: v7x
topology: tpu7x:2x2x1
jax: 0.10.2.dev20260603
libtpu: 0.0.44.dev20260713+nightly
codegen_flags: <defaults>
</compile_context>

<pallas_src>
import functools

import jax
import jax.numpy as jnp
from jax import lax
from jax.experimental import pallas as pl
from jax.experimental.pallas import tpu as pltpu
from jax.experimental.pallas import tpu_sc as plsc

S = 512
H = 256
G = 4 * H


def _lstm_layer_body(x_ref, wihT_f, whhT_f, bias_f, wihT_b, whhT_b, bias_b,
                     out_ref, xp_f, xp_b):
    xb = x_ref[:].astype(jnp.bfloat16)
    xp_f[:] = jnp.dot(xb, wihT_f[:], preferred_element_type=jnp.float32) + bias_f[:]
    xp_b[:] = jnp.dot(xb, wihT_b[:], preferred_element_type=jnp.float32) + bias_b[:]

    def sig(x):
        return 0.5 * jnp.tanh(0.5 * x) + 0.5

    def gates(g, c):
        i = sig(g[:, 0:H])
        f = sig(g[:, H:2 * H])
        gg = jnp.tanh(g[:, 2 * H:3 * H])
        o = sig(g[:, 3 * H:4 * H])
        c2 = f * c + i * gg
        h2 = o * jnp.tanh(c2)
        return h2, c2

    def rec(h, xrow, whhT):
        hb = h.astype(jnp.bfloat16)
        return (xrow
                + jnp.dot(hb[:, 0:128], whhT[0:128, :],
                          preferred_element_type=jnp.float32)
                + jnp.dot(hb[:, 128:256], whhT[128:256, :],
                          preferred_element_type=jnp.float32))

    def step8(blk, carry):
        h_f, c_f, h_b, c_b = carry
        t0 = blk * 8
        tb0 = S - 8 - t0
        xf = xp_f[pl.ds(t0, 8), :]
        xb2 = xp_b[pl.ds(tb0, 8), :]
        hf_rows, hb_rows = [], []
        for k in range(8):
            g_f = rec(h_f, xf[k:k + 1, :], whhT_f)
            g_b = rec(h_b, xb2[7 - k:8 - k, :], whhT_b)
            h_f, c_f = gates(g_f, c_f)
            h_b, c_b = gates(g_b, c_b)
            hf_rows.append(h_f)
            hb_rows.append(h_b)
        out_ref[pl.ds(t0, 8), 0:H] = jnp.concatenate(hf_rows, axis=0)
        out_ref[pl.ds(tb0, 8), H:2 * H] = jnp.concatenate(hb_rows[::-1], axis=0)
        return (h_f, c_f, h_b, c_b)

    z = jnp.zeros((1, H), jnp.float32)
    jax.lax.fori_loop(0, S // 8, step8, (z, z, z, z))


def _lstm_layer(x, pf, pb):
    din = x.shape[1]
    dpad = -(-din // 128) * 128
    if dpad != din:
        x = jnp.pad(x, ((0, 0), (0, dpad - din)))
    args = [x]
    for p in (pf, pb):
        wihT = jnp.transpose(p["Wih"])
        if dpad != din:
            wihT = jnp.pad(wihT, ((0, dpad - din), (0, 0)))
        args.append(wihT.astype(jnp.bfloat16))
        args.append(jnp.transpose(p["Whh"]).astype(jnp.bfloat16))
        args.append((p["bih"] + p["bhh"]).reshape(1, G))
    return pl.pallas_call(
        _lstm_layer_body,
        out_shape=jax.ShapeDtypeStruct((S, 2 * H), jnp.float32),
        scratch_shapes=[pltpu.VMEM((S, G), jnp.float32),
                        pltpu.VMEM((S, G), jnp.float32)],
    )(*args)


def _ab_body(emb_ref, embT_ref, w1aT, w1b, b1, a_out, bT_out):
    a_out[:] = jnp.dot(emb_ref[:].astype(jnp.bfloat16), w1aT[:],
                       preferred_element_type=jnp.float32) + b1[:]
    bT_out[:] = jnp.dot(w1b[:], embT_ref[:].astype(jnp.bfloat16),
                        preferred_element_type=jnp.float32)


_BI = 8


def _mlp_body(a_ref, bT_ref, w2, b2c, w3r, b3, sm_ref, logn_ref, nacc_ref):
    p = pl.program_id(0)
    np_ = pl.num_programs(0)
    jlane = jax.lax.broadcasted_iota(jnp.int32, (1, S), 1)

    @pl.when(p == 0)
    def _():
        nacc_ref[:] = jnp.zeros((1, S), jnp.float32)

    aT = a_ref[:].T
    bTv = bT_ref[:]
    h2s = []
    for k in range(_BI):
        acol = aT[:, k:k + 1]
        h1 = jnp.maximum(bTv + acol, 0.0)
        h2 = jnp.maximum(
            jnp.dot(w2[:], h1.astype(jnp.bfloat16),
                    preferred_element_type=jnp.float32) + b2c[:], 0.0)
        h2s.append(h2.astype(jnp.bfloat16))
    h2cat = jnp.concatenate(h2s, axis=1)
    rows = jnp.maximum(
        jnp.dot(w3r[:], h2cat, preferred_element_type=jnp.float32) + b3[:], 0.0)
    block = jnp.concatenate(
        [rows[:, k * S:(k + 1) * S] for k in range(_BI)], axis=0)
    ii = p * _BI + jax.lax.broadcasted_iota(jnp.int32, (_BI, S), 0)
    jj = jax.lax.broadcasted_iota(jnp.int32, (_BI, S), 1)
    offdiag = jj != ii
    blockm = jnp.where(offdiag & (jj >= 1), block, 0.0)
    sm_ref[:] = blockm
    nacc_ref[:] += jnp.sum(jnp.where(offdiag, jnp.exp(blockm), 0.0),
                           axis=0, keepdims=True)

    @pl.when(p == np_ - 1)
    def _():
        logn_ref[:] = jnp.log(nacc_ref[:])


def _pairwise_scores(emb, mlp_params):
    d = 2 * H
    w1 = mlp_params["W1"]
    a, bT = pl.pallas_call(
        _ab_body,
        out_shape=[jax.ShapeDtypeStruct((S, H), jnp.float32),
                   jax.ShapeDtypeStruct((H, S), jnp.float32)],
    )(emb, jnp.transpose(emb), jnp.transpose(w1[:, :d]).astype(jnp.bfloat16),
      w1[:, d:].astype(jnp.bfloat16), mlp_params["b1"].reshape(1, H))

    nprog = S // _BI
    sm, logn = pl.pallas_call(
        _mlp_body,
        grid=(nprog,),
        in_specs=[
            pl.BlockSpec((_BI, H), lambda p: (p, 0)),
            pl.BlockSpec((H, S), lambda p: (0, 0)),
            pl.BlockSpec((128, H), lambda p: (0, 0)),
            pl.BlockSpec((128, 1), lambda p: (0, 0)),
            pl.BlockSpec((1, 128), lambda p: (0, 0)),
            pl.BlockSpec((1, 1), lambda p: (0, 0)),
        ],
        out_specs=[
            pl.BlockSpec((_BI, S), lambda p: (p, 0)),
            pl.BlockSpec((1, S), lambda p: (0, 0)),
        ],
        out_shape=[jax.ShapeDtypeStruct((S, S), jnp.float32),
                   jax.ShapeDtypeStruct((1, S), jnp.float32)],
        scratch_shapes=[pltpu.VMEM((1, S), jnp.float32)],
    )(a, bT, mlp_params["W2"].astype(jnp.bfloat16),
      mlp_params["b2"].reshape(128, 1), mlp_params["W3"].astype(jnp.bfloat16),
      mlp_params["b3"].reshape(1, 1))
    return sm, logn[0, :]


def _loss_gather_sc(smflat, logn, idx1, idx2, w):
    info = plsc.get_sparse_core_info()
    nc, ns, nl = info.num_cores, info.num_subcores, info.num_lanes
    nw = nc * ns

    @functools.partial(
        pl.kernel,
        mesh=plsc.VectorSubcoreMesh(core_axis_name="c", subcore_axis_name="s"),
        out_type=jax.ShapeDtypeStruct((nw, nl), jnp.float32),
        scratch_types=[
            pltpu.VMEM((nl,), jnp.int32),
            pltpu.VMEM((nl,), jnp.int32),
            pltpu.VMEM((nl,), jnp.float32),
            pltpu.VMEM((nl,), jnp.float32),
            pltpu.VMEM((nl,), jnp.float32),
            pltpu.VMEM((nl,), jnp.float32),
            pltpu.SemaphoreType.DMA,
        ],
    )
    def body(smflat_hbm, logn_hbm, idx1_hbm, idx2_hbm, w_hbm, out_hbm,
             idx1_v, idx2_v, w_v, smv_v, lnv_v, res_v, sem):
        wid = lax.axis_index("s") * nc + lax.axis_index("c")
        base = wid * nl
        pltpu.sync_copy(idx1_hbm.at[pl.ds(base, nl)], idx1_v)
        pltpu.sync_copy(idx2_hbm.at[pl.ds(base, nl)], idx2_v)
        pltpu.sync_copy(w_hbm.at[pl.ds(base, nl)], w_v)
        pltpu.async_copy(smflat_hbm.at[idx1_v], smv_v, sem).wait()
        pltpu.async_copy(logn_hbm.at[idx2_v], lnv_v, sem).wait()
        res_v[...] = (lnv_v[...] - smv_v[...]) * w_v[...]
        pltpu.sync_copy(res_v, out_hbm.at[wid])

    return body(smflat, logn, idx1, idx2, w)


def kernel(sentence_embedding, real_dependency_tree, lstm_params, mlp_params):
    emb = _lstm_layer(sentence_embedding, lstm_params["l0_f"], lstm_params["l0_b"])
    emb = _lstm_layer(emb, lstm_params["l1_f"], lstm_params["l1_b"])
    sm, logn = _pairwise_scores(emb, mlp_params)

    tree = real_dependency_tree.astype(jnp.int32)
    v1p = jnp.concatenate([tree[1:, 0], jnp.zeros((1,), jnp.int32)])
    v2p = jnp.concatenate([tree[1:, 1], jnp.zeros((1,), jnp.int32)])
    w = jnp.where(jnp.arange(S) < S - 1, 1.0 / (S - 1), 0.0).astype(jnp.float32)
    terms = _loss_gather_sc(sm.reshape(S * S), logn, v1p * S + v2p, v2p, w)
    loss = jnp.sum(terms)
    return loss, sm

# --- scband reference (transcript-rebuilt; emitter-appended) ---
"""Pipeline reference for scband-dependency-parser-63574105916159 (READ-ONLY COPY).

The authoritative reference and input builder live on the scoring server;
editing this copy changes nothing except your own understanding.
"""

import jax, jax.numpy as jnp
import numpy as np

S = 512
D_IN = 200
H = 256

def _lstm_param(key, in_dim):
    k1, k2, k3, k4 = jax.random.split(key, 4)
    s = 1.0 / np.sqrt(H)
    def u(k, shape):
        return jax.random.uniform(k, shape, minval=-s, maxval=s, dtype=jnp.float32)
    return {"Wih": u(k1, (4 * H, in_dim)), "Whh": u(k2, (4 * H, H)), "bih": u(k3, (4 * H,)), "bhh": u(k4, (4 * H,))}

def _linear_param(key, out_dim, in_dim):
    k1, k2 = jax.random.split(key)
    s = 1.0 / np.sqrt(in_dim)
    W = jax.random.uniform(k1, (out_dim, in_dim), minval=-s, maxval=s, dtype=jnp.float32)
    b = jax.random.uniform(k2, (out_dim,), minval=-s, maxval=s, dtype=jnp.float32)
    return W, b

def setup_inputs(seed: int = 0):
    key = jax.random.key(seed)
    ks = jax.random.split(key, 12)
    sentence_embedding = jax.random.normal(ks[0], (S, D_IN), dtype=jnp.float32)
    real_dependency_tree = jax.random.randint(ks[1], (S, 2), 0, S)
    lstm_params = {
        "l0_f": _lstm_param(ks[2], D_IN),
        "l0_b": _lstm_param(ks[3], D_IN),
        "l1_f": _lstm_param(ks[4], 2 * H),
        "l1_b": _lstm_param(ks[5], 2 * H),
    }
    W1, b1 = _linear_param(ks[6], 256, 1024)
    W2, b2 = _linear_param(ks[7], 128, 256)
    W3, b3 = _linear_param(ks[8], 1, 128)
    mlp_params = {"W1": W1, "b1": b1, "W2": W2, "b2": b2, "W3": W3, "b3": b3}
    return {"sentence_embedding": sentence_embedding, "real_dependency_tree": real_dependency_tree, "lstm_params": lstm_params, "mlp_params": mlp_params}

def _lstm_dir(x, p):
    def step(carry, xt):
        h, c = carry
        g = p["Wih"] @ xt + p["Whh"] @ h + p["bih"] + p["bhh"]
        i, f, gg, o = jnp.split(g, 4)
        i = jax.nn.sigmoid(i)
        f = jax.nn.sigmoid(f)
        gg = jnp.tanh(gg)
        o = jax.nn.sigmoid(o)
        c = f * c + i * gg
        h = o * jnp.tanh(c)
        return (h, c), h
    init = (jnp.zeros((H,), x.dtype), jnp.zeros((H,), x.dtype))
    _, hs = jax.lax.scan(step, init, x)
    return hs

def _bilstm_layer(x, pf, pb):
    hf = _lstm_dir(x, pf)
    hb = _lstm_dir(x[::-1], pb)[::-1]
    return jnp.concatenate([hf, hb], axis=-1)

def _forward(sentence_embedding, lstm_params, mlp_params, real_dependency_tree):
    # 2-layer bidirectional LSTM encoder (unbatched, seq-major like torch)
    emb = _bilstm_layer(sentence_embedding, lstm_params["l0_f"], lstm_params["l0_b"])
    emb = _bilstm_layer(emb, lstm_params["l1_f"], lstm_params["l1_b"])  # [S, 512]
    n = emb.shape[0]
    d = emb.shape[1]
    # Pairwise MLP edge scorer. fc1(concat(e_i, e_j)) = e_i @ W1a^T + e_j @ W1b^T + b1
    W1 = mlp_params["W1"]
    a = emb @ W1[:, :d].T
    b = emb @ W1[:, d:].T
    h1 = jax.nn.relu(a[:, None, :] + b[None, :, :] + mlp_params["b1"])
    h2 = jax.nn.relu(h1 @ mlp_params["W2"].T + mlp_params["b2"])
    s = jax.nn.relu(h2 @ mlp_params["W3"].T + mlp_params["b3"])[..., 0]
    # edge set: (0, j) for j>=1 plus all permutations of {1..n-1}; i.e. i != j and j >= 1
    ii = jnp.arange(n)[:, None]
    jj = jnp.arange(n)[None, :]
    valid = (ii != jj) & (jj >= 1)
    score_matrix = jnp.where(valid, s, 0.0)
    # tree loss (column-softmax over heads, skipping j == v2 entirely)
    tree = real_dependency_tree
    v1 = tree[1:, 0]
    v2 = tree[1:, 1]
    cols = score_matrix[:, v2]  # [n, n-1]
    jrange = jnp.arange(n)[:, None]
    expc = jnp.exp(cols) * (jrange != v2[None, :]).astype(cols.dtype)
    norm = jnp.sum(expc, axis=0)
    num = jnp.exp(score_matrix[v1, v2])
    loss = jnp.mean(-jnp.log(num / norm))
    return loss, score_matrix

def reference(sentence_embedding, real_dependency_tree, lstm_params, mlp_params):
    return _forward(sentence_embedding, lstm_params, mlp_params, real_dependency_tree)

if __name__ == "__main__":
    import jax
    _d = setup_inputs()
    print(jax.jit(kernel)(*tuple(_d.values())))

</pallas_src>

<mosaic_0001>
#map = affine_map<(d0, d1) -> (0)>
#map1 = affine_map<(d0, d1) -> (0, 0)>
module attributes {stable_mosaic.version = 14 : i64} {
  func.func @body(%arg0: i32, %arg1: i32, %arg2: memref<262144xf32, #tpu.memory_space<hbm>>, %arg3: memref<512xf32, #tpu.memory_space<hbm>>, %arg4: memref<512xi32, #tpu.memory_space<hbm>>, %arg5: memref<512xi32, #tpu.memory_space<hbm>>, %arg6: memref<512xf32, #tpu.memory_space<hbm>>, %arg7: memref<32x16xf32, #tpu.memory_space<hbm>>, %arg8: memref<16xi32, #tpu.memory_space<vmem>>, %arg9: memref<16xi32, #tpu.memory_space<vmem>>, %arg10: memref<16xf32, #tpu.memory_space<vmem>>, %arg11: memref<16xf32, #tpu.memory_space<vmem>>, %arg12: memref<16xf32, #tpu.memory_space<vmem>>, %arg13: memref<16xf32, #tpu.memory_space<vmem>>, %arg14: memref<!tpu.dma_semaphore, #tpu.memory_space<semaphore_mem>>) attributes {dimension_semantics = [#tpu.dimension_semantics<core_parallel>, #tpu.dimension_semantics<subcore_parallel>], iteration_bounds = array<i64: 2, 16>, scalar_prefetch = 0 : i64, scratch_operands = 7 : i64, tpu.core_type = #tpu.core_type<sc_vector_subcore>, window_params = [{transform_indices = #map}, {transform_indices = #map}, {transform_indices = #map}, {transform_indices = #map}, {transform_indices = #map}, {transform_indices = #map1}]} {
    %mul3A = arith.constant 2 : i32
    %mul3A_0 = arith.muli %arg1, %mul3A : i32
    %add3A = arith.addi %mul3A_0, %arg0 : i32
    %mul3A_1 = arith.constant 16 : i32
    %mul3A_2 = arith.muli %add3A, %mul3A_1 : i32
    "tpu.region"() ({
      %run_scoped3A = tpu.sem_alloc : memref<!tpu.dma_semaphore, #tpu.memory_space<semaphore_mem>>
      %dma_start3A_21 = tpu.memref_slice %arg4[%mul3A_2] : memref<512xi32, #tpu.memory_space<hbm>> -> memref<16xi32, #tpu.memory_space<hbm>>
      %dma_start3A_22 = tpu.memref_slice %arg4[%mul3A_2] : memref<512xi32, #tpu.memory_space<hbm>> -> memref<16xi32, #tpu.memory_space<hbm>>
      tpu.enqueue_dma source(%dma_start3A_22 : memref<16xi32, #tpu.memory_space<hbm>>) target(%arg8 : memref<16xi32, #tpu.memory_space<vmem>>) target_semaphore(%run_scoped3A : memref<!tpu.dma_semaphore, #tpu.memory_space<semaphore_mem>>)
      %dma_wait3A_23 = tpu.memref_slice %arg4[%mul3A_2] : memref<512xi32, #tpu.memory_space<hbm>> -> memref<16xi32, #tpu.memory_space<hbm>>
      %dma_wait3A_24 = tpu.memref_slice %arg4[%mul3A_2] : memref<512xi32, #tpu.memory_space<hbm>> -> memref<16xi32, #tpu.memory_space<hbm>>
      tpu.wait_dma2 semaphore(%run_scoped3A : memref<!tpu.dma_semaphore, #tpu.memory_space<semaphore_mem>>) src(%dma_wait3A_24 : memref<16xi32, #tpu.memory_space<hbm>>) dst(%arg8 : memref<16xi32, #tpu.memory_space<vmem>>)
      tpu.yield
    }) : () -> ()
    "tpu.region"() ({
      %run_scoped3A = tpu.sem_alloc : memref<!tpu.dma_semaphore, #tpu.memory_space<semaphore_mem>>
      %dma_start3A_21 = tpu.memref_slice %arg5[%mul3A_2] : memref<512xi32, #tpu.memory_space<hbm>> -> memref<16xi32, #tpu.memory_space<hbm>>
      %dma_start3A_22 = tpu.memref_slice %arg5[%mul3A_2] : memref<512xi32, #tpu.memory_space<hbm>> -> memref<16xi32, #tpu.memory_space<hbm>>
      tpu.enqueue_dma source(%dma_start3A_22 : memref<16xi32, #tpu.memory_space<hbm>>) target(%arg9 : memref<16xi32, #tpu.memory_space<vmem>>) target_semaphore(%run_scoped3A : memref<!tpu.dma_semaphore, #tpu.memory_space<semaphore_mem>>)
      %dma_wait3A_23 = tpu.memref_slice %arg5[%mul3A_2] : memref<512xi32, #tpu.memory_space<hbm>> -> memref<16xi32, #tpu.memory_space<hbm>>
      %dma_wait3A_24 = tpu.memref_slice %arg5[%mul3A_2] : memref<512xi32, #tpu.memory_space<hbm>> -> memref<16xi32, #tpu.memory_space<hbm>>
      tpu.wait_dma2 semaphore(%run_scoped3A : memref<!tpu.dma_semaphore, #tpu.memory_space<semaphore_mem>>) src(%dma_wait3A_24 : memref<16xi32, #tpu.memory_space<hbm>>) dst(%arg9 : memref<16xi32, #tpu.memory_space<vmem>>)
      tpu.yield
    }) : () -> ()
    "tpu.region"() ({
      %run_scoped3A = tpu.sem_alloc : memref<!tpu.dma_semaphore, #tpu.memory_space<semaphore_mem>>
      %dma_start3A_21 = tpu.memref_slice %arg6[%mul3A_2] : memref<512xf32, #tpu.memory_space<hbm>> -> memref<16xf32, #tpu.memory_space<hbm>>
      %dma_start3A_22 = tpu.memref_slice %arg6[%mul3A_2] : memref<512xf32, #tpu.memory_space<hbm>> -> memref<16xf32, #tpu.memory_space<hbm>>
      tpu.enqueue_dma source(%dma_start3A_22 : memref<16xf32, #tpu.memory_space<hbm>>) target(%arg10 : memref<16xf32, #tpu.memory_space<vmem>>) target_semaphore(%run_scoped3A : memref<!tpu.dma_semaphore, #tpu.memory_space<semaphore_mem>>)
      %dma_wait3A_23 = tpu.memref_slice %arg6[%mul3A_2] : memref<512xf32, #tpu.memory_space<hbm>> -> memref<16xf32, #tpu.memory_space<hbm>>
      %dma_wait3A_24 = tpu.memref_slice %arg6[%mul3A_2] : memref<512xf32, #tpu.memory_space<hbm>> -> memref<16xf32, #tpu.memory_space<hbm>>
      tpu.wait_dma2 semaphore(%run_scoped3A : memref<!tpu.dma_semaphore, #tpu.memory_space<semaphore_mem>>) src(%dma_wait3A_24 : memref<16xf32, #tpu.memory_space<hbm>>) dst(%arg10 : memref<16xf32, #tpu.memory_space<vmem>>)
      tpu.yield
    }) : () -> ()
    %dma_start3A = arith.constant 0 : i32
    %dma_start3A_3 = tpu.memref_slice %arg2[%dma_start3A] : memref<262144xf32, #tpu.memory_space<hbm>> -> memref<262144xf32, #tpu.memory_space<hbm>>
    tpu.enqueue_indirect_dma source(%dma_start3A_3 : memref<262144xf32, #tpu.memory_space<hbm>>) target(%arg11 : memref<16xf32, #tpu.memory_space<vmem>>) offsets(%arg8 : memref<16xi32, #tpu.memory_space<vmem>>) semaphore(%arg14 : memref<!tpu.dma_semaphore, #tpu.memory_space<semaphore_mem>>)
    %dma_wait3A = arith.constant 0 : i32
    %dma_wait3A_4 = tpu.memref_slice %arg2[%dma_wait3A] : memref<262144xf32, #tpu.memory_space<hbm>> -> memref<262144xf32, #tpu.memory_space<hbm>>
    tpu.wait_indirect_dma semaphore(%arg14 : memref<!tpu.dma_semaphore, #tpu.memory_space<semaphore_mem>>) src(%dma_wait3A_4 : memref<262144xf32, #tpu.memory_space<hbm>>) dst(%arg11 : memref<16xf32, #tpu.memory_space<vmem>>)
    %dma_start3A_5 = arith.constant 0 : i32
    %dma_start3A_6 = tpu.memref_slice %arg3[%dma_start3A_5] : memref<512xf32, #tpu.memory_space<hbm>> -> memref<512xf32, #tpu.memory_space<hbm>>
    tpu.enqueue_indirect_dma source(%dma_start3A_6 : memref<512xf32, #tpu.memory_space<hbm>>) target(%arg12 : memref<16xf32, #tpu.memory_space<vmem>>) offsets(%arg9 : memref<16xi32, #tpu.memory_space<vmem>>) semaphore(%arg14 : memref<!tpu.dma_semaphore, #tpu.memory_space<semaphore_mem>>)
    %dma_wait3A_7 = arith.constant 0 : i32
    %dma_wait3A_8 = tpu.memref_slice %arg3[%dma_wait3A_7] : memref<512xf32, #tpu.memory_space<hbm>> -> memref<512xf32, #tpu.memory_space<hbm>>
    tpu.wait_indirect_dma semaphore(%arg14 : memref<!tpu.dma_semaphore, #tpu.memory_space<semaphore_mem>>) src(%dma_wait3A_8 : memref<512xf32, #tpu.memory_space<hbm>>) dst(%arg12 : memref<16xf32, #tpu.memory_space<vmem>>)
    %get3A = arith.constant 0 : index
    %get3A_9 = tpu.vector_load %arg12[%get3A] {strides = array<i32>} : memref<16xf32, #tpu.memory_space<vmem>>, vector<16xf32>,
    %get3A_10 = vector.shape_cast %get3A_9 : vector<16xf32> to vector<16xf32>
    %get3A_11 = arith.constant 0 : index
    %get3A_12 = tpu.vector_load %arg11[%get3A_11] {strides = array<i32>} : memref<16xf32, #tpu.memory_space<vmem>>, vector<16xf32>,
    %get3A_13 = vector.shape_cast %get3A_12 : vector<16xf32> to vector<16xf32>
    %sub3A = arith.subf %get3A_10, %get3A_13 : vector<16xf32>
    %get3A_14 = arith.constant 0 : index
    %get3A_15 = tpu.vector_load %arg10[%get3A_14] {strides = array<i32>} : memref<16xf32, #tpu.memory_space<vmem>>, vector<16xf32>,
    %get3A_16 = vector.shape_cast %get3A_15 : vector<16xf32> to vector<16xf32>
    %mul3A_17 = arith.mulf %sub3A, %get3A_16 : vector<16xf32>
    %swap3A = arith.constant 0 : index
    %swap3A_18 = tpu.vector_load %arg13[%swap3A] {strides = array<i32>} : memref<16xf32, #tpu.memory_space<vmem>>, vector<16xf32>,
    %swap3A_19 = vector.shape_cast %swap3A_18 : vector<16xf32> to vector<16xf32>
    %swap3A_20 = vector.shape_cast %mul3A_17 : vector<16xf32> to vector<16xf32>
    tpu.vector_store %arg13[%swap3A], %swap3A_20 {strides = array<i32>} : memref<16xf32, #tpu.memory_space<vmem>>, vector<16xf32>,
    "tpu.region"() ({
      %run_scoped3A = tpu.sem_alloc : memref<!tpu.dma_semaphore, #tpu.memory_space<semaphore_mem>>
      %dma_start3A_21 = arith.constant 0 : i32
      %dma_start3A_22 = tpu.memref_slice %arg7[%add3A, %dma_start3A_21] : memref<32x16xf32, #tpu.memory_space<hbm>> -> memref<1x16xf32, #tpu.memory_space<hbm>>
      %dma_start3A_23 = tpu.memref_squeeze %dma_start3A_22 : memref<1x16xf32, #tpu.memory_space<hbm>> -> memref<16xf32, #tpu.memory_space<hbm>>
      %dma_start3A_24 = arith.constant 0 : i32
      %dma_start3A_25 = tpu.memref_slice %arg7[%add3A, %dma_start3A_24] : memref<32x16xf32, #tpu.memory_space<hbm>> -> memref<1x16xf32, #tpu.memory_space<hbm>>
      %dma_start3A_26 = tpu.memref_squeeze %dma_start3A_25 : memref<1x16xf32, #tpu.memory_space<hbm>> -> memref<16xf32, #tpu.memory_space<hbm>>
      tpu.enqueue_dma source(%arg13 : memref<16xf32, #tpu.memory_space<vmem>>) target(%dma_start3A_26 : memref<16xf32, #tpu.memory_space<hbm>>) target_semaphore(%run_scoped3A : memref<!tpu.dma_semaphore, #tpu.memory_space<semaphore_mem>>)
      %dma_wait3A_27 = arith.constant 0 : i32
      %dma_wait3A_28 = tpu.memref_slice %arg7[%add3A, %dma_wait3A_27] : memref<32x16xf32, #tpu.memory_space<hbm>> -> memref<1x16xf32, #tpu.memory_space<hbm>>
      %dma_wait3A_29 = tpu.memref_squeeze %dma_wait3A_28 : memref<1x16xf32, #tpu.memory_space<hbm>> -> memref<16xf32, #tpu.memory_space<hbm>>
      %dma_wait3A_30 = arith.constant 0 : i32
      %dma_wait3A_31 = tpu.memref_slice %arg7[%add3A, %dma_wait3A_30] : memref<32x16xf32, #tpu.memory_space<hbm>> -> memref<1x16xf32, #tpu.memory_space<hbm>>
      %dma_wait3A_32 = tpu.memref_squeeze %dma_wait3A_31 : memref<1x16xf32, #tpu.memory_space<hbm>> -> memref<16xf32, #tpu.memory_space<hbm>>
      tpu.wait_dma2 semaphore(%run_scoped3A : memref<!tpu.dma_semaphore, #tpu.memory_space<semaphore_mem>>) src(%arg13 : memref<16xf32, #tpu.memory_space<vmem>>) dst(%dma_wait3A_32 : memref<16xf32, #tpu.memory_space<hbm>>)
      tpu.yield
    }) : () -> ()
    return
  }
}

module attributes {stable_mosaic.version = 14 : i64} {
  func.func @_lstm_layer_body(%arg0: memref<512x256xf32, #tpu.memory_space<vmem>>, %arg1: memref<256x1024xbf16, #tpu.memory_space<vmem>>, %arg2: memref<256x1024xbf16, #tpu.memory_space<vmem>>, %arg3: memref<1x1024xf32, #tpu.memory_space<vmem>>, %arg4: memref<256x1024xbf16, #tpu.memory_space<vmem>>, %arg5: memref<256x1024xbf16, #tpu.memory_space<vmem>>, %arg6: memref<1x1024xf32, #tpu.memory_space<vmem>>, %arg7: memref<512x512xf32, #tpu.memory_space<vmem>>, %arg8: memref<512x1024xf32, #tpu.memory_space<vmem>>, %arg9: memref<512x1024xf32, #tpu.memory_space<vmem>>) attributes {dimension_semantics = [], scalar_prefetch = 0 : i64, scratch_operands = 2 : i64, tpu.core_type = #tpu.core_type<tc>} {
    %get3A = arith.constant 0 : index
    %get3A_0 = arith.constant 0 : index
    %get3A_1 = vector.load %arg0[%get3A, %get3A_0] : memref<512x256xf32, #tpu.memory_space<vmem>>, vector<512x256xf32>
    %convert_element_type3A = arith.truncf %get3A_1 : vector<512x256xf32> to vector<512x256xbf16>
    %get3A_2 = arith.constant 0 : index
    %get3A_3 = arith.constant 0 : index
    %get3A_4 = vector.load %arg1[%get3A_2, %get3A_3] : memref<256x1024xbf16, #tpu.memory_space<vmem>>, vector<256x1024xbf16>
    %dot_general3A = arith.constant dense<0.000000e+00> : vector<512x1024xf32>
    %dot_general3A_5 = tpu.matmul %convert_element_type3A, %get3A_4, %dot_general3A {dimension_numbers = #tpu.dot_dimension_numbers<[1], [0], [0], [1], [0, 0, 1, 1], [], []>, transpose_lhs_hint = false} : vector<512x256xbf16>, vector<256x1024xbf16>, vector<512x1024xf32> -> vector<512x1024xf32>
    %get3A_6 = arith.constant 0 : index
    %get3A_7 = arith.constant 0 : index
    %get3A_8 = vector.load %arg3[%get3A_6, %get3A_7] : memref<1x1024xf32, #tpu.memory_space<vmem>>, vector<1x1024xf32>
    %add3A = vector.broadcast %get3A_8 : vector<1x1024xf32> to vector<512x1024xf32>
    %add3A_9 = arith.addf %dot_general3A_5, %add3A : vector<512x1024xf32>
    %swap3A = arith.constant 0 : index
    %swap3A_10 = arith.constant 0 : index
    %swap3A_11 = vector.load %arg8[%swap3A, %swap3A_10] : memref<512x1024xf32, #tpu.memory_space<vmem>>, vector<512x1024xf32>
    tpu.vector_store %arg8[%swap3A, %swap3A_10], %add3A_9 {strides = array<i32>} : memref<512x1024xf32, #tpu.memory_space<vmem>>, vector<512x1024xf32>,
    %get3A_12 = arith.constant 0 : index
    %get3A_13 = arith.constant 0 : index
    %get3A_14 = vector.load %arg4[%get3A_12, %get3A_13] : memref<256x1024xbf16, #tpu.memory_space<vmem>>, vector<256x1024xbf16>
    %dot_general3A_15 = arith.constant dense<0.000000e+00> : vector<512x1024xf32>
    %dot_general3A_16 = tpu.matmul %convert_element_type3A, %get3A_14, %dot_general3A_15 {dimension_numbers = #tpu.dot_dimension_numbers<[1], [0], [0], [1], [0, 0, 1, 1], [], []>, transpose_lhs_hint = false} : vector<512x256xbf16>, vector<256x1024xbf16>, vector<512x1024xf32> -> vector<512x1024xf32>
    %get3A_17 = arith.constant 0 : index
    %get3A_18 = arith.constant 0 : index
    %get3A_19 = vector.load %arg6[%get3A_17, %get3A_18] : memref<1x1024xf32, #tpu.memory_space<vmem>>, vector<1x1024xf32>
    %add3A_20 = vector.broadcast %get3A_19 : vector<1x1024xf32> to vector<512x1024xf32>
    %add3A_21 = arith.addf %dot_general3A_16, %add3A_20 : vector<512x1024xf32>
    %swap3A_22 = arith.constant 0 : index
    %swap3A_23 = arith.constant 0 : index
    %swap3A_24 = vector.load %arg9[%swap3A_22, %swap3A_23] : memref<512x1024xf32, #tpu.memory_space<vmem>>, vector<512x1024xf32>
    tpu.vector_store %arg9[%swap3A_22, %swap3A_23], %add3A_21 {strides = array<i32>} : memref<512x1024xf32, #tpu.memory_space<vmem>>, vector<512x1024xf32>,
    %broadcast_in_dim3A = arith.constant 0.000000e+00 : f32
    %broadcast_in_dim3A_25 = vector.broadcast %broadcast_in_dim3A : f32 to vector<1x256xf32>
    %scan3A = arith.constant 0 : i32
    %scan3A_26 = arith.constant 64 : i32
    %scan3A_27 = arith.addi %scan3A, %scan3A_26 : i32
    %scan3A_28 = arith.constant 1 : i32
    %scan3A_29:4 = scf.for %scan3A_31 = %scan3A to %scan3A_27 step %scan3A_28 iter_args(%scan3A_32 = %broadcast_in_dim3A_25, %scan3A_33 = %broadcast_in_dim3A_25, %scan3A_34 = %broadcast_in_dim3A_25, %scan3A_35 = %broadcast_in_dim3A_25) -> (vector<1x256xf32>, vector<1x256xf32>, vector<1x256xf32>, vector<1x256xf32>)  : i32 {
      %mul3A = arith.constant 8 : i32
      %mul3A_36 = arith.muli %scan3A_31, %mul3A : i32
      %sub3A = arith.constant 504 : i32
      %sub3A_37 = arith.subi %sub3A, %mul3A_36 : i32
      %get3A_38 = arith.index_cast %mul3A_36 : i32 to index
      %get3A_39 = arith.constant 0 : index
      %get3A_40 = vector.load %arg8[%get3A_38, %get3A_39] : memref<512x1024xf32, #tpu.memory_space<vmem>>, vector<8x1024xf32>
      %get3A_41 = arith.index_cast %sub3A_37 : i32 to index
      %get3A_42 = arith.constant 0 : index
      %get3A_43 = vector.load %arg9[%get3A_41, %get3A_42] : memref<512x1024xf32, #tpu.memory_space<vmem>>, vector<8x1024xf32>
      %slice3A = vector.extract_strided_slice %get3A_40 {offsets = [0, 0], sizes = [1, 1024], strides = [1, 1]} : vector<8x1024xf32> to vector<1x1024xf32>
      %convert_element_type3A_44 = arith.truncf %scan3A_32 : vector<1x256xf32> to vector<1x256xbf16>
      %slice3A_45 = vector.extract_strided_slice %convert_element_type3A_44 {offsets = [0, 0], sizes = [1, 128], strides = [1, 1]} : vector<1x256xbf16> to vector<1x128xbf16>
      %get3A_46 = arith.constant 0 : index
      %get3A_47 = arith.constant 0 : index
      %get3A_48 = vector.load %arg2[%get3A_46, %get3A_47] : memref<256x1024xbf16, #tpu.memory_space<vmem>>, vector<128x1024xbf16>
      %dot_general3A_49 = arith.constant dense<0.000000e+00> : vector<1x1024xf32>
      %dot_general3A_50 = tpu.matmul %slice3A_45, %get3A_48, %dot_general3A_49 {dimension_numbers = #tpu.dot_dimension_numbers<[1], [0], [0], [1], [0, 0, 1, 1], [], []>, transpose_lhs_hint = false} : vector<1x128xbf16>, vector<128x1024xbf16>, vector<1x1024xf32> -> vector<1x1024xf32>
      %add3A_51 = arith.addf %slice3A, %dot_general3A_50 : vector<1x1024xf32>
      %slice3A_52 = vector.extract_strided_slice %convert_element_type3A_44 {offsets = [0, 128], sizes = [1, 128], strides = [1, 1]} : vector<1x256xbf16> to vector<1x128xbf16>
      %get3A_53 = arith.constant 128 : index
      %get3A_54 = arith.constant 0 : index
      %get3A_55 = vector.load %arg2[%get3A_53, %get3A_54] : memref<256x1024xbf16, #tpu.memory_space<vmem>>, vector<128x1024xbf16>
      %dot_general3A_56 = arith.constant dense<0.000000e+00> : vector<1x1024xf32>
      %dot_general3A_57 = tpu.matmul %slice3A_52, %get3A_55, %dot_general3A_56 {dimension_numbers = #tpu.dot_dimension_numbers<[1], [0], [0], [1], [0, 0, 1, 1], [], []>, transpose_lhs_hint = false} : vector<1x128xbf16>, vector<128x1024xbf16>, vector<1x1024xf32> -> vector<1x1024xf32>
      %add3A_58 = arith.addf %add3A_51, %dot_general3A_57 : vector<1x1024xf32>
      %slice3A_59 = vector.extract_strided_slice %get3A_43 {offsets = [7, 0], sizes = [1, 1024], strides = [1, 1]} : vector<8x1024xf32> to vector<1x1024xf32>
      %convert_element_type3A_60 = arith.truncf %scan3A_34 : vector<1x256xf32> to vector<1x256xbf16>
      %slice3A_61 = vector.extract_strided_slice %convert_element_type3A_60 {offsets = [0, 0], sizes = [1, 128], strides = [1, 1]} : vector<1x256xbf16> to vector<1x128xbf16>
      %get3A_62 = arith.constant 0 : index
      %get3A_63 = arith.constant 0 : index
      %get3A_64 = vector.load %arg5[%get3A_62, %get3A_63] : memref<256x1024xbf16, #tpu.memory_space<vmem>>, vector<128x1024xbf16>
      %dot_general3A_65 = arith.constant dense<0.000000e+00> : vector<1x1024xf32>
      %dot_general3A_66 = tpu.matmul %slice3A_61, %get3A_64, %dot_general3A_65 {dimension_numbers = #tpu.dot_dimension_numbers<[1], [0], [0], [1], [0, 0, 1, 1], [], []>, transpose_lhs_hint = false} : vector<1x128xbf16>, vector<128x1024xbf16>, vector<1x1024xf32> -> vector<1x1024xf32>
      %add3A_67 = arith.addf %slice3A_59, %dot_general3A_66 : vector<1x1024xf32>
      %slice3A_68 = vector.extract_strided_slice %convert_element_type3A_60 {offsets = [0, 128], sizes = [1, 128], strides = [1, 1]} : vector<1x256xbf16> to vector<1x128xbf16>
      %get3A_69 = arith.constant 128 : index
      %get3A_70 = arith.constant 0 : index
      %get3A_71 = vector.load %arg5[%get3A_69, %get3A_70] : memref<256x1024xbf16, #tpu.memory_space<vmem>>, vector<128x1024xbf16>
      %dot_general3A_72 = arith.constant dense<0.000000e+00> : vector<1x1024xf32>
      %dot_general3A_73 = tpu.matmul %slice3A_68, %get3A_71, %dot_general3A_72 {dimension_numbers = #tpu.dot_dimension_numbers<[1], [0], [0], [1], [0, 0, 1, 1], [], []>, transpose_lhs_hint = false} : vector<1x128xbf16>, vector<128x1024xbf16>, vector<1x1024xf32> -> vector<1x1024xf32>
      %add3A_74 = arith.addf %add3A_67, %dot_general3A_73 : vector<1x1024xf32>
      %slice3A_75 = vector.extract_strided_slice %add3A_58 {offsets = [0, 0], sizes = [1, 256], strides = [1, 1]} : vector<1x1024xf32> to vector<1x256xf32>
      %mul3A_76 = arith.constant 5.000000e-01 : f32
      %mul3A_77 = vector.broadcast %mul3A_76 : f32 to vector<1x256xf32>
      %mul3A_78 = arith.mulf %mul3A_77, %slice3A_75 : vector<1x256xf32>
      %tanh3A = math.tanh %mul3A_78 : vector<1x256xf32>
      %mul3A_79 = arith.constant 5.000000e-01 : f32
      %mul3A_80 = vector.broadcast %mul3A_79 : f32 to vector<1x256xf32>
      %mul3A_81 = arith.mulf %mul3A_80, %tanh3A : vector<1x256xf32>
      %add3A_82 = arith.constant 5.000000e-01 : f32
      %add3A_83 = vector.broadcast %add3A_82 : f32 to vector<1x256xf32>
      %add3A_84 = arith.addf %mul3A_81, %add3A_83 : vector<1x256xf32>
      %slice3A_85 = vector.extract_strided_slice %add3A_58 {offsets = [0, 256], sizes = [1, 256], strides = [1, 1]} : vector<1x1024xf32> to vector<1x256xf32>
      %mul3A_86 = arith.constant 5.000000e-01 : f32
      %mul3A_87 = vector.broadcast %mul3A_86 : f32 to vector<1x256xf32>
      %mul3A_88 = arith.mulf %mul3A_87, %slice3A_85 : vector<1x256xf32>
      %tanh3A_89 = math.tanh %mul3A_88 : vector<1x256xf32>
      %mul3A_90 = arith.constant 5.000000e-01 : f32
      %mul3A_91 = vector.broadcast %mul3A_90 : f32 to vector<1x256xf32>
      %mul3A_92 = arith.mulf %mul3A_91, %tanh3A_89 : vector<1x256xf32>
      %add3A_93 = arith.constant 5.000000e-01 : f32
      %add3A_94 = vector.broadcast %add3A_93 : f32 to vector<1x256xf32>
      %add3A_95 = arith.addf %mul3A_92, %add3A_94 : vector<1x256xf32>
      %slice3A_96 = vector.extract_strided_slice %add3A_58 {offsets = [0, 512], sizes = [1, 256], strides = [1, 1]} : vector<1x1024xf32> to vector<1x256xf32>
      %tanh3A_97 = math.tanh %slice3A_96 : vector<1x256xf32>
      %slice3A_98 = vector.extract_strided_slice %add3A_58 {offsets = [0, 768], sizes = [1, 256], strides = [1, 1]} : vector<1x1024xf32> to vector<1x256xf32>
      %mul3A_99 = arith.constant 5.000000e-01 : f32
      %mul3A_100 = vector.broadcast %mul3A_99 : f32 to vector<1x256xf32>
      %mul3A_101 = arith.mulf %mul3A_100, %slice3A_98 : vector<1x256xf32>
      %tanh3A_102 = math.tanh %mul3A_101 : vector<1x256xf32>
      %mul3A_103 = arith.constant 5.000000e-01 : f32
      %mul3A_104 = vector.broadcast %mul3A_103 : f32 to vector<1x256xf32>
      %mul3A_105 = arith.mulf %mul3A_104, %tanh3A_102 : vector<1x256xf32>
      %add3A_106 = arith.constant 5.000000e-01 : f32
      %add3A_107 = vector.broadcast %add3A_106 : f32 to vector<1x256xf32>
      %add3A_108 = arith.addf %mul3A_105, %add3A_107 : vector<1x256xf32>
      %mul3A_109 = arith.mulf %add3A_95, %scan3A_33 : vector<1x256xf32>
      %mul3A_110 = arith.mulf %add3A_84, %tanh3A_97 : vector<1x256xf32>
      %add3A_111 = arith.addf %mul3A_109, %mul3A_110 : vector<1x256xf32>
      %tanh3A_112 = math.tanh %add3A_111 : vector<1x256xf32>
      %mul3A_113 = arith.mulf %add3A_108, %tanh3A_112 : vector<1x256xf32>
      %slice3A_114 = vector.extract_strided_slice %add3A_74 {offsets = [0, 0], sizes = [1, 256], strides = [1, 1]} : vector<1x1024xf32> to vector<1x256xf32>
      %mul3A_115 = arith.constant 5.000000e-01 : f32
      %mul3A_116 = vector.broadcast %mul3A_115 : f32 to vector<1x256xf32>
      %mul3A_117 = arith.mulf %mul3A_116, %slice3A_114 : vector<1x256xf32>
      %tanh3A_118 = math.tanh %mul3A_117 : vector<1x256xf32>
      %mul3A_119 = arith.constant 5.000000e-01 : f32
      %mul3A_120 = vector.broadcast %mul3A_119 : f32 to vector<1x256xf32>
      %mul3A_121 = arith.mulf %mul3A_120, %tanh3A_118 : vector<1x256xf32>
      %add3A_122 = arith.constant 5.000000e-01 : f32
      %add3A_123 = vector.broadcast %add3A_122 : f32 to vector<1x256xf32>
      %add3A_124 = arith.addf %mul3A_121, %add3A_123 : vector<1x256xf32>
      %slice3A_125 = vector.extract_strided_slice %add3A_74 {offsets = [0, 256], sizes = [1, 256], strides = [1, 1]} : vector<1x1024xf32> to vector<1x256xf32>
      %mul3A_126 = arith.constant 5.000000e-01 : f32
      %mul3A_127 = vector.broadcast %mul3A_126 : f32 to vector<1x256xf32>
      %mul3A_128 = arith.mulf %mul3A_127, %slice3A_125 : vector<1x256xf32>
      %tanh3A_129 = math.tanh %mul3A_128 : vector<1x256xf32>
      %mul3A_130 = arith.constant 5.000000e-01 : f32
      %mul3A_131 = vector.broadcast %mul3A_130 : f32 to vector<1x256xf32>
      %mul3A_132 = arith.mulf %mul3A_131, %tanh3A_129 : vector<1x256xf32>
      %add3A_133 = arith.constant 5.000000e-01 : f32
      %add3A_134 = vector.broadcast %add3A_133 : f32 to vector<1x256xf32>
      %add3A_135 = arith.addf %mul3A_132, %add3A_134 : vector<1x256xf32>
      %slice3A_136 = vector.extract_strided_slice %add3A_74 {offsets = [0, 512], sizes = [1, 256], strides = [1, 1]} : vector<1x1024xf32> to vector<1x256xf32>
      %tanh3A_137 = math.tanh %slice3A_136 : vector<1x256xf32>
      %slice3A_138 = vector.extract_strided_slice %add3A_74 {offsets = [0, 768], sizes = [1, 256], strides = [1, 1]} : vector<1x1024xf32> to vector<1x256xf32>
      %mul3A_139 = arith.constant 5.000000e-01 : f32
      %mul3A_140 = vector.broadcast %mul3A_139 : f32 to vector<1x256xf32>
      %mul3A_141 = arith.mulf %mul3A_140, %slice3A_138 : vector<1x256xf32>
      %tanh3A_142 = math.tanh %mul3A_141 : vector<1x256xf32>
      %mul3A_143 = arith.constant 5.000000e-01 : f32
      %mul3A_144 = vector.broadcast %mul3A_143 : f32 to vector<1x256xf32>
      %mul3A_145 = arith.mulf %mul3A_144, %tanh3A_142 : vector<1x256xf32>
      %add3A_146 = arith.constant 5.000000e-01 : f32
      %add3A_147 = vector.broadcast %add3A_146 : f32 to vector<1x256xf32>
      %add3A_148 = arith.addf %mul3A_145, %add3A_147 : vector<1x256xf32>
      %mul3A_149 = arith.mulf %add3A_135, %scan3A_35 : vector<1x256xf32>
      %mul3A_150 = arith.mulf %add3A_124, %tanh3A_137 : vector<1x256xf32>
      %add3A_151 = arith.addf %mul3A_149, %mul3A_150 : vector<1x256xf32>
      %tanh3A_152 = math.tanh %add3A_151 : vector<1x256xf32>
      %mul3A_153 = arith.mulf %add3A_148, %tanh3A_152 : vector<1x256xf32>
      %slice3A_154 = vector.extract_strided_slice %get3A_40 {offsets = [1, 0], sizes = [1, 1024], strides = [1, 1]} : vector<8x1024xf32> to vector<1x1024xf32>
      %convert_element_type3A_155 = arith.truncf %mul3A_113 : vector<1x256xf32> to vector<1x256xbf16>
      %slice3A_156 = vector.extract_strided_slice %convert_element_type3A_155 {offsets = [0, 0], sizes = [1, 128], strides = [1, 1]} : vector<1x256xbf16> to vector<1x128xbf16>
      %get3A_157 = arith.constant 0 : index
      %get3A_158 = arith.constant 0 : index
      %get3A_159 = vector.load %arg2[%get3A_157, %get3A_158] : memref<256x1024xbf16, #tpu.memory_space<vmem>>, vector<128x1024xbf16>
      %dot_general3A_160 = arith.constant dense<0.000000e+00> : vector<1x1024xf32>
      %dot_general3A_161 = tpu.matmul %slice3A_156, %get3A_159, %dot_general3A_160 {dimension_numbers = #tpu.dot_dimension_numbers<[1], [0], [0], [1], [0, 0, 1, 1], [], []>, transpose_lhs_hint = false} : vector<1x128xbf16>, vector<128x1024xbf16>, vector<1x1024xf32> -> vector<1x1024xf32>
      %add3A_162 = arith.addf %slice3A_154, %dot_general3A_161 : vector<1x1024xf32>
      %slice3A_163 = vector.extract_strided_slice %convert_element_type3A_155 {offsets = [0, 128], sizes = [1, 128], strides = [1, 1]} : vector<1x256xbf16> to vector<1x128xbf16>
      %get3A_164 = arith.constant 128 : index
      %get3A_165 = arith.constant 0 : index
      %get3A_166 = vector.load %arg2[%get3A_164, %get3A_165] : memref<256x1024xbf16, #tpu.memory_space<vmem>>, vector<128x1024xbf16>
      %dot_general3A_167 = arith.constant dense<0.000000e+00> : vector<1x1024xf32>
      %dot_general3A_168 = tpu.matmul %slice3A_163, %get3A_166, %dot_general3A_167 {dimension_numbers = #tpu.dot_dimension_numbers<[1], [0], [0], [1], [0, 0, 1, 1], [], []>, transpose_lhs_hint = false} : vector<1x128xbf16>, vector<128x1024xbf16>, vector<1x1024xf32> -> vector<1x1024xf32>
      %add3A_169 = arith.addf %add3A_162, %dot_general3A_168 : vector<1x1024xf32>
      %slice3A_170 = vector.extract_strided_slice %get3A_43 {offsets = [6, 0], sizes = [1, 1024], strides = [1, 1]} : vector<8x1024xf32> to vector<1x1024xf32>
      %convert_element_type3A_171 = arith.truncf %mul3A_153 : vector<1x256xf32> to vector<1x256xbf16>
      %slice3A_172 = vector.extract_strided_slice %convert_element_type3A_171 {offsets = [0, 0], sizes = [1, 128], strides = [1, 1]} : vector<1x256xbf16> to vector<1x128xbf16>
      %get3A_173 = arith.constant 0 : index
      %get3A_174 = arith.constant 0 : index
      %get3A_175 = vector.load %arg5[%get3A_173, %get3A_174] : memref<256x1024xbf16, #tpu.memory_space<vmem>>, vector<128x1024xbf16>
      %dot_general3A_176 = arith.constant dense<0.000000e+00> : vector<1x1024xf32>
      %dot_general3A_177 = tpu.matmul %slice3A_172, %get3A_175, %dot_general3A_176 {dimension_numbers = #tpu.dot_dimension_numbers<[1], [0], [0], [1], [0, 0, 1, 1], [], []>, transpose_lhs_hint = false} : vector<1x128xbf16>, vector<128x1024xbf16>, vector<1x1024xf32> -> vector<1x1024xf32>
      %add3A_178 = arith.addf %slice3A_170, %dot_general3A_177 : vector<1x1024xf32>
      %slice3A_179 = vector.extract_strided_slice %convert_element_type3A_171 {offsets = [0, 128], sizes = [1, 128], strides = [1, 1]} : vector<1x256xbf16> to vector<1x128xbf16>
      %get3A_180 = arith.constant 128 : index
      %get3A_181 = arith.constant 0 : index
      %get3A_182 = vector.load %arg5[%get3A_180, %get3A_181] : memref<256x1024xbf16, #tpu.memory_space<vmem>>, vector<128x1024xbf16>
      %dot_general3A_183 = arith.constant dense<0.000000e+00> : vector<1x1024xf32>
      %dot_general3A_184 = tpu.matmul %slice3A_179, %get3A_182, %dot_general3A_183 {dimension_numbers = #tpu.dot_dimension_numbers<[1], [0], [0], [1], [0, 0, 1, 1], [], []>, transpose_lhs_hint = false} : vector<1x128xbf16>, vector<128x1024xbf16>, vector<1x1024xf32> -> vector<1x1024xf32>
      %add3A_185 = arith.addf %add3A_178, %dot_general3A_184 : vector<1x1024xf32>
      %slice3A_186 = vector.extract_strided_slice %add3A_169 {offsets = [0, 0], sizes = [1, 256], strides = [1, 1]} : vector<1x1024xf32> to vector<1x256xf32>
      %mul3A_187 = arith.constant 5.000000e-01 : f32
      %mul3A_188 = vector.broadcast %mul3A_187 : f32 to vector<1x256xf32>
      %mul3A_189 = arith.mulf %mul3A_188, %slice3A_186 : vector<1x256xf32>
      %tanh3A_190 = math.tanh %mul3A_189 : vector<1x256xf32>
      %mul3A_191 = arith.constant 5.000000e-01 : f32
      %mul3A_192 = vector.broadcast %mul3A_191 : f32 to vector<1x256xf32>
      %mul3A_193 = arith.mulf %mul3A_192, %tanh3A_190 : vector<1x256xf32>
      %add3A_194 = arith.constant 5.000000e-01 : f32
      %add3A_195 = vector.broadcast %add3A_194 : f32 to vector<1x256xf32>
      %add3A_196 = arith.addf %mul3A_193, %add3A_195 : vector<1x256xf32>
      %slice3A_197 = vector.extract_strided_slice %add3A_169 {offsets = [0, 256], sizes = [1, 256], strides = [1, 1]} : vector<1x1024xf32> to vector<1x256xf32>
      %mul3A_198 = arith.constant 5.000000e-01 : f32
      %mul3A_199 = vector.broadcast %mul3A_198 : f32 to vector<1x256xf32>
      %mul3A_200 = arith.mulf %mul3A_199, %slice3A_197 : vector<1x256xf32>
      %tanh3A_201 = math.tanh %mul3A_200 : vector<1x256xf32>
      %mul3A_202 = arith.constant 5.000000e-01 : f32
      %mul3A_203 = vector.broadcast %mul3A_202 : f32 to vector<1x256xf32>
      %mul3A_204 = arith.mulf %mul3A_203, %tanh3A_201 : vector<1x256xf32>
      %add3A_205 = arith.constant 5.000000e-01 : f32
      %add3A_206 = vector.broadcast %add3A_205 : f32 to vector<1x256xf32>
      %add3A_207 = arith.addf %mul3A_204, %add3A_206 : vector<1x256xf32>
      %slice3A_208 = vector.extract_strided_slice %add3A_169 {offsets = [0, 512], sizes = [1, 256], strides = [1, 1]} : vector<1x1024xf32> to vector<1x256xf32>
      %tanh3A_209 = math.tanh %slice3A_208 : vector<1x256xf32>
      %slice3A_210 = vector.extract_strided_slice %add3A_169 {offsets = [0, 768], sizes = [1, 256], strides = [1, 1]} : vector<1x1024xf32> to vector<1x256xf32>
      %mul3A_211 = arith.constant 5.000000e-01 : f32
      %mul3A_212 = vector.broadcast %mul3A_211 : f32 to vector<1x256xf32>
      %mul3A_213 = arith.mulf %mul3A_212, %slice3A_210 : vector<1x256xf32>
      %tanh3A_214 = math.tanh %mul3A_213 : vector<1x256xf32>
      %mul3A_215 = arith.constant 5.000000e-01 : f32
      %mul3A_216 = vector.broadcast %mul3A_215 : f32 to vector<1x256xf32>
      %mul3A_217 = arith.mulf %mul3A_216, %tanh3A_214 : vector<1x256xf32>
      %add3A_218 = arith.constant 5.000000e-01 : f32
      %add3A_219 = vector.broadcast %add3A_218 : f32 to vector<1x256xf32>
      %add3A_220 = arith.addf %mul3A_217, %add3A_219 : vector<1x256xf32>
      %mul3A_221 = arith.mulf %add3A_207, %add3A_111 : vector<1x256xf32>
      %mul3A_222 = arith.mulf %add3A_196, %tanh3A_209 : vector<1x256xf32>
      %add3A_223 = arith.addf %mul3A_221, %mul3A_222 : vector<1x256xf32>
      %tanh3A_224 = math.tanh %add3A_223 : vector<1x256xf32>
      %mul3A_225 = arith.mulf %add3A_220, %tanh3A_224 : vector<1x256xf32>
      %slice3A_226 = vector.extract_strided_slice %add3A_185 {offsets = [0, 0], sizes = [1, 256], strides = [1, 1]} : vector<1x1024xf32> to vector<1x256xf32>
      %mul3A_227 = arith.constant 5.000000e-01 : f32
      %mul3A_228 = vector.broadcast %mul3A_227 : f32 to vector<1x256xf32>
      %mul3A_229 = arith.mulf %mul3A_228, %slice3A_226 : vector<1x256xf32>
      %tanh3A_230 = math.tanh %mul3A_229 : vector<1x256xf32>
      %mul3A_231 = arith.constant 5.000000e-01 : f32
      %mul3A_232 = vector.broadcast %mul3A_231 : f32 to vector<1x256xf32>
      %mul3A_233 = arith.mulf %mul3A_232, %tanh3A_230 : vector<1x256xf32>
      %add3A_234 = arith.constant 5.000000e-01 : f32
      %add3A_235 = vector.broadcast %add3A_234 : f32 to vector<1x256xf32>
      %add3A_236 = arith.addf %mul3A_233, %add3A_235 : vector<1x256xf32>
      %slice3A_237 = vector.extract_strided_slice %add3A_185 {offsets = [0, 256], sizes = [1, 256], strides = [1, 1]} : vector<1x1024xf32> to vector<1x256xf32>
      %mul3A_238 = arith.constant 5.000000e-01 : f32
      %mul3A_239 = vector.broadcast %mul3A_238 : f32 to vector<1x256xf32>
      %mul3A_240 = arith.mulf %mul3A_239, %slice3A_237 : vector<1x256xf32>
      %tanh3A_241 = math.tanh %mul3A_240 : vector<1x256xf32>
      %mul3A_242 = arith.constant 5.000000e-01 : f32
      %mul3A_243 = vector.broadcast %mul3A_242 : f32 to vector<1x256xf32>
      %mul3A_244 = arith.mulf %mul3A_243, %tanh3A_241 : vector<1x256xf32>
      %add3A_245 = arith.constant 5.000000e-01 : f32
      %add3A_246 = vector.broadcast %add3A_245 : f32 to vector<1x256xf32>
      %add3A_247 = arith.addf %mul3A_244, %add3A_246 : vector<1x256xf32>
      %slice3A_248 = vector.extract_strided_slice %add3A_185 {offsets = [0, 512], sizes = [1, 256], strides = [1, 1]} : vector<1x1024xf32> to vector<1x256xf32>
      %tanh3A_249 = math.tanh %slice3A_248 : vector<1x256xf32>
      %slice3A_250 = vector.extract_strided_slice %add3A_185 {offsets = [0, 768], sizes = [1, 256], strides = [1, 1]} : vector<1x1024xf32> to vector<1x256xf32>
      %mul3A_251 = arith.constant 5.000000e-01 : f32
      %mul3A_252 = vector.broadcast %mul3A_251 : f32 to vector<1x256xf32>
      %mul3A_253 = arith.mulf %mul3A_252, %slice3A_250 : vector<1x256xf32>
      %tanh3A_254 = math.tanh %mul3A_253 : vector<1x256xf32>
      %mul3A_255 = arith.constant 5.000000e-01 : f32
      %mul3A_256 = vector.broadcast %mul3A_255 : f32 to vector<1x256xf32>
      %mul3A_257 = arith.mulf %mul3A_256, %tanh3A_254 : vector<1x256xf32>
      %add3A_258 = arith.constant 5.000000e-01 : f32
      %add3A_259 = vector.broadcast %add3A_258 : f32 to vector<1x256xf32>
      %add3A_260 = arith.addf %mul3A_257, %add3A_259 : vector<1x256xf32>
      %mul3A_261 = arith.mulf %add3A_247, %add3A_151 : vector<1x256xf32>
      %mul3A_262 = arith.mulf %add3A_236, %tanh3A_249 : vector<1x256xf32>
      %add3A_263 = arith.addf %mul3A_261, %mul3A_262 : vector<1x256xf32>
      %tanh3A_264 = math.tanh %add3A_263 : vector<1x256xf32>
      %mul3A_265 = arith.mulf %add3A_260, %tanh3A_264 : vector<1x256xf32>
      %slice3A_266 = vector.extract_strided_slice %get3A_40 {offsets = [2, 0], sizes = [1, 1024], strides = [1, 1]} : vector<8x1024xf32> to vector<1x1024xf32>
      %convert_element_type3A_267 = arith.truncf %mul3A_225 : vector<1x256xf32> to vector<1x256xbf16>
      %slice3A_268 = vector.extract_strided_slice %convert_element_type3A_267 {offsets = [0, 0], sizes = [1, 128], strides = [1, 1]} : vector<1x256xbf16> to vector<1x128xbf16>
      %get3A_269 = arith.constant 0 : index
      %get3A_270 = arith.constant 0 : index
      %get3A_271 = vector.load %arg2[%get3A_269, %get3A_270] : memref<256x1024xbf16, #tpu.memory_space<vmem>>, vector<128x1024xbf16>
      %dot_general3A_272 = arith.constant dense<0.000000e+00> : vector<1x1024xf32>
      %dot_general3A_273 = tpu.matmul %slice3A_268, %get3A_271, %dot_general3A_272 {dimension_numbers = #tpu.dot_dimension_numbers<[1], [0], [0], [1], [0, 0, 1, 1], [], []>, transpose_lhs_hint = false} : vector<1x128xbf16>, vector<128x1024xbf16>, vector<1x1024xf32> -> vector<1x1024xf32>
      %add3A_274 = arith.addf %slice3A_266, %dot_general3A_273 : vector<1x1024xf32>
      %slice3A_275 = vector.extract_strided_slice %convert_element_type3A_267 {offsets = [0, 128], sizes = [1, 128], strides = [1, 1]} : vector<1x256xbf16> to vector<1x128xbf16>
      %get3A_276 = arith.constant 128 : index
      %get3A_277 = arith.constant 0 : index
      %get3A_278 = vector.load %arg2[%get3A_276, %get3A_277] : memref<256x1024xbf16, #tpu.memory_space<vmem>>, vector<128x1024xbf16>
      %dot_general3A_279 = arith.constant dense<0.000000e+00> : vector<1x1024xf32>
      %dot_general3A_280 = tpu.matmul %slice3A_275, %get3A_278, %dot_general3A_279 {dimension_numbers = #tpu.dot_dimension_numbers<[1], [0], [0], [1], [0, 0, 1, 1], [], []>, transpose_lhs_hint = false} : vector<1x128xbf16>, vector<128x1024xbf16>, vector<1x1024xf32> -> vector<1x1024xf32>
      %add3A_281 = arith.addf %add3A_274, %dot_general3A_280 : vector<1x1024xf32>
      %slice3A_282 = vector.extract_strided_slice %get3A_43 {offsets = [5, 0], sizes = [1, 1024], strides = [1, 1]} : vector<8x1024xf32> to vector<1x1024xf32>
      %convert_element_type3A_283 = arith.truncf %mul3A_265 : vector<1x256xf32> to vector<1x256xbf16>
      %slice3A_284 = vector.extract_strided_slice %convert_element_type3A_283 {offsets = [0, 0], sizes = [1, 128], strides = [1, 1]} : vector<1x256xbf16> to vector<1x128xbf16>
      %get3A_285 = arith.constant 0 : index
      %get3A_286 = arith.constant 0 : index
      %get3A_287 = vector.load %arg5[%get3A_285, %get3A_286] : memref<256x1024xbf16, #tpu.memory_space<vmem>>, vector<128x1024xbf16>
      %dot_general3A_288 = arith.constant dense<0.000000e+00> : vector<1x1024xf32>
      %dot_general3A_289 = tpu.matmul %slice3A_284, %get3A_287, %dot_general3A_288 {dimension_numbers = #tpu.dot_dimension_numbers<[1], [0], [0], [1], [0, 0, 1, 1], [], []>, transpose_lhs_hint = false} : vector<1x128xbf16>, vector<128x1024xbf16>, vector<1x1024xf32> -> vector<1x1024xf32>
      %add3A_290 = arith.addf %slice3A_282, %dot_general3A_289 : vector<1x1024xf32>
      %slice3A_291 = vector.extract_strided_slice %convert_element_type3A_283 {offsets = [0, 128], sizes = [1, 128], strides = [1, 1]} : vector<1x256xbf16> to vector<1x128xbf16>
      %get3A_292 = arith.constant 128 : index
      %get3A_293 = arith.constant 0 : index
      %get3A_294 = vector.load %arg5[%get3A_292, %get3A_293] : memref<256x1024xbf16, #tpu.memory_space<vmem>>, vector<128x1024xbf16>
      %dot_general3A_295 = arith.constant dense<0.000000e+00> : vector<1x1024xf32>
      %dot_general3A_296 = tpu.matmul %slice3A_291, %get3A_294, %dot_general3A_295 {dimension_numbers = #tpu.dot_dimension_numbers<[1], [0], [0], [1], [0, 0, 1, 1], [], []>, transpose_lhs_hint = false} : vector<1x128xbf16>, vector<128x1024xbf16>, vector<1x1024xf32> -> vector<1x1024xf32>
      %add3A_297 = arith.addf %add3A_290, %dot_general3A_296 : vector<1x1024xf32>
      %slice3A_298 = vector.extract_strided_slice %add3A_281 {offsets = [0, 0], sizes = [1, 256], strides = [1, 1]} : vector<1x1024xf32> to vector<1x256xf32>
      %mul3A_299 = arith.constant 5.000000e-01 : f32
      %mul3A_300 = vector.broadcast %mul3A_299 : f32 to vector<1x256xf32>
      %mul3A_301 = arith.mulf %mul3A_300, %slice3A_298 : vector<1x256xf32>
      %tanh3A_302 = math.tanh %mul3A_301 : vector<1x256xf32>
      %mul3A_303 = arith.constant 5.000000e-01 : f32
      %mul3A_304 = vector.broadcast %mul3A_303 : f32 to vector<1x256xf32>
      %mul3A_305 = arith.mulf %mul3A_304, %tanh3A_302 : vector<1x256xf32>
      %add3A_306 = arith.constant 5.000000e-01 : f32
      %add3A_307 = vector.broadcast %add3A_306 : f32 to vector<1x256xf32>
      %add3A_308 = arith.addf %mul3A_305, %add3A_307 : vector<1x256xf32>
      %slice3A_309 = vector.extract_strided_slice %add3A_281 {offsets = [0, 256], sizes = [1, 256], strides = [1, 1]} : vector<1x1024xf32> to vector<1x256xf32>
      %mul3A_310 = arith.constant 5.000000e-01 : f32
      %mul3A_311 = vector.broadcast %mul3A_310 : f32 to vector<1x256xf32>
      %mul3A_312 = arith.mulf %mul3A_311, %slice3A_309 : vector<1x256xf32>
      %tanh3A_313 = math.tanh %mul3A_312 : vector<1x256xf32>
      %mul3A_314 = arith.constant 5.000000e-01 : f32
      %mul3A_315 = vector.broadcast %mul3A_314 : f32 to vector<1x256xf32>
      %mul3A_316 = arith.mulf %mul3A_315, %tanh3A_313 : vector<1x256xf32>
      %add3A_317 = arith.constant 5.000000e-01 : f32
      %add3A_318 = vector.broadcast %add3A_317 : f32 to vector<1x256xf32>
      %add3A_319 = arith.addf %mul3A_316, %add3A_318 : vector<1x256xf32>
      %slice3A_320 = vector.extract_strided_slice %add3A_281 {offsets = [0, 512], sizes = [1, 256], strides = [1, 1]} : vector<1x1024xf32> to vector<1x256xf32>
      %tanh3A_321 = math.tanh %slice3A_320 : vector<1x256xf32>
      %slice3A_322 = vector.extract_strided_slice %add3A_281 {offsets = [0, 768], sizes = [1, 256], strides = [1, 1]} : vector<1x1024xf32> to vector<1x256xf32>
      %mul3A_323 = arith.constant 5.000000e-01 : f32
      %mul3A_324 = vector.broadcast %mul3A_323 : f32 to vector<1x256xf32>
      %mul3A_325 = arith.mulf %mul3A_324, %slice3A_322 : vector<1x256xf32>
      %tanh3A_326 = math.tanh %mul3A_325 : vector<1x256xf32>
      %mul3A_327 = arith.constant 5.000000e-01 : f32
      %mul3A_328 = vector.broadcast %mul3A_327 : f32 to vector<1x256xf32>
      %mul3A_329 = arith.mulf %mul3A_328, %tanh3A_326 : vector<1x256xf32>
      %add3A_330 = arith.constant 5.000000e-01 : f32
      %add3A_331 = vector.broadcast %add3A_330 : f32 to vector<1x256xf32>
      %add3A_332 = arith.addf %mul3A_329, %add3A_331 : vector<1x256xf32>
      %mul3A_333 = arith.mulf %add3A_319, %add3A_223 : vector<1x256xf32>
      %mul3A_334 = arith.mulf %add3A_308, %tanh3A_321 : vector<1x256xf32>
      %add3A_335 = arith.addf %mul3A_333, %mul3A_334 : vector<1x256xf32>
      %tanh3A_336 = math.tanh %add3A_335 : vector<1x256xf32>
      %mul3A_337 = arith.mulf %add3A_332, %tanh3A_336 : vector<1x256xf32>
      %slice3A_338 = vector.extract_strided_slice %add3A_297 {offsets = [0, 0], sizes = [1, 256], strides = [1, 1]} : vector<1x1024xf32> to vector<1x256xf32>
      %mul3A_339 = arith.constant 5.000000e-01 : f32
      %mul3A_340 = vector.broadcast %mul3A_339 : f32 to vector<1x256xf32>
      %mul3A_341 = arith.mulf %mul3A_340, %slice3A_338 : vector<1x256xf32>
      %tanh3A_342 = math.tanh %mul3A_341 : vector<1x256xf32>
      %mul3A_343 = arith.constant 5.000000e-01 : f32
      %mul3A_344 = vector.broadcast %mul3A_343 : f32 to vector<1x256xf32>
      %mul3A_345 = arith.mulf %mul3A_344, %tanh3A_342 : vector<1x256xf32>
      %add3A_346 = arith.constant 5.000000e-01 : f32
      %add3A_347 = vector.broadcast %add3A_346 : f32 to vector<1x256xf32>
      %add3A_348 = arith.addf %mul3A_345, %add3A_347 : vector<1x256xf32>
      %slice3A_349 = vector.extract_strided_slice %add3A_297 {offsets = [0, 256], sizes = [1, 256], strides = [1, 1]} : vector<1x1024xf32> to vector<1x256xf32>
      %mul3A_350 = arith.constant 5.000000e-01 : f32
      %mul3A_351 = vector.broadcast %mul3A_350 : f32 to vector<1x256xf32>
      %mul3A_352 = arith.mulf %mul3A_351, %slice3A_349 : vector<1x256xf32>
      %tanh3A_353 = math.tanh %mul3A_352 : vector<1x256xf32>
      %mul3A_354 = arith.constant 5.000000e-01 : f32
      %mul3A_355 = vector.broadcast %mul3A_354 : f32 to vector<1x256xf32>
      %mul3A_356 = arith.mulf %mul3A_355, %tanh3A_353 : vector<1x256xf32>
      %add3A_357 = arith.constant 5.000000e-01 : f32
      %add3A_358 = vector.broadcast %add3A_357 : f32 to vector<1x256xf32>
      %add3A_359 = arith.addf %mul3A_356, %add3A_358 : vector<1x256xf32>
      %slice3A_360 = vector.extract_strided_slice %add3A_297 {offsets = [0, 512], sizes = [1, 256], strides = [1, 1]} : vector<1x1024xf32> to vector<1x256xf32>
      %tanh3A_361 = math.tanh %slice3A_360 : vector<1x256xf32>
      %slice3A_362 = vector.extract_strided_slice %add3A_297 {offsets = [0, 768], sizes = [1, 256], strides = [1, 1]} : vector<1x1024xf32> to vector<1x256xf32>
      %mul3A_363 = arith.constant 5.000000e-01 : f32
      %mul3A_364 = vector.broadcast %mul3A_363 : f32 to vector<1x256xf32>
      %mul3A_365 = arith.mulf %mul3A_364, %slice3A_362 : vector<1x256xf32>
      %tanh3A_366 = math.tanh %mul3A_365 : vector<1x256xf32>
      %mul3A_367 = arith.constant 5.000000e-01 : f32
      %mul3A_368 = vector.broadcast %mul3A_367 : f32 to vector<1x256xf32>
      %mul3A_369 = arith.mulf %mul3A_368, %tanh3A_366 : vector<1x256xf32>
      %add3A_370 = arith.constant 5.000000e-01 : f32
      %add3A_371 = vector.broadcast %add3A_370 : f32 to vector<1x256xf32>
      %add3A_372 = arith.addf %mul3A_369, %add3A_371 : vector<1x256xf32>
      %mul3A_373 = arith.mulf %add3A_359, %add3A_263 : vector<1x256xf32>
      %mul3A_374 = arith.mulf %add3A_348, %tanh3A_361 : vector<1x256xf32>
      %add3A_375 = arith.addf %mul3A_373, %mul3A_374 : vector<1x256xf32>
      %tanh3A_376 = math.tanh %add3A_375 : vector<1x256xf32>
      %mul3A_377 = arith.mulf %add3A_372, %tanh3A_376 : vector<1x256xf32>
      %slice3A_378 = vector.extract_strided_slice %get3A_40 {offsets = [3, 0], sizes = [1, 1024], strides = [1, 1]} : vector<8x1024xf32> to vector<1x1024xf32>
      %convert_element_type3A_379 = arith.truncf %mul3A_337 : vector<1x256xf32> to vector<1x256xbf16>
      %slice3A_380 = vector.extract_strided_slice %convert_element_type3A_379 {offsets = [0, 0], sizes = [1, 128], strides = [1, 1]} : vector<1x256xbf16> to vector<1x128xbf16>
      %get3A_381 = arith.constant 0 : index
      %get3A_382 = arith.constant 0 : index
      %get3A_383 = vector.load %arg2[%get3A_381, %get3A_382] : memref<256x1024xbf16, #tpu.memory_space<vmem>>, vector<128x1024xbf16>
      %dot_general3A_384 = arith.constant dense<0.000000e+00> : vector<1x1024xf32>
      %dot_general3A_385 = tpu.matmul %slice3A_380, %get3A_383, %dot_general3A_384 {dimension_numbers = #tpu.dot_dimension_numbers<[1], [0], [0], [1], [0, 0, 1, 1], [], []>, transpose_lhs_hint = false} : vector<1x128xbf16>, vector<128x1024xbf16>, vector<1x1024xf32> -> vector<1x1024xf32>
      %add3A_386 = arith.addf %slice3A_378, %dot_general3A_385 : vector<1x1024xf32>
      %slice3A_387 = vector.extract_strided_slice %convert_element_type3A_379 {offsets = [0, 128], sizes = [1, 128], strides = [1, 1]} : vector<1x256xbf16> to vector<1x128xbf16>
      %get3A_388 = arith.constant 128 : index
      %get3A_389 = arith.constant 0 : index
      %get3A_390 = vector.load %arg2[%get3A_388, %get3A_389] : memref<256x1024xbf16, #tpu.memory_space<vmem>>, vector<128x1024xbf16>
      %dot_general3A_391 = arith.constant dense<0.000000e+00> : vector<1x1024xf32>
      %dot_general3A_392 = tpu.matmul %slice3A_387, %get3A_390, %dot_general3A_391 {dimension_numbers = #tpu.dot_dimension_numbers<[1], [0], [0], [1], [0, 0, 1, 1], [], []>, transpose_lhs_hint = false} : vector<1x128xbf16>, vector<128x1024xbf16>, vector<1x1024xf32> -> vector<1x1024xf32>
      %add3A_393 = arith.addf %add3A_386, %dot_general3A_392 : vector<1x1024xf32>
      %slice3A_394 = vector.extract_strided_slice %get3A_43 {offsets = [4, 0], sizes = [1, 1024], strides = [1, 1]} : vector<8x1024xf32> to vector<1x1024xf32>
      %convert_element_type3A_395 = arith.truncf %mul3A_377 : vector<1x256xf32> to vector<1x256xbf16>
      %slice3A_396 = vector.extract_strided_slice %convert_element_type3A_395 {offsets = [0, 0], sizes = [1, 128], strides = [1, 1]} : vector<1x256xbf16> to vector<1x128xbf16>
      %get3A_397 = arith.constant 0 : index
      %get3A_398 = arith.constant 0 : index
      %get3A_399 = vector.load %arg5[%get3A_397, %get3A_398] : memref<256x1024xbf16, #tpu.memory_space<vmem>>, vector<128x1024xbf16>
      %dot_general3A_400 = arith.constant dense<0.000000e+00> : vector<1x1024xf32>
      %dot_general3A_401 = tpu.matmul %slice3A_396, %get3A_399, %dot_general3A_400 {dimension_numbers = #tpu.dot_dimension_numbers<[1], [0], [0], [1], [0, 0, 1, 1], [], []>, transpose_lhs_hint = false} : vector<1x128xbf16>, vector<128x1024xbf16>, vector<1x1024xf32> -> vector<1x1024xf32>
      %add3A_402 = arith.addf %slice3A_394, %dot_general3A_401 : vector<1x1024xf32>
      %slice3A_403 = vector.extract_strided_slice %convert_element_type3A_395 {offsets = [0, 128], sizes = [1, 128], strides = [1, 1]} : vector<1x256xbf16> to vector<1x128xbf16>
      %get3A_404 = arith.constant 128 : index
      %get3A_405 = arith.constant 0 : index
      %get3A_406 = vector.load %arg5[%get3A_404, %get3A_405] : memref<256x1024xbf16, #tpu.memory_space<vmem>>, vector<128x1024xbf16>
      %dot_general3A_407 = arith.constant dense<0.000000e+00> : vector<1x1024xf32>
      %dot_general3A_408 = tpu.matmul %slice3A_403, %get3A_406, %dot_general3A_407 {dimension_numbers = #tpu.dot_dimension_numbers<[1], [0], [0], [1], [0, 0, 1, 1], [], []>, transpose_lhs_hint = false} : vector<1x128xbf16>, vector<128x1024xbf16>, vector<1x1024xf32> -> vector<1x1024xf32>
      %add3A_409 = arith.addf %add3A_402, %dot_general3A_408 : vector<1x1024xf32>
      %slice3A_410 = vector.extract_strided_slice %add3A_393 {offsets = [0, 0], sizes = [1, 256], strides = [1, 1]} : vector<1x1024xf32> to vector<1x256xf32>
      %mul3A_411 = arith.constant 5.000000e-01 : f32
      %mul3A_412 = vector.broadcast %mul3A_411 : f32 to vector<1x256xf32>
      %mul3A_413 = arith.mulf %mul3A_412, %slice3A_410 : vector<1x256xf32>
      %tanh3A_414 = math.tanh %mul3A_413 : vector<1x256xf32>
      %mul3A_415 = arith.constant 5.000000e-01 : f32
      %mul3A_416 = vector.broadcast %mul3A_415 : f32 to vector<1x256xf32>
      %mul3A_417 = arith.mulf %mul3A_416, %tanh3A_414 : vector<1x256xf32>
      %add3A_418 = arith.constant 5.000000e-01 : f32
      %add3A_419 = vector.broadcast %add3A_418 : f32 to vector<1x256xf32>
      %add3A_420 = arith.addf %mul3A_417, %add3A_419 : vector<1x256xf32>
      %slice3A_421 = vector.extract_strided_slice %add3A_393 {offsets = [0, 256], sizes = [1, 256], strides = [1, 1]} : vector<1x1024xf32> to vector<1x256xf32>
      %mul3A_422 = arith.constant 5.000000e-01 : f32
      %mul3A_423 = vector.broadcast %mul3A_422 : f32 to vector<1x256xf32>
      %mul3A_424 = arith.mulf %mul3A_423, %slice3A_421 : vector<1x256xf32>
      %tanh3A_425 = math.tanh %mul3A_424 : vector<1x256xf32>
      %mul3A_426 = arith.constant 5.000000e-01 : f32
      %mul3A_427 = vector.broadcast %mul3A_426 : f32 to vector<1x256xf32>
      %mul3A_428 = arith.mulf %mul3A_427, %tanh3A_425 : vector<1x256xf32>
      %add3A_429 = arith.constant 5.000000e-01 : f32
      %add3A_430 = vector.broadcast %add3A_429 : f32 to vector<1x256xf32>
      %add3A_431 = arith.addf %mul3A_428, %add3A_430 : vector<1x256xf32>
      %slice3A_432 = vector.extract_strided_slice %add3A_393 {offsets = [0, 512], sizes = [1, 256], strides = [1, 1]} : vector<1x1024xf32> to vector<1x256xf32>
      %tanh3A_433 = math.tanh %slice3A_432 : vector<1x256xf32>
      %slice3A_434 = vector.extract_strided_slice %add3A_393 {offsets = [0, 768], sizes = [1, 256], strides = [1, 1]} : vector<1x1024xf32> to vector<1x256xf32>
      %mul3A_435 = arith.constant 5.000000e-01 : f32
      %mul3A_436 = vector.broadcast %mul3A_435 : f32 to vector<1x256xf32>
      %mul3A_437 = arith.mulf %mul3A_436, %slice3A_434 : vector<1x256xf32>
      %tanh3A_438 = math.tanh %mul3A_437 : vector<1x256xf32>
      %mul3A_439 = arith.constant 5.000000e-01 : f32
      %mul3A_440 = vector.broadcast %mul3A_439 : f32 to vector<1x256xf32>
      %mul3A_441 = arith.mulf %mul3A_440, %tanh3A_438 : vector<1x256xf32>
      %add3A_442 = arith.constant 5.000000e-01 : f32
      %add3A_443 = vector.broadcast %add3A_442 : f32 to vector<1x256xf32>
      %add3A_444 = arith.addf %mul3A_441, %add3A_443 : vector<1x256xf32>
      %mul3A_445 = arith.mulf %add3A_431, %add3A_335 : vector<1x256xf32>
      %mul3A_446 = arith.mulf %add3A_420, %tanh3A_433 : vector<1x256xf32>
      %add3A_447 = arith.addf %mul3A_445, %mul3A_446 : vector<1x256xf32>
      %tanh3A_448 = math.tanh %add3A_447 : vector<1x256xf32>
      %mul3A_449 = arith.mulf %add3A_444, %tanh3A_448 : vector<1x256xf32>
      %slice3A_450 = vector.extract_strided_slice %add3A_409 {offsets = [0, 0], sizes = [1, 256], strides = [1, 1]} : vector<1x1024xf32> to vector<1x256xf32>
      %mul3A_451 = arith.constant 5.000000e-01 : f32
      %mul3A_452 = vector.broadcast %mul3A_451 : f32 to vector<1x256xf32>
      %mul3A_453 = arith.mulf %mul3A_452, %slice3A_450 : vector<1x256xf32>
      %tanh3A_454 = math.tanh %mul3A_453 : vector<1x256xf32>
      %mul3A_455 = arith.constant 5.000000e-01 : f32
      %mul3A_456 = vector.broadcast %mul3A_455 : f32 to vector<1x256xf32>
      %mul3A_457 = arith.mulf %mul3A_456, %tanh3A_454 : vector<1x256xf32>
      %add3A_458 = arith.constant 5.000000e-01 : f32
      %add3A_459 = vector.broadcast %add3A_458 : f32 to vector<1x256xf32>
      %add3A_460 = arith.addf %mul3A_457, %add3A_459 : vector<1x256xf32>
      %slice3A_461 = vector.extract_strided_slice %add3A_409 {offsets = [0, 256], sizes = [1, 256], strides = [1, 1]} : vector<1x1024xf32> to vector<1x256xf32>
      %mul3A_462 = arith.constant 5.000000e-01 : f32
      %mul3A_463 = vector.broadcast %mul3A_462 : f32 to vector<1x256xf32>
      %mul3A_464 = arith.mulf %mul3A_463, %slice3A_461 : vector<1x256xf32>
      %tanh3A_465 = math.tanh %mul3A_464 : vector<1x256xf32>
      %mul3A_466 = arith.constant 5.000000e-01 : f32
      %mul3A_467 = vector.broadcast %mul3A_466 : f32 to vector<1x256xf32>
      %mul3A_468 = arith.mulf %mul3A_467, %tanh3A_465 : vector<1x256xf32>
      %add3A_469 = arith.constant 5.000000e-01 : f32
      %add3A_470 = vector.broadcast %add3A_469 : f32 to vector<1x256xf32>
      %add3A_471 = arith.addf %mul3A_468, %add3A_470 : vector<1x256xf32>
      %slice3A_472 = vector.extract_strided_slice %add3A_409 {offsets = [0, 512], sizes = [1, 256], strides = [1, 1]} : vector<1x1024xf32> to vector<1x256xf32>
      %tanh3A_473 = math.tanh %slice3A_472 : vector<1x256xf32>
      %slice3A_474 = vector.extract_strided_slice %add3A_409 {offsets = [0, 768], sizes = [1, 256], strides = [1, 1]} : vector<1x1024xf32> to vector<1x256xf32>
      %mul3A_475 = arith.constant 5.000000e-01 : f32
      %mul3A_476 = vector.broadcast %mul3A_475 : f32 to vector<1x256xf32>
      %mul3A_477 = arith.mulf %mul3A_476, %slice3A_474 : vector<1x256xf32>
      %tanh3A_478 = math.tanh %mul3A_477 : vector<1x256xf32>
      %mul3A_479 = arith.constant 5.000000e-01 : f32
      %mul3A_480 = vector.broadcast %mul3A_479 : f32 to vector<1x256xf32>
      %mul3A_481 = arith.mulf %mul3A_480, %tanh3A_478 : vector<1x256xf32>
      %add3A_482 = arith.constant 5.000000e-01 : f32
      %add3A_483 = vector.broadcast %add3A_482 : f32 to vector<1x256xf32>
      %add3A_484 = arith.addf %mul3A_481, %add3A_483 : vector<1x256xf32>
      %mul3A_485 = arith.mulf %add3A_471, %add3A_375 : vector<1x256xf32>
      %mul3A_486 = arith.mulf %add3A_460, %tanh3A_473 : vector<1x256xf32>
      %add3A_487 = arith.addf %mul3A_485, %mul3A_486 : vector<1x256xf32>
      %tanh3A_488 = math.tanh %add3A_487 : vector<1x256xf32>
      %mul3A_489 = arith.mulf %add3A_484, %tanh3A_488 : vector<1x256xf32>
      %slice3A_490 = vector.extract_strided_slice %get3A_40 {offsets = [4, 0], sizes = [1, 1024], strides = [1, 1]} : vector<8x1024xf32> to vector<1x1024xf32>
      %convert_element_type3A_491 = arith.truncf %mul3A_449 : vector<1x256xf32> to vector<1x256xbf16>
      %slice3A_492 = vector.extract_strided_slice %convert_element_type3A_491 {offsets = [0, 0], sizes = [1, 128], strides = [1, 1]} : vector<1x256xbf16> to vector<1x128xbf16>
      %get3A_493 = arith.constant 0 : index
      %get3A_494 = arith.constant 0 : index
      %get3A_495 = vector.load %arg2[%get3A_493, %get3A_494] : memref<256x1024xbf16, #tpu.memory_space<vmem>>, vector<128x1024xbf16>
      %dot_general3A_496 = arith.constant dense<0.000000e+00> : vector<1x1024xf32>
      %dot_general3A_497 = tpu.matmul %slice3A_492, %get3A_495, %dot_general3A_496 {dimension_numbers = #tpu.dot_dimension_numbers<[1], [0], [0], [1], [0, 0, 1, 1], [], []>, transpose_lhs_hint = false} : vector<1x128xbf16>, vector<128x1024xbf16>, vector<1x1024xf32> -> vector<1x1024xf32>
      %add3A_498 = arith.addf %slice3A_490, %dot_general3A_497 : vector<1x1024xf32>
      %slice3A_499 = vector.extract_strided_slice %convert_element_type3A_491 {offsets = [0, 128], sizes = [1, 128], strides = [1, 1]} : vector<1x256xbf16> to vector<1x128xbf16>
      %get3A_500 = arith.constant 128 : index
      %get3A_501 = arith.constant 0 : index
      %get3A_502 = vector.load %arg2[%get3A_500, %get3A_501] : memref<256x1024xbf16, #tpu.memory_space<vmem>>, vector<128x1024xbf16>
      %dot_general3A_503 = arith.constant dense<0.000000e+00> : vector<1x1024xf32>
      %dot_general3A_504 = tpu.matmul %slice3A_499, %get3A_502, %dot_general3A_503 {dimension_numbers = #tpu.dot_dimension_numbers<[1], [0], [0], [1], [0, 0, 1, 1], [], []>, transpose_lhs_hint = false} : vector<1x128xbf16>, vector<128x1024xbf16>, vector<1x1024xf32> -> vector<1x1024xf32>
      %add3A_505 = arith.addf %add3A_498, %dot_general3A_504 : vector<1x1024xf32>
      %slice3A_506 = vector.extract_strided_slice %get3A_43 {offsets = [3, 0], sizes = [1, 1024], strides = [1, 1]} : vector<8x1024xf32> to vector<1x1024xf32>
      %convert_element_type3A_507 = arith.truncf %mul3A_489 : vector<1x256xf32> to vector<1x256xbf16>
      %slice3A_508 = vector.extract_strided_slice %convert_element_type3A_507 {offsets = [0, 0], sizes = [1, 128], strides = [1, 1]} : vector<1x256xbf16> to vector<1x128xbf16>
      %get3A_509 = arith.constant 0 : index
      %get3A_510 = arith.constant 0 : index
      %get3A_511 = vector.load %arg5[%get3A_509, %get3A_510] : memref<256x1024xbf16, #tpu.memory_space<vmem>>, vector<128x1024xbf16>
      %dot_general3A_512 = arith.constant dense<0.000000e+00> : vector<1x1024xf32>
      %dot_general3A_513 = tpu.matmul %slice3A_508, %get3A_511, %dot_general3A_512 {dimension_numbers = #tpu.dot_dimension_numbers<[1], [0], [0], [1], [0, 0, 1, 1], [], []>, transpose_lhs_hint = false} : vector<1x128xbf16>, vector<128x1024xbf16>, vector<1x1024xf32> -> vector<1x1024xf32>
      %add3A_514 = arith.addf %slice3A_506, %dot_general3A_513 : vector<1x1024xf32>
      %slice3A_515 = vector.extract_strided_slice %convert_element_type3A_507 {offsets = [0, 128], sizes = [1, 128], strides = [1, 1]} : vector<1x256xbf16> to vector<1x128xbf16>
      %get3A_516 = arith.constant 128 : index
      %get3A_517 = arith.constant 0 : index
      %get3A_518 = vector.load %arg5[%get3A_516, %get3A_517] : memref<256x1024xbf16, #tpu.memory_space<vmem>>, vector<128x1024xbf16>
      %dot_general3A_519 = arith.constant dense<0.000000e+00> : vector<1x1024xf32>
      %dot_general3A_520 = tpu.matmul %slice3A_515, %get3A_518, %dot_general3A_519 {dimension_numbers = #tpu.dot_dimension_numbers<[1], [0], [0], [1], [0, 0, 1, 1], [], []>, transpose_lhs_hint = false} : vector<1x128xbf16>, vector<128x1024xbf16>, vector<1x1024xf32> -> vector<1x1024xf32>
      %add3A_521 = arith.addf %add3A_514, %dot_general3A_520 : vector<1x1024xf32>
      %slice3A_522 = vector.extract_strided_slice %add3A_505 {offsets = [0, 0], sizes = [1, 256], strides = [1, 1]} : vector<1x1024xf32> to vector<1x256xf32>
      %mul3A_523 = arith.constant 5.000000e-01 : f32
      %mul3A_524 = vector.broadcast %mul3A_523 : f32 to vector<1x256xf32>
      %mul3A_525 = arith.mulf %mul3A_524, %slice3A_522 : vector<1x256xf32>
      %tanh3A_526 = math.tanh %mul3A_525 : vector<1x256xf32>
      %mul3A_527 = arith.constant 5.000000e-01 : f32
      %mul3A_528 = vector.broadcast %mul3A_527 : f32 to vector<1x256xf32>
      %mul3A_529 = arith.mulf %mul3A_528, %tanh3A_526 : vector<1x256xf32>
      %add3A_530 = arith.constant 5.000000e-01 : f32
      %add3A_531 = vector.broadcast %add3A_530 : f32 to vector<1x256xf32>
      %add3A_532 = arith.addf %mul3A_529, %add3A_531 : vector<1x256xf32>
      %slice3A_533 = vector.extract_strided_slice %add3A_505 {offsets = [0, 256], sizes = [1, 256], strides = [1, 1]} : vector<1x1024xf32> to vector<1x256xf32>
      %mul3A_534 = arith.constant 5.000000e-01 : f32
      %mul3A_535 = vector.broadcast %mul3A_534 : f32 to vector<1x256xf32>
      %mul3A_536 = arith.mulf %mul3A_535, %slice3A_533 : vector<1x256xf32>
      %tanh3A_537 = math.tanh %mul3A_536 : vector<1x256xf32>
      %mul3A_538 = arith.constant 5.000000e-01 : f32
      %mul3A_539 = vector.broadcast %mul3A_538 : f32 to vector<1x256xf32>
      %mul3A_540 = arith.mulf %mul3A_539, %tanh3A_537 : vector<1x256xf32>
      %add3A_541 = arith.constant 5.000000e-01 : f32
      %add3A_542 = vector.broadcast %add3A_541 : f32 to vector<1x256xf32>
      %add3A_543 = arith.addf %mul3A_540, %add3A_542 : vector<1x256xf32>
      %slice3A_544 = vector.extract_strided_slice %add3A_505 {offsets = [0, 512], sizes = [1, 256], strides = [1, 1]} : vector<1x1024xf32> to vector<1x256xf32>
      %tanh3A_545 = math.tanh %slice3A_544 : vector<1x256xf32>
      %slice3A_546 = vector.extract_strided_slice %add3A_505 {offsets = [0, 768], sizes = [1, 256], strides = [1, 1]} : vector<1x1024xf32> to vector<1x256xf32>
      %mul3A_547 = arith.constant 5.000000e-01 : f32
      %mul3A_548 = vector.broadcast %mul3A_547 : f32 to vector<1x256xf32>
      %mul3A_549 = arith.mulf %mul3A_548, %slice3A_546 : vector<1x256xf32>
      %tanh3A_550 = math.tanh %mul3A_549 : vector<1x256xf32>
      %mul3A_551 = arith.constant 5.000000e-01 : f32
      %mul3A_552 = vector.broadcast %mul3A_551 : f32 to vector<1x256xf32>
      %mul3A_553 = arith.mulf %mul3A_552, %tanh3A_550 : vector<1x256xf32>
      %add3A_554 = arith.constant 5.000000e-01 : f32
      %add3A_555 = vector.broadcast %add3A_554 : f32 to vector<1x256xf32>
      %add3A_556 = arith.addf %mul3A_553, %add3A_555 : vector<1x256xf32>
      %mul3A_557 = arith.mulf %add3A_543, %add3A_447 : vector<1x256xf32>
      %mul3A_558 = arith.mulf %add3A_532, %tanh3A_545 : vector<1x256xf32>
      %add3A_559 = arith.addf %mul3A_557, %mul3A_558 : vector<1x256xf32>
      %tanh3A_560 = math.tanh %add3A_559 : vector<1x256xf32>
      %mul3A_561 = arith.mulf %add3A_556, %tanh3A_560 : vector<1x256xf32>
      %slice3A_562 = vector.extract_strided_slice %add3A_521 {offsets = [0, 0], sizes = [1, 256], strides = [1, 1]} : vector<1x1024xf32> to vector<1x256xf32>
      %mul3A_563 = arith.constant 5.000000e-01 : f32
      %mul3A_564 = vector.broadcast %mul3A_563 : f32 to vector<1x256xf32>
      %mul3A_565 = arith.mulf %mul3A_564, %slice3A_562 : vector<1x256xf32>
      %tanh3A_566 = math.tanh %mul3A_565 : vector<1x256xf32>
      %mul3A_567 = arith.constant 5.000000e-01 : f32
      %mul3A_568 = vector.broadcast %mul3A_567 : f32 to vector<1x256xf32>
      %mul3A_569 = arith.mulf %mul3A_568, %tanh3A_566 : vector<1x256xf32>
      %add3A_570 = arith.constant 5.000000e-01 : f32
      %add3A_571 = vector.broadcast %add3A_570 : f32 to vector<1x256xf32>
      %add3A_572 = arith.addf %mul3A_569, %add3A_571 : vector<1x256xf32>
      %slice3A_573 = vector.extract_strided_slice %add3A_521 {offsets = [0, 256], sizes = [1, 256], strides = [1, 1]} : vector<1x1024xf32> to vector<1x256xf32>
      %mul3A_574 = arith.constant 5.000000e-01 : f32
      %mul3A_575 = vector.broadcast %mul3A_574 : f32 to vector<1x256xf32>
      %mul3A_576 = arith.mulf %mul3A_575, %slice3A_573 : vector<1x256xf32>
      %tanh3A_577 = math.tanh %mul3A_576 : vector<1x256xf32>
      %mul3A_578 = arith.constant 5.000000e-01 : f32
      %mul3A_579 = vector.broadcast %mul3A_578 : f32 to vector<1x256xf32>
      %mul3A_580 = arith.mulf %mul3A_579, %tanh3A_577 : vector<1x256xf32>
      %add3A_581 = arith.constant 5.000000e-01 : f32
      %add3A_582 = vector.broadcast %add3A_581 : f32 to vector<1x256xf32>
      %add3A_583 = arith.addf %mul3A_580, %add3A_582 : vector<1x256xf32>
      %slice3A_584 = vector.extract_strided_slice %add3A_521 {offsets = [0, 512], sizes = [1, 256], strides = [1, 1]} : vector<1x1024xf32> to vector<1x256xf32>
      %tanh3A_585 = math.tanh %slice3A_584 : vector<1x256xf32>
      %slice3A_586 = vector.extract_strided_slice %add3A_521 {offsets = [0, 768], sizes = [1, 256], strides = [1, 1]} : vector<1x1024xf32> to vector<1x256xf32>
      %mul3A_587 = arith.constant 5.000000e-01 : f32
      %mul3A_588 = vector.broadcast %mul3A_587 : f32 to vector<1x256xf32>
      %mul3A_589 = arith.mulf %mul3A_588, %slice3A_586 : vector<1x256xf32>
      %tanh3A_590 = math.tanh %mul3A_589 : vector<1x256xf32>
      %mul3A_591 = arith.constant 5.000000e-01 : f32
      %mul3A_592 = vector.broadcast %mul3A_591 : f32 to vector<1x256xf32>
      %mul3A_593 = arith.mulf %mul3A_592, %tanh3A_590 : vector<1x256xf32>
      %add3A_594 = arith.constant 5.000000e-01 : f32
      %add3A_595 = vector.broadcast %add3A_594 : f32 to vector<1x256xf32>
      %add3A_596 = arith.addf %mul3A_593, %add3A_595 : vector<1x256xf32>
      %mul3A_597 = arith.mulf %add3A_583, %add3A_487 : vector<1x256xf32>
      %mul3A_598 = arith.mulf %add3A_572, %tanh3A_585 : vector<1x256xf32>
      %add3A_599 = arith.addf %mul3A_597, %mul3A_598 : vector<1x256xf32>
      %tanh3A_600 = math.tanh %add3A_599 : vector<1x256xf32>
      %mul3A_601 = arith.mulf %add3A_596, %tanh3A_600 : vector<1x256xf32>
      %slice3A_602 = vector.extract_strided_slice %get3A_40 {offsets = [5, 0], sizes = [1, 1024], strides = [1, 1]} : vector<8x1024xf32> to vector<1x1024xf32>
      %convert_element_type3A_603 = arith.truncf %mul3A_561 : vector<1x256xf32> to vector<1x256xbf16>
      %slice3A_604 = vector.extract_strided_slice %convert_element_type3A_603 {offsets = [0, 0], sizes = [1, 128], strides = [1, 1]} : vector<1x256xbf16> to vector<1x128xbf16>
      %get3A_605 = arith.constant 0 : index
      %get3A_606 = arith.constant 0 : index
      %get3A_607 = vector.load %arg2[%get3A_605, %get3A_606] : memref<256x1024xbf16, #tpu.memory_space<vmem>>, vector<128x1024xbf16>
      %dot_general3A_608 = arith.constant dense<0.000000e+00> : vector<1x1024xf32>
      %dot_general3A_609 = tpu.matmul %slice3A_604, %get3A_607, %dot_general3A_608 {dimension_numbers = #tpu.dot_dimension_numbers<[1], [0], [0], [1], [0, 0, 1, 1], [], []>, transpose_lhs_hint = false} : vector<1x128xbf16>, vector<128x1024xbf16>, vector<1x1024xf32> -> vector<1x1024xf32>
      %add3A_610 = arith.addf %slice3A_602, %dot_general3A_609 : vector<1x1024xf32>
      %slice3A_611 = vector.extract_strided_slice %convert_element_type3A_603 {offsets = [0, 128], sizes = [1, 128], strides = [1, 1]} : vector<1x256xbf16> to vector<1x128xbf16>
      %get3A_612 = arith.constant 128 : index
      %get3A_613 = arith.constant 0 : index
      %get3A_614 = vector.load %arg2[%get3A_612, %get3A_613] : memref<256x1024xbf16, #tpu.memory_space<vmem>>, vector<128x1024xbf16>
      %dot_general3A_615 = arith.constant dense<0.000000e+00> : vector<1x1024xf32>
      %dot_general3A_616 = tpu.matmul %slice3A_611, %get3A_614, %dot_general3A_615 {dimension_numbers = #tpu.dot_dimension_numbers<[1], [0], [0], [1], [0, 0, 1, 1], [], []>, transpose_lhs_hint = false} : vector<1x128xbf16>, vector<128x1024xbf16>, vector<1x1024xf32> -> vector<1x1024xf32>
      %add3A_617 = arith.addf %add3A_610, %dot_general3A_616 : vector<1x1024xf32>
      %slice3A_618 = vector.extract_strided_slice %get3A_43 {offsets = [2, 0], sizes = [1, 1024], strides = [1, 1]} : vector<8x1024xf32> to vector<1x1024xf32>
      %convert_element_type3A_619 = arith.truncf %mul3A_601 : vector<1x256xf32> to vector<1x256xbf16>
      %slice3A_620 = vector.extract_strided_slice %convert_element_type3A_619 {offsets = [0, 0], sizes = [1, 128], strides = [1, 1]} : vector<1x256xbf16> to vector<1x128xbf16>
      %get3A_621 = arith.constant 0 : index
      %get3A_622 = arith.constant 0 : index
      %get3A_623 = vector.load %arg5[%get3A_621, %get3A_622] : memref<256x1024xbf16, #tpu.memory_space<vmem>>, vector<128x1024xbf16>
      %dot_general3A_624 = arith.constant dense<0.000000e+00> : vector<1x1024xf32>
      %dot_general3A_625 = tpu.matmul %slice3A_620, %get3A_623, %dot_general3A_624 {dimension_numbers = #tpu.dot_dimension_numbers<[1], [0], [0], [1], [0, 0, 1, 1], [], []>, transpose_lhs_hint = false} : vector<1x128xbf16>, vector<128x1024xbf16>, vector<1x1024xf32> -> vector<1x1024xf32>
      %add3A_626 = arith.addf %slice3A_618, %dot_general3A_625 : vector<1x1024xf32>
      %slice3A_627 = vector.extract_strided_slice %convert_element_type3A_619 {offsets = [0, 128], sizes = [1, 128], strides = [1, 1]} : vector<1x256xbf16> to vector<1x128xbf16>
      %get3A_628 = arith.constant 128 : index
      %get3A_629 = arith.constant 0 : index
      %get3A_630 = vector.load %arg5[%get3A_628, %get3A_629] : memref<256x1024xbf16, #tpu.memory_space<vmem>>, vector<128x1024xbf16>
      %dot_general3A_631 = arith.constant dense<0.000000e+00> : vector<1x1024xf32>
      %dot_general3A_632 = tpu.matmul %slice3A_627, %get3A_630, %dot_general3A_631 {dimension_numbers = #tpu.dot_dimension_numbers<[1], [0], [0], [1], [0, 0, 1, 1], [], []>, transpose_lhs_hint = false} : vector<1x128xbf16>, vector<128x1024xbf16>, vector<1x1024xf32> -> vector<1x1024xf32>
      %add3A_633 = arith.addf %add3A_626, %dot_general3A_632 : vector<1x1024xf32>
      %slice3A_634 = vector.extract_strided_slice %add3A_617 {offsets = [0, 0], sizes = [1, 256], strides = [1, 1]} : vector<1x1024xf32> to vector<1x256xf32>
      %mul3A_635 = arith.constant 5.000000e-01 : f32
      %mul3A_636 = vector.broadcast %mul3A_635 : f32 to vector<1x256xf32>
      %mul3A_637 = arith.mulf %mul3A_636, %slice3A_634 : vector<1x256xf32>
      %tanh3A_638 = math.tanh %mul3A_637 : vector<1x256xf32>
      %mul3A_639 = arith.constant 5.000000e-01 : f32
      %mul3A_640 = vector.broadcast %mul3A_639 : f32 to vector<1x256xf32>
      %mul3A_641 = arith.mulf %mul3A_640, %tanh3A_638 : vector<1x256xf32>
      %add3A_642 = arith.constant 5.000000e-01 : f32
      %add3A_643 = vector.broadcast %add3A_642 : f32 to vector<1x256xf32>
      %add3A_644 = arith.addf %mul3A_641, %add3A_643 : vector<1x256xf32>
      %slice3A_645 = vector.extract_strided_slice %add3A_617 {offsets = [0, 256], sizes = [1, 256], strides = [1, 1]} : vector<1x1024xf32> to vector<1x256xf32>
      %mul3A_646 = arith.constant 5.000000e-01 : f32
      %mul3A_647 = vector.broadcast %mul3A_646 : f32 to vector<1x256xf32>
      %mul3A_648 = arith.mulf %mul3A_647, %slice3A_645 : vector<1x256xf32>
      %tanh3A_649 = math.tanh %mul3A_648 : vector<1x256xf32>
      %mul3A_650 = arith.constant 5.000000e-01 : f32
      %mul3A_651 = vector.broadcast %mul3A_650 : f32 to vector<1x256xf32>
      %mul3A_652 = arith.mulf %mul3A_651, %tanh3A_649 : vector<1x256xf32>
      %add3A_653 = arith.constant 5.000000e-01 : f32
      %add3A_654 = vector.broadcast %add3A_653 : f32 to vector<1x256xf32>
      %add3A_655 = arith.addf %mul3A_652, %add3A_654 : vector<1x256xf32>
      %slice3A_656 = vector.extract_strided_slice %add3A_617 {offsets = [0, 512], sizes = [1, 256], strides = [1, 1]} : vector<1x1024xf32> to vector<1x256xf32>
      %tanh3A_657 = math.tanh %slice3A_656 : vector<1x256xf32>
      %slice3A_658 = vector.extract_strided_slice %add3A_617 {offsets = [0, 768], sizes = [1, 256], strides = [1, 1]} : vector<1x1024xf32> to vector<1x256xf32>
      %mul3A_659 = arith.constant 5.000000e-01 : f32
      %mul3A_660 = vector.broadcast %mul3A_659 : f32 to vector<1x256xf32>
      %mul3A_661 = arith.mulf %mul3A_660, %slice3A_658 : vector<1x256xf32>
      %tanh3A_662 = math.tanh %mul3A_661 : vector<1x256xf32>
      %mul3A_663 = arith.constant 5.000000e-01 : f32
      %mul3A_664 = vector.broadcast %mul3A_663 : f32 to vector<1x256xf32>
      %mul3A_665 = arith.mulf %mul3A_664, %tanh3A_662 : vector<1x256xf32>
      %add3A_666 = arith.constant 5.000000e-01 : f32
      %add3A_667 = vector.broadcast %add3A_666 : f32 to vector<1x256xf32>
      %add3A_668 = arith.addf %mul3A_665, %add3A_667 : vector<1x256xf32>
      %mul3A_669 = arith.mulf %add3A_655, %add3A_559 : vector<1x256xf32>
      %mul3A_670 = arith.mulf %add3A_644, %tanh3A_657 : vector<1x256xf32>
      %add3A_671 = arith.addf %mul3A_669, %mul3A_670 : vector<1x256xf32>
      %tanh3A_672 = math.tanh %add3A_671 : vector<1x256xf32>
      %mul3A_673 = arith.mulf %add3A_668, %tanh3A_672 : vector<1x256xf32>
      %slice3A_674 = vector.extract_strided_slice %add3A_633 {offsets = [0, 0], sizes = [1, 256], strides = [1, 1]} : vector<1x1024xf32> to vector<1x256xf32>
      %mul3A_675 = arith.constant 5.000000e-01 : f32
      %mul3A_676 = vector.broadcast %mul3A_675 : f32 to vector<1x256xf32>
      %mul3A_677 = arith.mulf %mul3A_676, %slice3A_674 : vector<1x256xf32>
      %tanh3A_678 = math.tanh %mul3A_677 : vector<1x256xf32>
      %mul3A_679 = arith.constant 5.000000e-01 : f32
      %mul3A_680 = vector.broadcast %mul3A_679 : f32 to vector<1x256xf32>
      %mul3A_681 = arith.mulf %mul3A_680, %tanh3A_678 : vector<1x256xf32>
      %add3A_682 = arith.constant 5.000000e-01 : f32
      %add3A_683 = vector.broadcast %add3A_682 : f32 to vector<1x256xf32>
      %add3A_684 = arith.addf %mul3A_681, %add3A_683 : vector<1x256xf32>
      %slice3A_685 = vector.extract_strided_slice %add3A_633 {offsets = [0, 256], sizes = [1, 256], strides = [1, 1]} : vector<1x1024xf32> to vector<1x256xf32>
      %mul3A_686 = arith.constant 5.000000e-01 : f32
      %mul3A_687 = vector.broadcast %mul3A_686 : f32 to vector<1x256xf32>
      %mul3A_688 = arith.mulf %mul3A_687, %slice3A_685 : vector<1x256xf32>
      %tanh3A_689 = math.tanh %mul3A_688 : vector<1x256xf32>
      %mul3A_690 = arith.constant 5.000000e-01 : f32
      %mul3A_691 = vector.broadcast %mul3A_690 : f32 to vector<1x256xf32>
      %mul3A_692 = arith.mulf %mul3A_691, %tanh3A_689 : vector<1x256xf32>
      %add3A_693 = arith.constant 5.000000e-01 : f32
      %add3A_694 = vector.broadcast %add3A_693 : f32 to vector<1x256xf32>
      %add3A_695 = arith.addf %mul3A_692, %add3A_694 : vector<1x256xf32>
      %slice3A_696 = vector.extract_strided_slice %add3A_633 {offsets = [0, 512], sizes = [1, 256], strides = [1, 1]} : vector<1x1024xf32> to vector<1x256xf32>
      %tanh3A_697 = math.tanh %slice3A_696 : vector<1x256xf32>
      %slice3A_698 = vector.extract_strided_slice %add3A_633 {offsets = [0, 768], sizes = [1, 256], strides = [1, 1]} : vector<1x1024xf32> to vector<1x256xf32>
      %mul3A_699 = arith.constant 5.000000e-01 : f32
      %mul3A_700 = vector.broadcast %mul3A_699 : f32 to vector<1x256xf32>
      %mul3A_701 = arith.mulf %mul3A_700, %slice3A_698 : vector<1x256xf32>
      %tanh3A_702 = math.tanh %mul3A_701 : vector<1x256xf32>
      %mul3A_703 = arith.constant 5.000000e-01 : f32
      %mul3A_704 = vector.broadcast %mul3A_703 : f32 to vector<1x256xf32>
      %mul3A_705 = arith.mulf %mul3A_704, %tanh3A_702 : vector<1x256xf32>
      %add3A_706 = arith.constant 5.000000e-01 : f32
      %add3A_707 = vector.broadcast %add3A_706 : f32 to vector<1x256xf32>
      %add3A_708 = arith.addf %mul3A_705, %add3A_707 : vector<1x256xf32>
      %mul3A_709 = arith.mulf %add3A_695, %add3A_599 : vector<1x256xf32>
      %mul3A_710 = arith.mulf %add3A_684, %tanh3A_697 : vector<1x256xf32>
      %add3A_711 = arith.addf %mul3A_709, %mul3A_710 : vector<1x256xf32>
      %tanh3A_712 = math.tanh %add3A_711 : vector<1x256xf32>
      %mul3A_713 = arith.mulf %add3A_708, %tanh3A_712 : vector<1x256xf32>
      %slice3A_714 = vector.extract_strided_slice %get3A_40 {offsets = [6, 0], sizes = [1, 1024], strides = [1, 1]} : vector<8x1024xf32> to vector<1x1024xf32>
      %convert_element_type3A_715 = arith.truncf %mul3A_673 : vector<1x256xf32> to vector<1x256xbf16>
      %slice3A_716 = vector.extract_strided_slice %convert_element_type3A_715 {offsets = [0, 0], sizes = [1, 128], strides = [1, 1]} : vector<1x256xbf16> to vector<1x128xbf16>
      %get3A_717 = arith.constant 0 : index
      %get3A_718 = arith.constant 0 : index
      %get3A_719 = vector.load %arg2[%get3A_717, %get3A_718] : memref<256x1024xbf16, #tpu.memory_space<vmem>>, vector<128x1024xbf16>
      %dot_general3A_720 = arith.constant dense<0.000000e+00> : vector<1x1024xf32>
      %dot_general3A_721 = tpu.matmul %slice3A_716, %get3A_719, %dot_general3A_720 {dimension_numbers = #tpu.dot_dimension_numbers<[1], [0], [0], [1], [0, 0, 1, 1], [], []>, transpose_lhs_hint = false} : vector<1x128xbf16>, vector<128x1024xbf16>, vector<1x1024xf32> -> vector<1x1024xf32>
      %add3A_722 = arith.addf %slice3A_714, %dot_general3A_721 : vector<1x1024xf32>
      %slice3A_723 = vector.extract_strided_slice %convert_element_type3A_715 {offsets = [0, 128], sizes = [1, 128], strides = [1, 1]} : vector<1x256xbf16> to vector<1x128xbf16>
      %get3A_724 = arith.constant 128 : index
      %get3A_725 = arith.constant 0 : index
      %get3A_726 = vector.load %arg2[%get3A_724, %get3A_725] : memref<256x1024xbf16, #tpu.memory_space<vmem>>, vector<128x1024xbf16>
      %dot_general3A_727 = arith.constant dense<0.000000e+00> : vector<1x1024xf32>
      %dot_general3A_728 = tpu.matmul %slice3A_723, %get3A_726, %dot_general3A_727 {dimension_numbers = #tpu.dot_dimension_numbers<[1], [0], [0], [1], [0, 0, 1, 1], [], []>, transpose_lhs_hint = false} : vector<1x128xbf16>, vector<128x1024xbf16>, vector<1x1024xf32> -> vector<1x1024xf32>
      %add3A_729 = arith.addf %add3A_722, %dot_general3A_728 : vector<1x1024xf32>
      %slice3A_730 = vector.extract_strided_slice %get3A_43 {offsets = [1, 0], sizes = [1, 1024], strides = [1, 1]} : vector<8x1024xf32> to vector<1x1024xf32>
      %convert_element_type3A_731 = arith.truncf %mul3A_713 : vector<1x256xf32> to vector<1x256xbf16>
      %slice3A_732 = vector.extract_strided_slice %convert_element_type3A_731 {offsets = [0, 0], sizes = [1, 128], strides = [1, 1]} : vector<1x256xbf16> to vector<1x128xbf16>
      %get3A_733 = arith.constant 0 : index
      %get3A_734 = arith.constant 0 : index
      %get3A_735 = vector.load %arg5[%get3A_733, %get3A_734] : memref<256x1024xbf16, #tpu.memory_space<vmem>>, vector<128x1024xbf16>
      %dot_general3A_736 = arith.constant dense<0.000000e+00> : vector<1x1024xf32>
      %dot_general3A_737 = tpu.matmul %slice3A_732, %get3A_735, %dot_general3A_736 {dimension_numbers = #tpu.dot_dimension_numbers<[1], [0], [0], [1], [0, 0, 1, 1], [], []>, transpose_lhs_hint = false} : vector<1x128xbf16>, vector<128x1024xbf16>, vector<1x1024xf32> -> vector<1x1024xf32>
      %add3A_738 = arith.addf %slice3A_730, %dot_general3A_737 : vector<1x1024xf32>
      %slice3A_739 = vector.extract_strided_slice %convert_element_type3A_731 {offsets = [0, 128], sizes = [1, 128], strides = [1, 1]} : vector<1x256xbf16> to vector<1x128xbf16>
      %get3A_740 = arith.constant 128 : index
      %get3A_741 = arith.constant 0 : index
      %get3A_742 = vector.load %arg5[%get3A_740, %get3A_741] : memref<256x1024xbf16, #tpu.memory_space<vmem>>, vector<128x1024xbf16>
      %dot_general3A_743 = arith.constant dense<0.000000e+00> : vector<1x1024xf32>
      %dot_general3A_744 = tpu.matmul %slice3A_739, %get3A_742, %dot_general3A_743 {dimension_numbers = #tpu.dot_dimension_numbers<[1], [0], [0], [1], [0, 0, 1, 1], [], []>, transpose_lhs_hint = false} : vector<1x128xbf16>, vector<128x1024xbf16>, vector<1x1024xf32> -> vector<1x1024xf32>
      %add3A_745 = arith.addf %add3A_738, %dot_general3A_744 : vector<1x1024xf32>
      %slice3A_746 = vector.extract_strided_slice %add3A_729 {offsets = [0, 0], sizes = [1, 256], strides = [1, 1]} : vector<1x1024xf32> to vector<1x256xf32>
      %mul3A_747 = arith.constant 5.000000e-01 : f32
      %mul3A_748 = vector.broadcast %mul3A_747 : f32 to vector<1x256xf32>
      %mul3A_749 = arith.mulf %mul3A_748, %slice3A_746 : vector<1x256xf32>
      %tanh3A_750 = math.tanh %mul3A_749 : vector<1x256xf32>
      %mul3A_751 = arith.constant 5.000000e-01 : f32
      %mul3A_752 = vector.broadcast %mul3A_751 : f32 to vector<1x256xf32>
      %mul3A_753 = arith.mulf %mul3A_752, %tanh3A_750 : vector<1x256xf32>
      %add3A_754 = arith.constant 5.000000e-01 : f32
      %add3A_755 = vector.broadcast %add3A_754 : f32 to vector<1x256xf32>
      %add3A_756 = arith.addf %mul3A_753, %add3A_755 : vector<1x256xf32>
      %slice3A_757 = vector.extract_strided_slice %add3A_729 {offsets = [0, 256], sizes = [1, 256], strides = [1, 1]} : vector<1x1024xf32> to vector<1x256xf32>
      %mul3A_758 = arith.constant 5.000000e-01 : f32
      %mul3A_759 = vector.broadcast %mul3A_758 : f32 to vector<1x256xf32>
      %mul3A_760 = arith.mulf %mul3A_759, %slice3A_757 : vector<1x256xf32>
      %tanh3A_761 = math.tanh %mul3A_760 : vector<1x256xf32>
      %mul3A_762 = arith.constant 5.000000e-01 : f32
      %mul3A_763 = vector.broadcast %mul3A_762 : f32 to vector<1x256xf32>
      %mul3A_764 = arith.mulf %mul3A_763, %tanh3A_761 : vector<1x256xf32>
      %add3A_765 = arith.constant 5.000000e-01 : f32
      %add3A_766 = vector.broadcast %add3A_765 : f32 to vector<1x256xf32>
      %add3A_767 = arith.addf %mul3A_764, %add3A_766 : vector<1x256xf32>
      %slice3A_768 = vector.extract_strided_slice %add3A_729 {offsets = [0, 512], sizes = [1, 256], strides = [1, 1]} : vector<1x1024xf32> to vector<1x256xf32>
      %tanh3A_769 = math.tanh %slice3A_768 : vector<1x256xf32>
      %slice3A_770 = vector.extract_strided_slice %add3A_729 {offsets = [0, 768], sizes = [1, 256], strides = [1, 1]} : vector<1x1024xf32> to vector<1x256xf32>
      %mul3A_771 = arith.constant 5.000000e-01 : f32
      %mul3A_772 = vector.broadcast %mul3A_771 : f32 to vector<1x256xf32>
      %mul3A_773 = arith.mulf %mul3A_772, %slice3A_770 : vector<1x256xf32>
      %tanh3A_774 = math.tanh %mul3A_773 : vector<1x256xf32>
      %mul3A_775 = arith.constant 5.000000e-01 : f32
      %mul3A_776 = vector.broadcast %mul3A_775 : f32 to vector<1x256xf32>
      %mul3A_777 = arith.mulf %mul3A_776, %tanh3A_774 : vector<1x256xf32>
      %add3A_778 = arith.constant 5.000000e-01 : f32
      %add3A_779 = vector.broadcast %add3A_778 : f32 to vector<1x256xf32>
      %add3A_780 = arith.addf %mul3A_777, %add3A_779 : vector<1x256xf32>
      %mul3A_781 = arith.mulf %add3A_767, %add3A_671 : vector<1x256xf32>
      %mul3A_782 = arith.mulf %add3A_756, %tanh3A_769 : vector<1x256xf32>
      %add3A_783 = arith.addf %mul3A_781, %mul3A_782 : vector<1x256xf32>
      %tanh3A_784 = math.tanh %add3A_783 : vector<1x256xf32>
      %mul3A_785 = arith.mulf %add3A_780, %tanh3A_784 : vector<1x256xf32>
      %slice3A_786 = vector.extract_strided_slice %add3A_745 {offsets = [0, 0], sizes = [1, 256], strides = [1, 1]} : vector<1x1024xf32> to vector<1x256xf32>
      %mul3A_787 = arith.constant 5.000000e-01 : f32
      %mul3A_788 = vector.broadcast %mul3A_787 : f32 to vector<1x256xf32>
      %mul3A_789 = arith.mulf %mul3A_788, %slice3A_786 : vector<1x256xf32>
      %tanh3A_790 = math.tanh %mul3A_789 : vector<1x256xf32>
      %mul3A_791 = arith.constant 5.000000e-01 : f32
      %mul3A_792 = vector.broadcast %mul3A_791 : f32 to vector<1x256xf32>
      %mul3A_793 = arith.mulf %mul3A_792, %tanh3A_790 : vector<1x256xf32>
      %add3A_794 = arith.constant 5.000000e-01 : f32
      %add3A_795 = vector.broadcast %add3A_794 : f32 to vector<1x256xf32>
      %add3A_796 = arith.addf %mul3A_793, %add3A_795 : vector<1x256xf32>
      %slice3A_797 = vector.extract_strided_slice %add3A_745 {offsets = [0, 256], sizes = [1, 256], strides = [1, 1]} : vector<1x1024xf32> to vector<1x256xf32>
      %mul3A_798 = arith.constant 5.000000e-01 : f32
      %mul3A_799 = vector.broadcast %mul3A_798 : f32 to vector<1x256xf32>
      %mul3A_800 = arith.mulf %mul3A_799, %slice3A_797 : vector<1x256xf32>
      %tanh3A_801 = math.tanh %mul3A_800 : vector<1x256xf32>
      %mul3A_802 = arith.constant 5.000000e-01 : f32
      %mul3A_803 = vector.broadcast %mul3A_802 : f32 to vector<1x256xf32>
      %mul3A_804 = arith.mulf %mul3A_803, %tanh3A_801 : vector<1x256xf32>
      %add3A_805 = arith.constant 5.000000e-01 : f32
      %add3A_806 = vector.broadcast %add3A_805 : f32 to vector<1x256xf32>
      %add3A_807 = arith.addf %mul3A_804, %add3A_806 : vector<1x256xf32>
      %slice3A_808 = vector.extract_strided_slice %add3A_745 {offsets = [0, 512], sizes = [1, 256], strides = [1, 1]} : vector<1x1024xf32> to vector<1x256xf32>
      %tanh3A_809 = math.tanh %slice3A_808 : vector<1x256xf32>
      %slice3A_810 = vector.extract_strided_slice %add3A_745 {offsets = [0, 768], sizes = [1, 256], strides = [1, 1]} : vector<1x1024xf32> to vector<1x256xf32>
      %mul3A_811 = arith.constant 5.000000e-01 : f32
      %mul3A_812 = vector.broadcast %mul3A_811 : f32 to vector<1x256xf32>
      %mul3A_813 = arith.mulf %mul3A_812, %slice3A_810 : vector<1x256xf32>
      %tanh3A_814 = math.tanh %mul3A_813 : vector<1x256xf32>
      %mul3A_815 = arith.constant 5.000000e-01 : f32
      %mul3A_816 = vector.broadcast %mul3A_815 : f32 to vector<1x256xf32>
      %mul3A_817 = arith.mulf %mul3A_816, %tanh3A_814 : vector<1x256xf32>
      %add3A_818 = arith.constant 5.000000e-01 : f32
      %add3A_819 = vector.broadcast %add3A_818 : f32 to vector<1x256xf32>
      %add3A_820 = arith.addf %mul3A_817, %add3A_819 : vector<1x256xf32>
      %mul3A_821 = arith.mulf %add3A_807, %add3A_711 : vector<1x256xf32>
      %mul3A_822 = arith.mulf %add3A_796, %tanh3A_809 : vector<1x256xf32>
      %add3A_823 = arith.addf %mul3A_821, %mul3A_822 : vector<1x256xf32>
      %tanh3A_824 = math.tanh %add3A_823 : vector<1x256xf32>
      %mul3A_825 = arith.mulf %add3A_820, %tanh3A_824 : vector<1x256xf32>
      %slice3A_826 = vector.extract_strided_slice %get3A_40 {offsets = [7, 0], sizes = [1, 1024], strides = [1, 1]} : vector<8x1024xf32> to vector<1x1024xf32>
      %convert_element_type3A_827 = arith.truncf %mul3A_785 : vector<1x256xf32> to vector<1x256xbf16>
      %slice3A_828 = vector.extract_strided_slice %convert_element_type3A_827 {offsets = [0, 0], sizes = [1, 128], strides = [1, 1]} : vector<1x256xbf16> to vector<1x128xbf16>
      %get3A_829 = arith.constant 0 : index
      %get3A_830 = arith.constant 0 : index
      %get3A_831 = vector.load %arg2[%get3A_829, %get3A_830] : memref<256x1024xbf16, #tpu.memory_space<vmem>>, vector<128x1024xbf16>
      %dot_general3A_832 = arith.constant dense<0.000000e+00> : vector<1x1024xf32>
      %dot_general3A_833 = tpu.matmul %slice3A_828, %get3A_831, %dot_general3A_832 {dimension_numbers = #tpu.dot_dimension_numbers<[1], [0], [0], [1], [0, 0, 1, 1], [], []>, transpose_lhs_hint = false} : vector<1x128xbf16>, vector<128x1024xbf16>, vector<1x1024xf32> -> vector<1x1024xf32>
      %add3A_834 = arith.addf %slice3A_826, %dot_general3A_833 : vector<1x1024xf32>
      %slice3A_835 = vector.extract_strided_slice %convert_element_type3A_827 {offsets = [0, 128], sizes = [1, 128], strides = [1, 1]} : vector<1x256xbf16> to vector<1x128xbf16>
      %get3A_836 = arith.constant 128 : index
      %get3A_837 = arith.constant 0 : index
      %get3A_838 = vector.load %arg2[%get3A_836, %get3A_837] : memref<256x1024xbf16, #tpu.memory_space<vmem>>, vector<128x1024xbf16>
      %dot_general3A_839 = arith.constant dense<0.000000e+00> : vector<1x1024xf32>
      %dot_general3A_840 = tpu.matmul %slice3A_835, %get3A_838, %dot_general3A_839 {dimension_numbers = #tpu.dot_dimension_numbers<[1], [0], [0], [1], [0, 0, 1, 1], [], []>, transpose_lhs_hint = false} : vector<1x128xbf16>, vector<128x1024xbf16>, vector<1x1024xf32> -> vector<1x1024xf32>
      %add3A_841 = arith.addf %add3A_834, %dot_general3A_840 : vector<1x1024xf32>
      %slice3A_842 = vector.extract_strided_slice %get3A_43 {offsets = [0, 0], sizes = [1, 1024], strides = [1, 1]} : vector<8x1024xf32> to vector<1x1024xf32>
      %convert_element_type3A_843 = arith.truncf %mul3A_825 : vector<1x256xf32> to vector<1x256xbf16>
      %slice3A_844 = vector.extract_strided_slice %convert_element_type3A_843 {offsets = [0, 0], sizes = [1, 128], strides = [1, 1]} : vector<1x256xbf16> to vector<1x128xbf16>
      %get3A_845 = arith.constant 0 : index
      %get3A_846 = arith.constant 0 : index
      %get3A_847 = vector.load %arg5[%get3A_845, %get3A_846] : memref<256x1024xbf16, #tpu.memory_space<vmem>>, vector<128x1024xbf16>
      %dot_general3A_848 = arith.constant dense<0.000000e+00> : vector<1x1024xf32>
      %dot_general3A_849 = tpu.matmul %slice3A_844, %get3A_847, %dot_general3A_848 {dimension_numbers = #tpu.dot_dimension_numbers<[1], [0], [0], [1], [0, 0, 1, 1], [], []>, transpose_lhs_hint = false} : vector<1x128xbf16>, vector<128x1024xbf16>, vector<1x1024xf32> -> vector<1x1024xf32>
      %add3A_850 = arith.addf %slice3A_842, %dot_general3A_849 : vector<1x1024xf32>
      %slice3A_851 = vector.extract_strided_slice %convert_element_type3A_843 {offsets = [0, 128], sizes = [1, 128], strides = [1, 1]} : vector<1x256xbf16> to vector<1x128xbf16>
      %get3A_852 = arith.constant 128 : index
      %get3A_853 = arith.constant 0 : index
      %get3A_854 = vector.load %arg5[%get3A_852, %get3A_853] : memref<256x1024xbf16, #tpu.memory_space<vmem>>, vector<128x1024xbf16>
      %dot_general3A_855 = arith.constant dense<0.000000e+00> : vector<1x1024xf32>
      %dot_general3A_856 = tpu.matmul %slice3A_851, %get3A_854, %dot_general3A_855 {dimension_numbers = #tpu.dot_dimension_numbers<[1], [0], [0], [1], [0, 0, 1, 1], [], []>, transpose_lhs_hint = false} : vector<1x128xbf16>, vector<128x1024xbf16>, vector<1x1024xf32> -> vector<1x1024xf32>
      %add3A_857 = arith.addf %add3A_850, %dot_general3A_856 : vector<1x1024xf32>
      %slice3A_858 = vector.extract_strided_slice %add3A_841 {offsets = [0, 0], sizes = [1, 256], strides = [1, 1]} : vector<1x1024xf32> to vector<1x256xf32>
      %mul3A_859 = arith.constant 5.000000e-01 : f32
      %mul3A_860 = vector.broadcast %mul3A_859 : f32 to vector<1x256xf32>
      %mul3A_861 = arith.mulf %mul3A_860, %slice3A_858 : vector<1x256xf32>
      %tanh3A_862 = math.tanh %mul3A_861 : vector<1x256xf32>
      %mul3A_863 = arith.constant 5.000000e-01 : f32
      %mul3A_864 = vector.broadcast %mul3A_863 : f32 to vector<1x256xf32>
      %mul3A_865 = arith.mulf %mul3A_864, %tanh3A_862 : vector<1x256xf32>
      %add3A_866 = arith.constant 5.000000e-01 : f32
      %add3A_867 = vector.broadcast %add3A_866 : f32 to vector<1x256xf32>
      %add3A_868 = arith.addf %mul3A_865, %add3A_867 : vector<1x256xf32>
      %slice3A_869 = vector.extract_strided_slice %add3A_841 {offsets = [0, 256], sizes = [1, 256], strides = [1, 1]} : vector<1x1024xf32> to vector<1x256xf32>
      %mul3A_870 = arith.constant 5.000000e-01 : f32
      %mul3A_871 = vector.broadcast %mul3A_870 : f32 to vector<1x256xf32>
      %mul3A_872 = arith.mulf %mul3A_871, %slice3A_869 : vector<1x256xf32>
      %tanh3A_873 = math.tanh %mul3A_872 : vector<1x256xf32>
      %mul3A_874 = arith.constant 5.000000e-01 : f32
      %mul3A_875 = vector.broadcast %mul3A_874 : f32 to vector<1x256xf32>
      %mul3A_876 = arith.mulf %mul3A_875, %tanh3A_873 : vector<1x256xf32>
      %add3A_877 = arith.constant 5.000000e-01 : f32
      %add3A_878 = vector.broadcast %add3A_877 : f32 to vector<1x256xf32>
      %add3A_879 = arith.addf %mul3A_876, %add3A_878 : vector<1x256xf32>
      %slice3A_880 = vector.extract_strided_slice %add3A_841 {offsets = [0, 512], sizes = [1, 256], strides = [1, 1]} : vector<1x1024xf32> to vector<1x256xf32>
      %tanh3A_881 = math.tanh %slice3A_880 : vector<1x256xf32>
      %slice3A_882 = vector.extract_strided_slice %add3A_841 {offsets = [0, 768], sizes = [1, 256], strides = [1, 1]} : vector<1x1024xf32> to vector<1x256xf32>
      %mul3A_883 = arith.constant 5.000000e-01 : f32
      %mul3A_884 = vector.broadcast %mul3A_883 : f32 to vector<1x256xf32>
      %mul3A_885 = arith.mulf %mul3A_884, %slice3A_882 : vector<1x256xf32>
      %tanh3A_886 = math.tanh %mul3A_885 : vector<1x256xf32>
      %mul3A_887 = arith.constant 5.000000e-01 : f32
      %mul3A_888 = vector.broadcast %mul3A_887 : f32 to vector<1x256xf32>
      %mul3A_889 = arith.mulf %mul3A_888, %tanh3A_886 : vector<1x256xf32>
      %add3A_890 = arith.constant 5.000000e-01 : f32
      %add3A_891 = vector.broadcast %add3A_890 : f32 to vector<1x256xf32>
      %add3A_892 = arith.addf %mul3A_889, %add3A_891 : vector<1x256xf32>
      %mul3A_893 = arith.mulf %add3A_879, %add3A_783 : vector<1x256xf32>
      %mul3A_894 = arith.mulf %add3A_868, %tanh3A_881 : vector<1x256xf32>
      %add3A_895 = arith.addf %mul3A_893, %mul3A_894 : vector<1x256xf32>
      %tanh3A_896 = math.tanh %add3A_895 : vector<1x256xf32>
      %mul3A_897 = arith.mulf %add3A_892, %tanh3A_896 : vector<1x256xf32>
      %slice3A_898 = vector.extract_strided_slice %add3A_857 {offsets = [0, 0], sizes = [1, 256], strides = [1, 1]} : vector<1x1024xf32> to vector<1x256xf32>
      %mul3A_899 = arith.constant 5.000000e-01 : f32
      %mul3A_900 = vector.broadcast %mul3A_899 : f32 to vector<1x256xf32>
      %mul3A_901 = arith.mulf %mul3A_900, %slice3A_898 : vector<1x256xf32>
      %tanh3A_902 = math.tanh %mul3A_901 : vector<1x256xf32>
      %mul3A_903 = arith.constant 5.000000e-01 : f32
      %mul3A_904 = vector.broadcast %mul3A_903 : f32 to vector<1x256xf32>
      %mul3A_905 = arith.mulf %mul3A_904, %tanh3A_902 : vector<1x256xf32>
      %add3A_906 = arith.constant 5.000000e-01 : f32
      %add3A_907 = vector.broadcast %add3A_906 : f32 to vector<1x256xf32>
      %add3A_908 = arith.addf %mul3A_905, %add3A_907 : vector<1x256xf32>
      %slice3A_909 = vector.extract_strided_slice %add3A_857 {offsets = [0, 256], sizes = [1, 256], strides = [1, 1]} : vector<1x1024xf32> to vector<1x256xf32>
      %mul3A_910 = arith.constant 5.000000e-01 : f32
      %mul3A_911 = vector.broadcast %mul3A_910 : f32 to vector<1x256xf32>
      %mul3A_912 = arith.mulf %mul3A_911, %slice3A_909 : vector<1x256xf32>
      %tanh3A_913 = math.tanh %mul3A_912 : vector<1x256xf32>
      %mul3A_914 = arith.constant 5.000000e-01 : f32
      %mul3A_915 = vector.broadcast %mul3A_914 : f32 to vector<1x256xf32>
      %mul3A_916 = arith.mulf %mul3A_915, %tanh3A_913 : vector<1x256xf32>
      %add3A_917 = arith.constant 5.000000e-01 : f32
      %add3A_918 = vector.broadcast %add3A_917 : f32 to vector<1x256xf32>
      %add3A_919 = arith.addf %mul3A_916, %add3A_918 : vector<1x256xf32>
      %slice3A_920 = vector.extract_strided_slice %add3A_857 {offsets = [0, 512], sizes = [1, 256], strides = [1, 1]} : vector<1x1024xf32> to vector<1x256xf32>
      %tanh3A_921 = math.tanh %slice3A_920 : vector<1x256xf32>
      %slice3A_922 = vector.extract_strided_slice %add3A_857 {offsets = [0, 768], sizes = [1, 256], strides = [1, 1]} : vector<1x1024xf32> to vector<1x256xf32>
      %mul3A_923 = arith.constant 5.000000e-01 : f32
      %mul3A_924 = vector.broadcast %mul3A_923 : f32 to vector<1x256xf32>
      %mul3A_925 = arith.mulf %mul3A_924, %slice3A_922 : vector<1x256xf32>
      %tanh3A_926 = math.tanh %mul3A_925 : vector<1x256xf32>
      %mul3A_927 = arith.constant 5.000000e-01 : f32
      %mul3A_928 = vector.broadcast %mul3A_927 : f32 to vector<1x256xf32>
      %mul3A_929 = arith.mulf %mul3A_928, %tanh3A_926 : vector<1x256xf32>
      %add3A_930 = arith.constant 5.000000e-01 : f32
      %add3A_931 = vector.broadcast %add3A_930 : f32 to vector<1x256xf32>
      %add3A_932 = arith.addf %mul3A_929, %add3A_931 : vector<1x256xf32>
      %mul3A_933 = arith.mulf %add3A_919, %add3A_823 : vector<1x256xf32>
      %mul3A_934 = arith.mulf %add3A_908, %tanh3A_921 : vector<1x256xf32>
      %add3A_935 = arith.addf %mul3A_933, %mul3A_934 : vector<1x256xf32>
      %tanh3A_936 = math.tanh %add3A_935 : vector<1x256xf32>
      %mul3A_937 = arith.mulf %add3A_932, %tanh3A_936 : vector<1x256xf32>
      %concatenate3A = tpu.concatenate %mul3A_113, %mul3A_225, %mul3A_337, %mul3A_449, %mul3A_561, %mul3A_673, %mul3A_785, %mul3A_897 in 0 : vector<1x256xf32>, vector<1x256xf32>, vector<1x256xf32>, vector<1x256xf32>, vector<1x256xf32>, vector<1x256xf32>, vector<1x256xf32>, vector<1x256xf32> -> vector<8x256xf32>
      %swap3A_938 = arith.index_cast %mul3A_36 : i32 to index
      %swap3A_939 = arith.constant 0 : index
      %swap3A_940 = vector.load %arg7[%swap3A_938, %swap3A_939] : memref<512x512xf32, #tpu.memory_space<vmem>>, vector<8x256xf32>
      tpu.vector_store %arg7[%swap3A_938, %swap3A_939], %concatenate3A {strides = array<i32>} : memref<512x512xf32, #tpu.memory_space<vmem>>, vector<8x256xf32>,
      %concatenate3A_941 = tpu.concatenate %mul3A_937, %mul3A_825, %mul3A_713, %mul3A_601, %mul3A_489, %mul3A_377, %mul3A_265, %mul3A_153 in 0 : vector<1x256xf32>, vector<1x256xf32>, vector<1x256xf32>, vector<1x256xf32>, vector<1x256xf32>, vector<1x256xf32>, vector<1x256xf32>, vector<1x256xf32> -> vector<8x256xf32>
      %swap3A_942 = arith.index_cast %sub3A_37 : i32 to index
      %swap3A_943 = arith.constant 256 : index
      %swap3A_944 = vector.load %arg7[%swap3A_942, %swap3A_943] : memref<512x512xf32, #tpu.memory_space<vmem>>, vector<8x256xf32>
      tpu.vector_store %arg7[%swap3A_942, %swap3A_943], %concatenate3A_941 {strides = array<i32>} : memref<512x512xf32, #tpu.memory_space<vmem>>, vector<8x256xf32>,
      scf.yield %mul3A_897, %add3A_895, %mul3A_937, %add3A_935 : vector<1x256xf32>, vector<1x256xf32>, vector<1x256xf32>, vector<1x256xf32>
    }
    %scan3A_30 = arith.constant 64 : i32
    return
  }
}

module attributes {stable_mosaic.version = 14 : i64} {
  func.func @_lstm_layer_body(%arg0: memref<512x512xf32, #tpu.memory_space<vmem>>, %arg1: memref<512x1024xbf16, #tpu.memory_space<vmem>>, %arg2: memref<256x1024xbf16, #tpu.memory_space<vmem>>, %arg3: memref<1x1024xf32, #tpu.memory_space<vmem>>, %arg4: memref<512x1024xbf16, #tpu.memory_space<vmem>>, %arg5: memref<256x1024xbf16, #tpu.memory_space<vmem>>, %arg6: memref<1x1024xf32, #tpu.memory_space<vmem>>, %arg7: memref<512x512xf32, #tpu.memory_space<vmem>>, %arg8: memref<512x1024xf32, #tpu.memory_space<vmem>>, %arg9: memref<512x1024xf32, #tpu.memory_space<vmem>>) attributes {dimension_semantics = [], scalar_prefetch = 0 : i64, scratch_operands = 2 : i64, tpu.core_type = #tpu.core_type<tc>} {
    %get3A = arith.constant 0 : index
    %get3A_0 = arith.constant 0 : index
    %get3A_1 = vector.load %arg0[%get3A, %get3A_0] : memref<512x512xf32, #tpu.memory_space<vmem>>, vector<512x512xf32>
    %convert_element_type3A = arith.truncf %get3A_1 : vector<512x512xf32> to vector<512x512xbf16>
    %get3A_2 = arith.constant 0 : index
    %get3A_3 = arith.constant 0 : index
    %get3A_4 = vector.load %arg1[%get3A_2, %get3A_3] : memref<512x1024xbf16, #tpu.memory_space<vmem>>, vector<512x1024xbf16>
    %dot_general3A = arith.constant dense<0.000000e+00> : vector<512x1024xf32>
    %dot_general3A_5 = tpu.matmul %convert_element_type3A, %get3A_4, %dot_general3A {dimension_numbers = #tpu.dot_dimension_numbers<[1], [0], [0], [1], [0, 0, 1, 1], [], []>, transpose_lhs_hint = false} : vector<512x512xbf16>, vector<512x1024xbf16>, vector<512x1024xf32> -> vector<512x1024xf32>
    %get3A_6 = arith.constant 0 : index
    %get3A_7 = arith.constant 0 : index
    %get3A_8 = vector.load %arg3[%get3A_6, %get3A_7] : memref<1x1024xf32, #tpu.memory_space<vmem>>, vector<1x1024xf32>
    %add3A = vector.broadcast %get3A_8 : vector<1x1024xf32> to vector<512x1024xf32>
    %add3A_9 = arith.addf %dot_general3A_5, %add3A : vector<512x1024xf32>
    %swap3A = arith.constant 0 : index
    %swap3A_10 = arith.constant 0 : index
    %swap3A_11 = vector.load %arg8[%swap3A, %swap3A_10] : memref<512x1024xf32, #tpu.memory_space<vmem>>, vector<512x1024xf32>
    tpu.vector_store %arg8[%swap3A, %swap3A_10], %add3A_9 {strides = array<i32>} : memref<512x1024xf32, #tpu.memory_space<vmem>>, vector<512x1024xf32>,
    %get3A_12 = arith.constant 0 : index
    %get3A_13 = arith.constant 0 : index
    %get3A_14 = vector.load %arg4[%get3A_12, %get3A_13] : memref<512x1024xbf16, #tpu.memory_space<vmem>>, vector<512x1024xbf16>
    %dot_general3A_15 = arith.constant dense<0.000000e+00> : vector<512x1024xf32>
    %dot_general3A_16 = tpu.matmul %convert_element_type3A, %get3A_14, %dot_general3A_15 {dimension_numbers = #tpu.dot_dimension_numbers<[1], [0], [0], [1], [0, 0, 1, 1], [], []>, transpose_lhs_hint = false} : vector<512x512xbf16>, vector<512x1024xbf16>, vector<512x1024xf32> -> vector<512x1024xf32>
    %get3A_17 = arith.constant 0 : index
    %get3A_18 = arith.constant 0 : index
    %get3A_19 = vector.load %arg6[%get3A_17, %get3A_18] : memref<1x1024xf32, #tpu.memory_space<vmem>>, vector<1x1024xf32>
    %add3A_20 = vector.broadcast %get3A_19 : vector<1x1024xf32> to vector<512x1024xf32>
    %add3A_21 = arith.addf %dot_general3A_16, %add3A_20 : vector<512x1024xf32>
    %swap3A_22 = arith.constant 0 : index
    %swap3A_23 = arith.constant 0 : index
    %swap3A_24 = vector.load %arg9[%swap3A_22, %swap3A_23] : memref<512x1024xf32, #tpu.memory_space<vmem>>, vector<512x1024xf32>
    tpu.vector_store %arg9[%swap3A_22, %swap3A_23], %add3A_21 {strides = array<i32>} : memref<512x1024xf32, #tpu.memory_space<vmem>>, vector<512x1024xf32>,
    %broadcast_in_dim3A = arith.constant 0.000000e+00 : f32
    %broadcast_in_dim3A_25 = vector.broadcast %broadcast_in_dim3A : f32 to vector<1x256xf32>
    %scan3A = arith.constant 0 : i32
    %scan3A_26 = arith.constant 64 : i32
    %scan3A_27 = arith.addi %scan3A, %scan3A_26 : i32
    %scan3A_28 = arith.constant 1 : i32
    %scan3A_29:4 = scf.for %scan3A_31 = %scan3A to %scan3A_27 step %scan3A_28 iter_args(%scan3A_32 = %broadcast_in_dim3A_25, %scan3A_33 = %broadcast_in_dim3A_25, %scan3A_34 = %broadcast_in_dim3A_25, %scan3A_35 = %broadcast_in_dim3A_25) -> (vector<1x256xf32>, vector<1x256xf32>, vector<1x256xf32>, vector<1x256xf32>)  : i32 {
      %mul3A = arith.constant 8 : i32
      %mul3A_36 = arith.muli %scan3A_31, %mul3A : i32
      %sub3A = arith.constant 504 : i32
      %sub3A_37 = arith.subi %sub3A, %mul3A_36 : i32
      %get3A_38 = arith.index_cast %mul3A_36 : i32 to index
      %get3A_39 = arith.constant 0 : index
      %get3A_40 = vector.load %arg8[%get3A_38, %get3A_39] : memref<512x1024xf32, #tpu.memory_space<vmem>>, vector<8x1024xf32>
      %get3A_41 = arith.index_cast %sub3A_37 : i32 to index
      %get3A_42 = arith.constant 0 : index
      %get3A_43 = vector.load %arg9[%get3A_41, %get3A_42] : memref<512x1024xf32, #tpu.memory_space<vmem>>, vector<8x1024xf32>
      %slice3A = vector.extract_strided_slice %get3A_40 {offsets = [0, 0], sizes = [1, 1024], strides = [1, 1]} : vector<8x1024xf32> to vector<1x1024xf32>
      %convert_element_type3A_44 = arith.truncf %scan3A_32 : vector<1x256xf32> to vector<1x256xbf16>
      %slice3A_45 = vector.extract_strided_slice %convert_element_type3A_44 {offsets = [0, 0], sizes = [1, 128], strides = [1, 1]} : vector<1x256xbf16> to vector<1x128xbf16>
      %get3A_46 = arith.constant 0 : index
      %get3A_47 = arith.constant 0 : index
      %get3A_48 = vector.load %arg2[%get3A_46, %get3A_47] : memref<256x1024xbf16, #tpu.memory_space<vmem>>, vector<128x1024xbf16>
      %dot_general3A_49 = arith.constant dense<0.000000e+00> : vector<1x1024xf32>
      %dot_general3A_50 = tpu.matmul %slice3A_45, %get3A_48, %dot_general3A_49 {dimension_numbers = #tpu.dot_dimension_numbers<[1], [0], [0], [1], [0, 0, 1, 1], [], []>, transpose_lhs_hint = false} : vector<1x128xbf16>, vector<128x1024xbf16>, vector<1x1024xf32> -> vector<1x1024xf32>
      %add3A_51 = arith.addf %slice3A, %dot_general3A_50 : vector<1x1024xf32>
      %slice3A_52 = vector.extract_strided_slice %convert_element_type3A_44 {offsets = [0, 128], sizes = [1, 128], strides = [1, 1]} : vector<1x256xbf16> to vector<1x128xbf16>
      %get3A_53 = arith.constant 128 : index
      %get3A_54 = arith.constant 0 : index
      %get3A_55 = vector.load %arg2[%get3A_53, %get3A_54] : memref<256x1024xbf16, #tpu.memory_space<vmem>>, vector<128x1024xbf16>
      %dot_general3A_56 = arith.constant dense<0.000000e+00> : vector<1x1024xf32>
      %dot_general3A_57 = tpu.matmul %slice3A_52, %get3A_55, %dot_general3A_56 {dimension_numbers = #tpu.dot_dimension_numbers<[1], [0], [0], [1], [0, 0, 1, 1], [], []>, transpose_lhs_hint = false} : vector<1x128xbf16>, vector<128x1024xbf16>, vector<1x1024xf32> -> vector<1x1024xf32>
      %add3A_58 = arith.addf %add3A_51, %dot_general3A_57 : vector<1x1024xf32>
      %slice3A_59 = vector.extract_strided_slice %get3A_43 {offsets = [7, 0], sizes = [1, 1024], strides = [1, 1]} : vector<8x1024xf32> to vector<1x1024xf32>
      %convert_element_type3A_60 = arith.truncf %scan3A_34 : vector<1x256xf32> to vector<1x256xbf16>
      %slice3A_61 = vector.extract_strided_slice %convert_element_type3A_60 {offsets = [0, 0], sizes = [1, 128], strides = [1, 1]} : vector<1x256xbf16> to vector<1x128xbf16>
      %get3A_62 = arith.constant 0 : index
      %get3A_63 = arith.constant 0 : index
      %get3A_64 = vector.load %arg5[%get3A_62, %get3A_63] : memref<256x1024xbf16, #tpu.memory_space<vmem>>, vector<128x1024xbf16>
      %dot_general3A_65 = arith.constant dense<0.000000e+00> : vector<1x1024xf32>
      %dot_general3A_66 = tpu.matmul %slice3A_61, %get3A_64, %dot_general3A_65 {dimension_numbers = #tpu.dot_dimension_numbers<[1], [0], [0], [1], [0, 0, 1, 1], [], []>, transpose_lhs_hint = false} : vector<1x128xbf16>, vector<128x1024xbf16>, vector<1x1024xf32> -> vector<1x1024xf32>
      %add3A_67 = arith.addf %slice3A_59, %dot_general3A_66 : vector<1x1024xf32>
      %slice3A_68 = vector.extract_strided_slice %convert_element_type3A_60 {offsets = [0, 128], sizes = [1, 128], strides = [1, 1]} : vector<1x256xbf16> to vector<1x128xbf16>
      %get3A_69 = arith.constant 128 : index
      %get3A_70 = arith.constant 0 : index
      %get3A_71 = vector.load %arg5[%get3A_69, %get3A_70] : memref<256x1024xbf16, #tpu.memory_space<vmem>>, vector<128x1024xbf16>
      %dot_general3A_72 = arith.constant dense<0.000000e+00> : vector<1x1024xf32>
      %dot_general3A_73 = tpu.matmul %slice3A_68, %get3A_71, %dot_general3A_72 {dimension_numbers = #tpu.dot_dimension_numbers<[1], [0], [0], [1], [0, 0, 1, 1], [], []>, transpose_lhs_hint = false} : vector<1x128xbf16>, vector<128x1024xbf16>, vector<1x1024xf32> -> vector<1x1024xf32>
      %add3A_74 = arith.addf %add3A_67, %dot_general3A_73 : vector<1x1024xf32>
      %slice3A_75 = vector.extract_strided_slice %add3A_58 {offsets = [0, 0], sizes = [1, 256], strides = [1, 1]} : vector<1x1024xf32> to vector<1x256xf32>
      %mul3A_76 = arith.constant 5.000000e-01 : f32
      %mul3A_77 = vector.broadcast %mul3A_76 : f32 to vector<1x256xf32>
      %mul3A_78 = arith.mulf %mul3A_77, %slice3A_75 : vector<1x256xf32>
      %tanh3A = math.tanh %mul3A_78 : vector<1x256xf32>
      %mul3A_79 = arith.constant 5.000000e-01 : f32
      %mul3A_80 = vector.broadcast %mul3A_79 : f32 to vector<1x256xf32>
      %mul3A_81 = arith.mulf %mul3A_80, %tanh3A : vector<1x256xf32>
      %add3A_82 = arith.constant 5.000000e-01 : f32
      %add3A_83 = vector.broadcast %add3A_82 : f32 to vector<1x256xf32>
      %add3A_84 = arith.addf %mul3A_81, %add3A_83 : vector<1x256xf32>
      %slice3A_85 = vector.extract_strided_slice %add3A_58 {offsets = [0, 256], sizes = [1, 256], strides = [1, 1]} : vector<1x1024xf32> to vector<1x256xf32>
      %mul3A_86 = arith.constant 5.000000e-01 : f32
      %mul3A_87 = vector.broadcast %mul3A_86 : f32 to vector<1x256xf32>
      %mul3A_88 = arith.mulf %mul3A_87, %slice3A_85 : vector<1x256xf32>
      %tanh3A_89 = math.tanh %mul3A_88 : vector<1x256xf32>
      %mul3A_90 = arith.constant 5.000000e-01 : f32
      %mul3A_91 = vector.broadcast %mul3A_90 : f32 to vector<1x256xf32>
      %mul3A_92 = arith.mulf %mul3A_91, %tanh3A_89 : vector<1x256xf32>
      %add3A_93 = arith.constant 5.000000e-01 : f32
      %add3A_94 = vector.broadcast %add3A_93 : f32 to vector<1x256xf32>
      %add3A_95 = arith.addf %mul3A_92, %add3A_94 : vector<1x256xf32>
      %slice3A_96 = vector.extract_strided_slice %add3A_58 {offsets = [0, 512], sizes = [1, 256], strides = [1, 1]} : vector<1x1024xf32> to vector<1x256xf32>
      %tanh3A_97 = math.tanh %slice3A_96 : vector<1x256xf32>
      %slice3A_98 = vector.extract_strided_slice %add3A_58 {offsets = [0, 768], sizes = [1, 256], strides = [1, 1]} : vector<1x1024xf32> to vector<1x256xf32>
      %mul3A_99 = arith.constant 5.000000e-01 : f32
      %mul3A_100 = vector.broadcast %mul3A_99 : f32 to vector<1x256xf32>
      %mul3A_101 = arith.mulf %mul3A_100, %slice3A_98 : vector<1x256xf32>
      %tanh3A_102 = math.tanh %mul3A_101 : vector<1x256xf32>
      %mul3A_103 = arith.constant 5.000000e-01 : f32
      %mul3A_104 = vector.broadcast %mul3A_103 : f32 to vector<1x256xf32>
      %mul3A_105 = arith.mulf %mul3A_104, %tanh3A_102 : vector<1x256xf32>
      %add3A_106 = arith.constant 5.000000e-01 : f32
      %add3A_107 = vector.broadcast %add3A_106 : f32 to vector<1x256xf32>
      %add3A_108 = arith.addf %mul3A_105, %add3A_107 : vector<1x256xf32>
      %mul3A_109 = arith.mulf %add3A_95, %scan3A_33 : vector<1x256xf32>
      %mul3A_110 = arith.mulf %add3A_84, %tanh3A_97 : vector<1x256xf32>
      %add3A_111 = arith.addf %mul3A_109, %mul3A_110 : vector<1x256xf32>
      %tanh3A_112 = math.tanh %add3A_111 : vector<1x256xf32>
      %mul3A_113 = arith.mulf %add3A_108, %tanh3A_112 : vector<1x256xf32>
      %slice3A_114 = vector.extract_strided_slice %add3A_74 {offsets = [0, 0], sizes = [1, 256], strides = [1, 1]} : vector<1x1024xf32> to vector<1x256xf32>
      %mul3A_115 = arith.constant 5.000000e-01 : f32
      %mul3A_116 = vector.broadcast %mul3A_115 : f32 to vector<1x256xf32>
      %mul3A_117 = arith.mulf %mul3A_116, %slice3A_114 : vector<1x256xf32>
      %tanh3A_118 = math.tanh %mul3A_117 : vector<1x256xf32>
      %mul3A_119 = arith.constant 5.000000e-01 : f32
      %mul3A_120 = vector.broadcast %mul3A_119 : f32 to vector<1x256xf32>
      %mul3A_121 = arith.mulf %mul3A_120, %tanh3A_118 : vector<1x256xf32>
      %add3A_122 = arith.constant 5.000000e-01 : f32
      %add3A_123 = vector.broadcast %add3A_122 : f32 to vector<1x256xf32>
      %add3A_124 = arith.addf %mul3A_121, %add3A_123 : vector<1x256xf32>
      %slice3A_125 = vector.extract_strided_slice %add3A_74 {offsets = [0, 256], sizes = [1, 256], strides = [1, 1]} : vector<1x1024xf32> to vector<1x256xf32>
      %mul3A_126 = arith.constant 5.000000e-01 : f32
      %mul3A_127 = vector.broadcast %mul3A_126 : f32 to vector<1x256xf32>
      %mul3A_128 = arith.mulf %mul3A_127, %slice3A_125 : vector<1x256xf32>
      %tanh3A_129 = math.tanh %mul3A_128 : vector<1x256xf32>
      %mul3A_130 = arith.constant 5.000000e-01 : f32
      %mul3A_131 = vector.broadcast %mul3A_130 : f32 to vector<1x256xf32>
      %mul3A_132 = arith.mulf %mul3A_131, %tanh3A_129 : vector<1x256xf32>
      %add3A_133 = arith.constant 5.000000e-01 : f32
      %add3A_134 = vector.broadcast %add3A_133 : f32 to vector<1x256xf32>
      %add3A_135 = arith.addf %mul3A_132, %add3A_134 : vector<1x256xf32>
      %slice3A_136 = vector.extract_strided_slice %add3A_74 {offsets = [0, 512], sizes = [1, 256], strides = [1, 1]} : vector<1x1024xf32> to vector<1x256xf32>
      %tanh3A_137 = math.tanh %slice3A_136 : vector<1x256xf32>
      %slice3A_138 = vector.extract_strided_slice %add3A_74 {offsets = [0, 768], sizes = [1, 256], strides = [1, 1]} : vector<1x1024xf32> to vector<1x256xf32>
      %mul3A_139 = arith.constant 5.000000e-01 : f32
      %mul3A_140 = vector.broadcast %mul3A_139 : f32 to vector<1x256xf32>
      %mul3A_141 = arith.mulf %mul3A_140, %slice3A_138 : vector<1x256xf32>
      %tanh3A_142 = math.tanh %mul3A_141 : vector<1x256xf32>
      %mul3A_143 = arith.constant 5.000000e-01 : f32
      %mul3A_144 = vector.broadcast %mul3A_143 : f32 to vector<1x256xf32>
      %mul3A_145 = arith.mulf %mul3A_144, %tanh3A_142 : vector<1x256xf32>
      %add3A_146 = arith.constant 5.000000e-01 : f32
      %add3A_147 = vector.broadcast %add3A_146 : f32 to vector<1x256xf32>
      %add3A_148 = arith.addf %mul3A_145, %add3A_147 : vector<1x256xf32>
      %mul3A_149 = arith.mulf %add3A_135, %scan3A_35 : vector<1x256xf32>
      %mul3A_150 = arith.mulf %add3A_124, %tanh3A_137 : vector<1x256xf32>
      %add3A_151 = arith.addf %mul3A_149, %mul3A_150 : vector<1x256xf32>
      %tanh3A_152 = math.tanh %add3A_151 : vector<1x256xf32>
      %mul3A_153 = arith.mulf %add3A_148, %tanh3A_152 : vector<1x256xf32>
      %slice3A_154 = vector.extract_strided_slice %get3A_40 {offsets = [1, 0], sizes = [1, 1024], strides = [1, 1]} : vector<8x1024xf32> to vector<1x1024xf32>
      %convert_element_type3A_155 = arith.truncf %mul3A_113 : vector<1x256xf32> to vector<1x256xbf16>
      %slice3A_156 = vector.extract_strided_slice %convert_element_type3A_155 {offsets = [0, 0], sizes = [1, 128], strides = [1, 1]} : vector<1x256xbf16> to vector<1x128xbf16>
      %get3A_157 = arith.constant 0 : index
      %get3A_158 = arith.constant 0 : index
      %get3A_159 = vector.load %arg2[%get3A_157, %get3A_158] : memref<256x1024xbf16, #tpu.memory_space<vmem>>, vector<128x1024xbf16>
      %dot_general3A_160 = arith.constant dense<0.000000e+00> : vector<1x1024xf32>
      %dot_general3A_161 = tpu.matmul %slice3A_156, %get3A_159, %dot_general3A_160 {dimension_numbers = #tpu.dot_dimension_numbers<[1], [0], [0], [1], [0, 0, 1, 1], [], []>, transpose_lhs_hint = false} : vector<1x128xbf16>, vector<128x1024xbf16>, vector<1x1024xf32> -> vector<1x1024xf32>
      %add3A_162 = arith.addf %slice3A_154, %dot_general3A_161 : vector<1x1024xf32>
      %slice3A_163 = vector.extract_strided_slice %convert_element_type3A_155 {offsets = [0, 128], sizes = [1, 128], strides = [1, 1]} : vector<1x256xbf16> to vector<1x128xbf16>
      %get3A_164 = arith.constant 128 : index
      %get3A_165 = arith.constant 0 : index
      %get3A_166 = vector.load %arg2[%get3A_164, %get3A_165] : memref<256x1024xbf16, #tpu.memory_space<vmem>>, vector<128x1024xbf16>
      %dot_general3A_167 = arith.constant dense<0.000000e+00> : vector<1x1024xf32>
      %dot_general3A_168 = tpu.matmul %slice3A_163, %get3A_166, %dot_general3A_167 {dimension_numbers = #tpu.dot_dimension_numbers<[1], [0], [0], [1], [0, 0, 1, 1], [], []>, transpose_lhs_hint = false} : vector<1x128xbf16>, vector<128x1024xbf16>, vector<1x1024xf32> -> vector<1x1024xf32>
      %add3A_169 = arith.addf %add3A_162, %dot_general3A_168 : vector<1x1024xf32>
      %slice3A_170 = vector.extract_strided_slice %get3A_43 {offsets = [6, 0], sizes = [1, 1024], strides = [1, 1]} : vector<8x1024xf32> to vector<1x1024xf32>
      %convert_element_type3A_171 = arith.truncf %mul3A_153 : vector<1x256xf32> to vector<1x256xbf16>
      %slice3A_172 = vector.extract_strided_slice %convert_element_type3A_171 {offsets = [0, 0], sizes = [1, 128], strides = [1, 1]} : vector<1x256xbf16> to vector<1x128xbf16>
      %get3A_173 = arith.constant 0 : index
      %get3A_174 = arith.constant 0 : index
      %get3A_175 = vector.load %arg5[%get3A_173, %get3A_174] : memref<256x1024xbf16, #tpu.memory_space<vmem>>, vector<128x1024xbf16>
      %dot_general3A_176 = arith.constant dense<0.000000e+00> : vector<1x1024xf32>
      %dot_general3A_177 = tpu.matmul %slice3A_172, %get3A_175, %dot_general3A_176 {dimension_numbers = #tpu.dot_dimension_numbers<[1], [0], [0], [1], [0, 0, 1, 1], [], []>, transpose_lhs_hint = false} : vector<1x128xbf16>, vector<128x1024xbf16>, vector<1x1024xf32> -> vector<1x1024xf32>
      %add3A_178 = arith.addf %slice3A_170, %dot_general3A_177 : vector<1x1024xf32>
      %slice3A_179 = vector.extract_strided_slice %convert_element_type3A_171 {offsets = [0, 128], sizes = [1, 128], strides = [1, 1]} : vector<1x256xbf16> to vector<1x128xbf16>
      %get3A_180 = arith.constant 128 : index
      %get3A_181 = arith.constant 0 : index
      %get3A_182 = vector.load %arg5[%get3A_180, %get3A_181] : memref<256x1024xbf16, #tpu.memory_space<vmem>>, vector<128x1024xbf16>
      %dot_general3A_183 = arith.constant dense<0.000000e+00> : vector<1x1024xf32>
      %dot_general3A_184 = tpu.matmul %slice3A_179, %get3A_182, %dot_general3A_183 {dimension_numbers = #tpu.dot_dimension_numbers<[1], [0], [0], [1], [0, 0, 1, 1], [], []>, transpose_lhs_hint = false} : vector<1x128xbf16>, vector<128x1024xbf16>, vector<1x1024xf32> -> vector<1x1024xf32>
      %add3A_185 = arith.addf %add3A_178, %dot_general3A_184 : vector<1x1024xf32>
      %slice3A_186 = vector.extract_strided_slice %add3A_169 {offsets = [0, 0], sizes = [1, 256], strides = [1, 1]} : vector<1x1024xf32> to vector<1x256xf32>
      %mul3A_187 = arith.constant 5.000000e-01 : f32
      %mul3A_188 = vector.broadcast %mul3A_187 : f32 to vector<1x256xf32>
      %mul3A_189 = arith.mulf %mul3A_188, %slice3A_186 : vector<1x256xf32>
      %tanh3A_190 = math.tanh %mul3A_189 : vector<1x256xf32>
      %mul3A_191 = arith.constant 5.000000e-01 : f32
      %mul3A_192 = vector.broadcast %mul3A_191 : f32 to vector<1x256xf32>
      %mul3A_193 = arith.mulf %mul3A_192, %tanh3A_190 : vector<1x256xf32>
      %add3A_194 = arith.constant 5.000000e-01 : f32
      %add3A_195 = vector.broadcast %add3A_194 : f32 to vector<1x256xf32>
      %add3A_196 = arith.addf %mul3A_193, %add3A_195 : vector<1x256xf32>
      %slice3A_197 = vector.extract_strided_slice %add3A_169 {offsets = [0, 256], sizes = [1, 256], strides = [1, 1]} : vector<1x1024xf32> to vector<1x256xf32>
      %mul3A_198 = arith.constant 5.000000e-01 : f32
      %mul3A_199 = vector.broadcast %mul3A_198 : f32 to vector<1x256xf32>
      %mul3A_200 = arith.mulf %mul3A_199, %slice3A_197 : vector<1x256xf32>
      %tanh3A_201 = math.tanh %mul3A_200 : vector<1x256xf32>
      %mul3A_202 = arith.constant 5.000000e-01 : f32
      %mul3A_203 = vector.broadcast %mul3A_202 : f32 to vector<1x256xf32>
      %mul3A_204 = arith.mulf %mul3A_203, %tanh3A_201 : vector<1x256xf32>
      %add3A_205 = arith.constant 5.000000e-01 : f32
      %add3A_206 = vector.broadcast %add3A_205 : f32 to vector<1x256xf32>
      %add3A_207 = arith.addf %mul3A_204, %add3A_206 : vector<1x256xf32>
      %slice3A_208 = vector.extract_strided_slice %add3A_169 {offsets = [0, 512], sizes = [1, 256], strides = [1, 1]} : vector<1x1024xf32> to vector<1x256xf32>
      %tanh3A_209 = math.tanh %slice3A_208 : vector<1x256xf32>
      %slice3A_210 = vector.extract_strided_slice %add3A_169 {offsets = [0, 768], sizes = [1, 256], strides = [1, 1]} : vector<1x1024xf32> to vector<1x256xf32>
      %mul3A_211 = arith.constant 5.000000e-01 : f32
      %mul3A_212 = vector.broadcast %mul3A_211 : f32 to vector<1x256xf32>
      %mul3A_213 = arith.mulf %mul3A_212, %slice3A_210 : vector<1x256xf32>
      %tanh3A_214 = math.tanh %mul3A_213 : vector<1x256xf32>
      %mul3A_215 = arith.constant 5.000000e-01 : f32
      %mul3A_216 = vector.broadcast %mul3A_215 : f32 to vector<1x256xf32>
      %mul3A_217 = arith.mulf %mul3A_216, %tanh3A_214 : vector<1x256xf32>
      %add3A_218 = arith.constant 5.000000e-01 : f32
      %add3A_219 = vector.broadcast %add3A_218 : f32 to vector<1x256xf32>
      %add3A_220 = arith.addf %mul3A_217, %add3A_219 : vector<1x256xf32>
      %mul3A_221 = arith.mulf %add3A_207, %add3A_111 : vector<1x256xf32>
      %mul3A_222 = arith.mulf %add3A_196, %tanh3A_209 : vector<1x256xf32>
      %add3A_223 = arith.addf %mul3A_221, %mul3A_222 : vector<1x256xf32>
      %tanh3A_224 = math.tanh %add3A_223 : vector<1x256xf32>
      %mul3A_225 = arith.mulf %add3A_220, %tanh3A_224 : vector<1x256xf32>
      %slice3A_226 = vector.extract_strided_slice %add3A_185 {offsets = [0, 0], sizes = [1, 256], strides = [1, 1]} : vector<1x1024xf32> to vector<1x256xf32>
      %mul3A_227 = arith.constant 5.000000e-01 : f32
      %mul3A_228 = vector.broadcast %mul3A_227 : f32 to vector<1x256xf32>
      %mul3A_229 = arith.mulf %mul3A_228, %slice3A_226 : vector<1x256xf32>
      %tanh3A_230 = math.tanh %mul3A_229 : vector<1x256xf32>
      %mul3A_231 = arith.constant 5.000000e-01 : f32
      %mul3A_232 = vector.broadcast %mul3A_231 : f32 to vector<1x256xf32>
      %mul3A_233 = arith.mulf %mul3A_232, %tanh3A_230 : vector<1x256xf32>
      %add3A_234 = arith.constant 5.000000e-01 : f32
      %add3A_235 = vector.broadcast %add3A_234 : f32 to vector<1x256xf32>
      %add3A_236 = arith.addf %mul3A_233, %add3A_235 : vector<1x256xf32>
      %slice3A_237 = vector.extract_strided_slice %add3A_185 {offsets = [0, 256], sizes = [1, 256], strides = [1, 1]} : vector<1x1024xf32> to vector<1x256xf32>
      %mul3A_238 = arith.constant 5.000000e-01 : f32
      %mul3A_239 = vector.broadcast %mul3A_238 : f32 to vector<1x256xf32>
      %mul3A_240 = arith.mulf %mul3A_239, %slice3A_237 : vector<1x256xf32>
      %tanh3A_241 = math.tanh %mul3A_240 : vector<1x256xf32>
      %mul3A_242 = arith.constant 5.000000e-01 : f32
      %mul3A_243 = vector.broadcast %mul3A_242 : f32 to vector<1x256xf32>
      %mul3A_244 = arith.mulf %mul3A_243, %tanh3A_241 : vector<1x256xf32>
      %add3A_245 = arith.constant 5.000000e-01 : f32
      %add3A_246 = vector.broadcast %add3A_245 : f32 to vector<1x256xf32>
      %add3A_247 = arith.addf %mul3A_244, %add3A_246 : vector<1x256xf32>
      %slice3A_248 = vector.extract_strided_slice %add3A_185 {offsets = [0, 512], sizes = [1, 256], strides = [1, 1]} : vector<1x1024xf32> to vector<1x256xf32>
      %tanh3A_249 = math.tanh %slice3A_248 : vector<1x256xf32>
      %slice3A_250 = vector.extract_strided_slice %add3A_185 {offsets = [0, 768], sizes = [1, 256], strides = [1, 1]} : vector<1x1024xf32> to vector<1x256xf32>
      %mul3A_251 = arith.constant 5.000000e-01 : f32
      %mul3A_252 = vector.broadcast %mul3A_251 : f32 to vector<1x256xf32>
      %mul3A_253 = arith.mulf %mul3A_252, %slice3A_250 : vector<1x256xf32>
      %tanh3A_254 = math.tanh %mul3A_253 : vector<1x256xf32>
      %mul3A_255 = arith.constant 5.000000e-01 : f32
      %mul3A_256 = vector.broadcast %mul3A_255 : f32 to vector<1x256xf32>
      %mul3A_257 = arith.mulf %mul3A_256, %tanh3A_254 : vector<1x256xf32>
      %add3A_258 = arith.constant 5.000000e-01 : f32
      %add3A_259 = vector.broadcast %add3A_258 : f32 to vector<1x256xf32>
      %add3A_260 = arith.addf %mul3A_257, %add3A_259 : vector<1x256xf32>
      %mul3A_261 = arith.mulf %add3A_247, %add3A_151 : vector<1x256xf32>
      %mul3A_262 = arith.mulf %add3A_236, %tanh3A_249 : vector<1x256xf32>
      %add3A_263 = arith.addf %mul3A_261, %mul3A_262 : vector<1x256xf32>
      %tanh3A_264 = math.tanh %add3A_263 : vector<1x256xf32>
      %mul3A_265 = arith.mulf %add3A_260, %tanh3A_264 : vector<1x256xf32>
      %slice3A_266 = vector.extract_strided_slice %get3A_40 {offsets = [2, 0], sizes = [1, 1024], strides = [1, 1]} : vector<8x1024xf32> to vector<1x1024xf32>
      %convert_element_type3A_267 = arith.truncf %mul3A_225 : vector<1x256xf32> to vector<1x256xbf16>
      %slice3A_268 = vector.extract_strided_slice %convert_element_type3A_267 {offsets = [0, 0], sizes = [1, 128], strides = [1, 1]} : vector<1x256xbf16> to vector<1x128xbf16>
      %get3A_269 = arith.constant 0 : index
      %get3A_270 = arith.constant 0 : index
      %get3A_271 = vector.load %arg2[%get3A_269, %get3A_270] : memref<256x1024xbf16, #tpu.memory_space<vmem>>, vector<128x1024xbf16>
      %dot_general3A_272 = arith.constant dense<0.000000e+00> : vector<1x1024xf32>
      %dot_general3A_273 = tpu.matmul %slice3A_268, %get3A_271, %dot_general3A_272 {dimension_numbers = #tpu.dot_dimension_numbers<[1], [0], [0], [1], [0, 0, 1, 1], [], []>, transpose_lhs_hint = false} : vector<1x128xbf16>, vector<128x1024xbf16>, vector<1x1024xf32> -> vector<1x1024xf32>
      %add3A_274 = arith.addf %slice3A_266, %dot_general3A_273 : vector<1x1024xf32>
      %slice3A_275 = vector.extract_strided_slice %convert_element_type3A_267 {offsets = [0, 128], sizes = [1, 128], strides = [1, 1]} : vector<1x256xbf16> to vector<1x128xbf16>
      %get3A_276 = arith.constant 128 : index
      %get3A_277 = arith.constant 0 : index
      %get3A_278 = vector.load %arg2[%get3A_276, %get3A_277] : memref<256x1024xbf16, #tpu.memory_space<vmem>>, vector<128x1024xbf16>
      %dot_general3A_279 = arith.constant dense<0.000000e+00> : vector<1x1024xf32>
      %dot_general3A_280 = tpu.matmul %slice3A_275, %get3A_278, %dot_general3A_279 {dimension_numbers = #tpu.dot_dimension_numbers<[1], [0], [0], [1], [0, 0, 1, 1], [], []>, transpose_lhs_hint = false} : vector<1x128xbf16>, vector<128x1024xbf16>, vector<1x1024xf32> -> vector<1x1024xf32>
      %add3A_281 = arith.addf %add3A_274, %dot_general3A_280 : vector<1x1024xf32>
      %slice3A_282 = vector.extract_strided_slice %get3A_43 {offsets = [5, 0], sizes = [1, 1024], strides = [1, 1]} : vector<8x1024xf32> to vector<1x1024xf32>
      %convert_element_type3A_283 = arith.truncf %mul3A_265 : vector<1x256xf32> to vector<1x256xbf16>
      %slice3A_284 = vector.extract_strided_slice %convert_element_type3A_283 {offsets = [0, 0], sizes = [1, 128], strides = [1, 1]} : vector<1x256xbf16> to vector<1x128xbf16>
      %get3A_285 = arith.constant 0 : index
      %get3A_286 = arith.constant 0 : index
      %get3A_287 = vector.load %arg5[%get3A_285, %get3A_286] : memref<256x1024xbf16, #tpu.memory_space<vmem>>, vector<128x1024xbf16>
      %dot_general3A_288 = arith.constant dense<0.000000e+00> : vector<1x1024xf32>
      %dot_general3A_289 = tpu.matmul %slice3A_284, %get3A_287, %dot_general3A_288 {dimension_numbers = #tpu.dot_dimension_numbers<[1], [0], [0], [1], [0, 0, 1, 1], [], []>, transpose_lhs_hint = false} : vector<1x128xbf16>, vector<128x1024xbf16>, vector<1x1024xf32> -> vector<1x1024xf32>
      %add3A_290 = arith.addf %slice3A_282, %dot_general3A_289 : vector<1x1024xf32>
      %slice3A_291 = vector.extract_strided_slice %convert_element_type3A_283 {offsets = [0, 128], sizes = [1, 128], strides = [1, 1]} : vector<1x256xbf16> to vector<1x128xbf16>
      %get3A_292 = arith.constant 128 : index
      %get3A_293 = arith.constant 0 : index
      %get3A_294 = vector.load %arg5[%get3A_292, %get3A_293] : memref<256x1024xbf16, #tpu.memory_space<vmem>>, vector<128x1024xbf16>
      %dot_general3A_295 = arith.constant dense<0.000000e+00> : vector<1x1024xf32>
      %dot_general3A_296 = tpu.matmul %slice3A_291, %get3A_294, %dot_general3A_295 {dimension_numbers = #tpu.dot_dimension_numbers<[1], [0], [0], [1], [0, 0, 1, 1], [], []>, transpose_lhs_hint = false} : vector<1x128xbf16>, vector<128x1024xbf16>, vector<1x1024xf32> -> vector<1x1024xf32>
      %add3A_297 = arith.addf %add3A_290, %dot_general3A_296 : vector<1x1024xf32>
      %slice3A_298 = vector.extract_strided_slice %add3A_281 {offsets = [0, 0], sizes = [1, 256], strides = [1, 1]} : vector<1x1024xf32> to vector<1x256xf32>
      %mul3A_299 = arith.constant 5.000000e-01 : f32
      %mul3A_300 = vector.broadcast %mul3A_299 : f32 to vector<1x256xf32>
      %mul3A_301 = arith.mulf %mul3A_300, %slice3A_298 : vector<1x256xf32>
      %tanh3A_302 = math.tanh %mul3A_301 : vector<1x256xf32>
      %mul3A_303 = arith.constant 5.000000e-01 : f32
      %mul3A_304 = vector.broadcast %mul3A_303 : f32 to vector<1x256xf32>
      %mul3A_305 = arith.mulf %mul3A_304, %tanh3A_302 : vector<1x256xf32>
      %add3A_306 = arith.constant 5.000000e-01 : f32
      %add3A_307 = vector.broadcast %add3A_306 : f32 to vector<1x256xf32>
      %add3A_308 = arith.addf %mul3A_305, %add3A_307 : vector<1x256xf32>
      %slice3A_309 = vector.extract_strided_slice %add3A_281 {offsets = [0, 256], sizes = [1, 256], strides = [1, 1]} : vector<1x1024xf32> to vector<1x256xf32>
      %mul3A_310 = arith.constant 5.000000e-01 : f32
      %mul3A_311 = vector.broadcast %mul3A_310 : f32 to vector<1x256xf32>
      %mul3A_312 = arith.mulf %mul3A_311, %slice3A_309 : vector<1x256xf32>
      %tanh3A_313 = math.tanh %mul3A_312 : vector<1x256xf32>
      %mul3A_314 = arith.constant 5.000000e-01 : f32
      %mul3A_315 = vector.broadcast %mul3A_314 : f32 to vector<1x256xf32>
      %mul3A_316 = arith.mulf %mul3A_315, %tanh3A_313 : vector<1x256xf32>
      %add3A_317 = arith.constant 5.000000e-01 : f32
      %add3A_318 = vector.broadcast %add3A_317 : f32 to vector<1x256xf32>
      %add3A_319 = arith.addf %mul3A_316, %add3A_318 : vector<1x256xf32>
      %slice3A_320 = vector.extract_strided_slice %add3A_281 {offsets = [0, 512], sizes = [1, 256], strides = [1, 1]} : vector<1x1024xf32> to vector<1x256xf32>
      %tanh3A_321 = math.tanh %slice3A_320 : vector<1x256xf32>
      %slice3A_322 = vector.extract_strided_slice %add3A_281 {offsets = [0, 768], sizes = [1, 256], strides = [1, 1]} : vector<1x1024xf32> to vector<1x256xf32>
      %mul3A_323 = arith.constant 5.000000e-01 : f32
      %mul3A_324 = vector.broadcast %mul3A_323 : f32 to vector<1x256xf32>
      %mul3A_325 = arith.mulf %mul3A_324, %slice3A_322 : vector<1x256xf32>
      %tanh3A_326 = math.tanh %mul3A_325 : vector<1x256xf32>
      %mul3A_327 = arith.constant 5.000000e-01 : f32
      %mul3A_328 = vector.broadcast %mul3A_327 : f32 to vector<1x256xf32>
      %mul3A_329 = arith.mulf %mul3A_328, %tanh3A_326 : vector<1x256xf32>
      %add3A_330 = arith.constant 5.000000e-01 : f32
      %add3A_331 = vector.broadcast %add3A_330 : f32 to vector<1x256xf32>
      %add3A_332 = arith.addf %mul3A_329, %add3A_331 : vector<1x256xf32>
      %mul3A_333 = arith.mulf %add3A_319, %add3A_223 : vector<1x256xf32>
      %mul3A_334 = arith.mulf %add3A_308, %tanh3A_321 : vector<1x256xf32>
      %add3A_335 = arith.addf %mul3A_333, %mul3A_334 : vector<1x256xf32>
      %tanh3A_336 = math.tanh %add3A_335 : vector<1x256xf32>
      %mul3A_337 = arith.mulf %add3A_332, %tanh3A_336 : vector<1x256xf32>
      %slice3A_338 = vector.extract_strided_slice %add3A_297 {offsets = [0, 0], sizes = [1, 256], strides = [1, 1]} : vector<1x1024xf32> to vector<1x256xf32>
      %mul3A_339 = arith.constant 5.000000e-01 : f32
      %mul3A_340 = vector.broadcast %mul3A_339 : f32 to vector<1x256xf32>
      %mul3A_341 = arith.mulf %mul3A_340, %slice3A_338 : vector<1x256xf32>
      %tanh3A_342 = math.tanh %mul3A_341 : vector<1x256xf32>
      %mul3A_343 = arith.constant 5.000000e-01 : f32
      %mul3A_344 = vector.broadcast %mul3A_343 : f32 to vector<1x256xf32>
      %mul3A_345 = arith.mulf %mul3A_344, %tanh3A_342 : vector<1x256xf32>
      %add3A_346 = arith.constant 5.000000e-01 : f32
      %add3A_347 = vector.broadcast %add3A_346 : f32 to vector<1x256xf32>
      %add3A_348 = arith.addf %mul3A_345, %add3A_347 : vector<1x256xf32>
      %slice3A_349 = vector.extract_strided_slice %add3A_297 {offsets = [0, 256], sizes = [1, 256], strides = [1, 1]} : vector<1x1024xf32> to vector<1x256xf32>
      %mul3A_350 = arith.constant 5.000000e-01 : f32
      %mul3A_351 = vector.broadcast %mul3A_350 : f32 to vector<1x256xf32>
      %mul3A_352 = arith.mulf %mul3A_351, %slice3A_349 : vector<1x256xf32>
      %tanh3A_353 = math.tanh %mul3A_352 : vector<1x256xf32>
      %mul3A_354 = arith.constant 5.000000e-01 : f32
      %mul3A_355 = vector.broadcast %mul3A_354 : f32 to vector<1x256xf32>
      %mul3A_356 = arith.mulf %mul3A_355, %tanh3A_353 : vector<1x256xf32>
      %add3A_357 = arith.constant 5.000000e-01 : f32
      %add3A_358 = vector.broadcast %add3A_357 : f32 to vector<1x256xf32>
      %add3A_359 = arith.addf %mul3A_356, %add3A_358 : vector<1x256xf32>
      %slice3A_360 = vector.extract_strided_slice %add3A_297 {offsets = [0, 512], sizes = [1, 256], strides = [1, 1]} : vector<1x1024xf32> to vector<1x256xf32>
      %tanh3A_361 = math.tanh %slice3A_360 : vector<1x256xf32>
      %slice3A_362 = vector.extract_strided_slice %add3A_297 {offsets = [0, 768], sizes = [1, 256], strides = [1, 1]} : vector<1x1024xf32> to vector<1x256xf32>
      %mul3A_363 = arith.constant 5.000000e-01 : f32
      %mul3A_364 = vector.broadcast %mul3A_363 : f32 to vector<1x256xf32>
      %mul3A_365 = arith.mulf %mul3A_364, %slice3A_362 : vector<1x256xf32>
      %tanh3A_366 = math.tanh %mul3A_365 : vector<1x256xf32>
      %mul3A_367 = arith.constant 5.000000e-01 : f32
      %mul3A_368 = vector.broadcast %mul3A_367 : f32 to vector<1x256xf32>
      %mul3A_369 = arith.mulf %mul3A_368, %tanh3A_366 : vector<1x256xf32>
      %add3A_370 = arith.constant 5.000000e-01 : f32
      %add3A_371 = vector.broadcast %add3A_370 : f32 to vector<1x256xf32>
      %add3A_372 = arith.addf %mul3A_369, %add3A_371 : vector<1x256xf32>
      %mul3A_373 = arith.mulf %add3A_359, %add3A_263 : vector<1x256xf32>
      %mul3A_374 = arith.mulf %add3A_348, %tanh3A_361 : vector<1x256xf32>
      %add3A_375 = arith.addf %mul3A_373, %mul3A_374 : vector<1x256xf32>
      %tanh3A_376 = math.tanh %add3A_375 : vector<1x256xf32>
      %mul3A_377 = arith.mulf %add3A_372, %tanh3A_376 : vector<1x256xf32>
      %slice3A_378 = vector.extract_strided_slice %get3A_40 {offsets = [3, 0], sizes = [1, 1024], strides = [1, 1]} : vector<8x1024xf32> to vector<1x1024xf32>
      %convert_element_type3A_379 = arith.truncf %mul3A_337 : vector<1x256xf32> to vector<1x256xbf16>
      %slice3A_380 = vector.extract_strided_slice %convert_element_type3A_379 {offsets = [0, 0], sizes = [1, 128], strides = [1, 1]} : vector<1x256xbf16> to vector<1x128xbf16>
      %get3A_381 = arith.constant 0 : index
      %get3A_382 = arith.constant 0 : index
      %get3A_383 = vector.load %arg2[%get3A_381, %get3A_382] : memref<256x1024xbf16, #tpu.memory_space<vmem>>, vector<128x1024xbf16>
      %dot_general3A_384 = arith.constant dense<0.000000e+00> : vector<1x1024xf32>
      %dot_general3A_385 = tpu.matmul %slice3A_380, %get3A_383, %dot_general3A_384 {dimension_numbers = #tpu.dot_dimension_numbers<[1], [0], [0], [1], [0, 0, 1, 1], [], []>, transpose_lhs_hint = false} : vector<1x128xbf16>, vector<128x1024xbf16>, vector<1x1024xf32> -> vector<1x1024xf32>
      %add3A_386 = arith.addf %slice3A_378, %dot_general3A_385 : vector<1x1024xf32>
      %slice3A_387 = vector.extract_strided_slice %convert_element_type3A_379 {offsets = [0, 128], sizes = [1, 128], strides = [1, 1]} : vector<1x256xbf16> to vector<1x128xbf16>
      %get3A_388 = arith.constant 128 : index
      %get3A_389 = arith.constant 0 : index
      %get3A_390 = vector.load %arg2[%get3A_388, %get3A_389] : memref<256x1024xbf16, #tpu.memory_space<vmem>>, vector<128x1024xbf16>
      %dot_general3A_391 = arith.constant dense<0.000000e+00> : vector<1x1024xf32>
      %dot_general3A_392 = tpu.matmul %slice3A_387, %get3A_390, %dot_general3A_391 {dimension_numbers = #tpu.dot_dimension_numbers<[1], [0], [0], [1], [0, 0, 1, 1], [], []>, transpose_lhs_hint = false} : vector<1x128xbf16>, vector<128x1024xbf16>, vector<1x1024xf32> -> vector<1x1024xf32>
      %add3A_393 = arith.addf %add3A_386, %dot_general3A_392 : vector<1x1024xf32>
      %slice3A_394 = vector.extract_strided_slice %get3A_43 {offsets = [4, 0], sizes = [1, 1024], strides = [1, 1]} : vector<8x1024xf32> to vector<1x1024xf32>
      %convert_element_type3A_395 = arith.truncf %mul3A_377 : vector<1x256xf32> to vector<1x256xbf16>
      %slice3A_396 = vector.extract_strided_slice %convert_element_type3A_395 {offsets = [0, 0], sizes = [1, 128], strides = [1, 1]} : vector<1x256xbf16> to vector<1x128xbf16>
      %get3A_397 = arith.constant 0 : index
      %get3A_398 = arith.constant 0 : index
      %get3A_399 = vector.load %arg5[%get3A_397, %get3A_398] : memref<256x1024xbf16, #tpu.memory_space<vmem>>, vector<128x1024xbf16>
      %dot_general3A_400 = arith.constant dense<0.000000e+00> : vector<1x1024xf32>
      %dot_general3A_401 = tpu.matmul %slice3A_396, %get3A_399, %dot_general3A_400 {dimension_numbers = #tpu.dot_dimension_numbers<[1], [0], [0], [1], [0, 0, 1, 1], [], []>, transpose_lhs_hint = false} : vector<1x128xbf16>, vector<128x1024xbf16>, vector<1x1024xf32> -> vector<1x1024xf32>
      %add3A_402 = arith.addf %slice3A_394, %dot_general3A_401 : vector<1x1024xf32>
      %slice3A_403 = vector.extract_strided_slice %convert_element_type3A_395 {offsets = [0, 128], sizes = [1, 128], strides = [1, 1]} : vector<1x256xbf16> to vector<1x128xbf16>
      %get3A_404 = arith.constant 128 : index
      %get3A_405 = arith.constant 0 : index
      %get3A_406 = vector.load %arg5[%get3A_404, %get3A_405] : memref<256x1024xbf16, #tpu.memory_space<vmem>>, vector<128x1024xbf16>
      %dot_general3A_407 = arith.constant dense<0.000000e+00> : vector<1x1024xf32>
      %dot_general3A_408 = tpu.matmul %slice3A_403, %get3A_406, %dot_general3A_407 {dimension_numbers = #tpu.dot_dimension_numbers<[1], [0], [0], [1], [0, 0, 1, 1], [], []>, transpose_lhs_hint = false} : vector<1x128xbf16>, vector<128x1024xbf16>, vector<1x1024xf32> -> vector<1x1024xf32>
      %add3A_409 = arith.addf %add3A_402, %dot_general3A_408 : vector<1x1024xf32>
      %slice3A_410 = vector.extract_strided_slice %add3A_393 {offsets = [0, 0], sizes = [1, 256], strides = [1, 1]} : vector<1x1024xf32> to vector<1x256xf32>
      %mul3A_411 = arith.constant 5.000000e-01 : f32
      %mul3A_412 = vector.broadcast %mul3A_411 : f32 to vector<1x256xf32>
      %mul3A_413 = arith.mulf %mul3A_412, %slice3A_410 : vector<1x256xf32>
      %tanh3A_414 = math.tanh %mul3A_413 : vector<1x256xf32>
      %mul3A_415 = arith.constant 5.000000e-01 : f32
      %mul3A_416 = vector.broadcast %mul3A_415 : f32 to vector<1x256xf32>
      %mul3A_417 = arith.mulf %mul3A_416, %tanh3A_414 : vector<1x256xf32>
      %add3A_418 = arith.constant 5.000000e-01 : f32
      %add3A_419 = vector.broadcast %add3A_418 : f32 to vector<1x256xf32>
      %add3A_420 = arith.addf %mul3A_417, %add3A_419 : vector<1x256xf32>
      %slice3A_421 = vector.extract_strided_slice %add3A_393 {offsets = [0, 256], sizes = [1, 256], strides = [1, 1]} : vector<1x1024xf32> to vector<1x256xf32>
      %mul3A_422 = arith.constant 5.000000e-01 : f32
      %mul3A_423 = vector.broadcast %mul3A_422 : f32 to vector<1x256xf32>
      %mul3A_424 = arith.mulf %mul3A_423, %slice3A_421 : vector<1x256xf32>
      %tanh3A_425 = math.tanh %mul3A_424 : vector<1x256xf32>
      %mul3A_426 = arith.constant 5.000000e-01 : f32
      %mul3A_427 = vector.broadcast %mul3A_426 : f32 to vector<1x256xf32>
      %mul3A_428 = arith.mulf %mul3A_427, %tanh3A_425 : vector<1x256xf32>
      %add3A_429 = arith.constant 5.000000e-01 : f32
      %add3A_430 = vector.broadcast %add3A_429 : f32 to vector<1x256xf32>
      %add3A_431 = arith.addf %mul3A_428, %add3A_430 : vector<1x256xf32>
      %slice3A_432 = vector.extract_strided_slice %add3A_393 {offsets = [0, 512], sizes = [1, 256], strides = [1, 1]} : vector<1x1024xf32> to vector<1x256xf32>
      %tanh3A_433 = math.tanh %slice3A_432 : vector<1x256xf32>
      %slice3A_434 = vector.extract_strided_slice %add3A_393 {offsets = [0, 768], sizes = [1, 256], strides = [1, 1]} : vector<1x1024xf32> to vector<1x256xf32>
      %mul3A_435 = arith.constant 5.000000e-01 : f32
      %mul3A_436 = vector.broadcast %mul3A_435 : f32 to vector<1x256xf32>
      %mul3A_437 = arith.mulf %mul3A_436, %slice3A_434 : vector<1x256xf32>
      %tanh3A_438 = math.tanh %mul3A_437 : vector<1x256xf32>
      %mul3A_439 = arith.constant 5.000000e-01 : f32
      %mul3A_440 = vector.broadcast %mul3A_439 : f32 to vector<1x256xf32>
      %mul3A_441 = arith.mulf %mul3A_440, %tanh3A_438 : vector<1x256xf32>
      %add3A_442 = arith.constant 5.000000e-01 : f32
      %add3A_443 = vector.broadcast %add3A_442 : f32 to vector<1x256xf32>
      %add3A_444 = arith.addf %mul3A_441, %add3A_443 : vector<1x256xf32>
      %mul3A_445 = arith.mulf %add3A_431, %add3A_335 : vector<1x256xf32>
      %mul3A_446 = arith.mulf %add3A_420, %tanh3A_433 : vector<1x256xf32>
      %add3A_447 = arith.addf %mul3A_445, %mul3A_446 : vector<1x256xf32>
      %tanh3A_448 = math.tanh %add3A_447 : vector<1x256xf32>
      %mul3A_449 = arith.mulf %add3A_444, %tanh3A_448 : vector<1x256xf32>
      %slice3A_450 = vector.extract_strided_slice %add3A_409 {offsets = [0, 0], sizes = [1, 256], strides = [1, 1]} : vector<1x1024xf32> to vector<1x256xf32>
      %mul3A_451 = arith.constant 5.000000e-01 : f32
      %mul3A_452 = vector.broadcast %mul3A_451 : f32 to vector<1x256xf32>
      %mul3A_453 = arith.mulf %mul3A_452, %slice3A_450 : vector<1x256xf32>
      %tanh3A_454 = math.tanh %mul3A_453 : vector<1x256xf32>
      %mul3A_455 = arith.constant 5.000000e-01 : f32
      %mul3A_456 = vector.broadcast %mul3A_455 : f32 to vector<1x256xf32>
      %mul3A_457 = arith.mulf %mul3A_456, %tanh3A_454 : vector<1x256xf32>
      %add3A_458 = arith.constant 5.000000e-01 : f32
      %add3A_459 = vector.broadcast %add3A_458 : f32 to vector<1x256xf32>
      %add3A_460 = arith.addf %mul3A_457, %add3A_459 : vector<1x256xf32>
      %slice3A_461 = vector.extract_strided_slice %add3A_409 {offsets = [0, 256], sizes = [1, 256], strides = [1, 1]} : vector<1x1024xf32> to vector<1x256xf32>
      %mul3A_462 = arith.constant 5.000000e-01 : f32
      %mul3A_463 = vector.broadcast %mul3A_462 : f32 to vector<1x256xf32>
      %mul3A_464 = arith.mulf %mul3A_463, %slice3A_461 : vector<1x256xf32>
      %tanh3A_465 = math.tanh %mul3A_464 : vector<1x256xf32>
      %mul3A_466 = arith.constant 5.000000e-01 : f32
      %mul3A_467 = vector.broadcast %mul3A_466 : f32 to vector<1x256xf32>
      %mul3A_468 = arith.mulf %mul3A_467, %tanh3A_465 : vector<1x256xf32>
      %add3A_469 = arith.constant 5.000000e-01 : f32
      %add3A_470 = vector.broadcast %add3A_469 : f32 to vector<1x256xf32>
      %add3A_471 = arith.addf %mul3A_468, %add3A_470 : vector<1x256xf32>
      %slice3A_472 = vector.extract_strided_slice %add3A_409 {offsets = [0, 512], sizes = [1, 256], strides = [1, 1]} : vector<1x1024xf32> to vector<1x256xf32>
      %tanh3A_473 = math.tanh %slice3A_472 : vector<1x256xf32>
      %slice3A_474 = vector.extract_strided_slice %add3A_409 {offsets = [0, 768], sizes = [1, 256], strides = [1, 1]} : vector<1x1024xf32> to vector<1x256xf32>
      %mul3A_475 = arith.constant 5.000000e-01 : f32
      %mul3A_476 = vector.broadcast %mul3A_475 : f32 to vector<1x256xf32>
      %mul3A_477 = arith.mulf %mul3A_476, %slice3A_474 : vector<1x256xf32>
      %tanh3A_478 = math.tanh %mul3A_477 : vector<1x256xf32>
      %mul3A_479 = arith.constant 5.000000e-01 : f32
      %mul3A_480 = vector.broadcast %mul3A_479 : f32 to vector<1x256xf32>
      %mul3A_481 = arith.mulf %mul3A_480, %tanh3A_478 : vector<1x256xf32>
      %add3A_482 = arith.constant 5.000000e-01 : f32
      %add3A_483 = vector.broadcast %add3A_482 : f32 to vector<1x256xf32>
      %add3A_484 = arith.addf %mul3A_481, %add3A_483 : vector<1x256xf32>
      %mul3A_485 = arith.mulf %add3A_471, %add3A_375 : vector<1x256xf32>
      %mul3A_486 = arith.mulf %add3A_460, %tanh3A_473 : vector<1x256xf32>
      %add3A_487 = arith.addf %mul3A_485, %mul3A_486 : vector<1x256xf32>
      %tanh3A_488 = math.tanh %add3A_487 : vector<1x256xf32>
      %mul3A_489 = arith.mulf %add3A_484, %tanh3A_488 : vector<1x256xf32>
      %slice3A_490 = vector.extract_strided_slice %get3A_40 {offsets = [4, 0], sizes = [1, 1024], strides = [1, 1]} : vector<8x1024xf32> to vector<1x1024xf32>
      %convert_element_type3A_491 = arith.truncf %mul3A_449 : vector<1x256xf32> to vector<1x256xbf16>
      %slice3A_492 = vector.extract_strided_slice %convert_element_type3A_491 {offsets = [0, 0], sizes = [1, 128], strides = [1, 1]} : vector<1x256xbf16> to vector<1x128xbf16>
      %get3A_493 = arith.constant 0 : index
      %get3A_494 = arith.constant 0 : index
      %get3A_495 = vector.load %arg2[%get3A_493, %get3A_494] : memref<256x1024xbf16, #tpu.memory_space<vmem>>, vector<128x1024xbf16>
      %dot_general3A_496 = arith.constant dense<0.000000e+00> : vector<1x1024xf32>
      %dot_general3A_497 = tpu.matmul %slice3A_492, %get3A_495, %dot_general3A_496 {dimension_numbers = #tpu.dot_dimension_numbers<[1], [0], [0], [1], [0, 0, 1, 1], [], []>, transpose_lhs_hint = false} : vector<1x128xbf16>, vector<128x1024xbf16>, vector<1x1024xf32> -> vector<1x1024xf32>
      %add3A_498 = arith.addf %slice3A_490, %dot_general3A_497 : vector<1x1024xf32>
      %slice3A_499 = vector.extract_strided_slice %convert_element_type3A_491 {offsets = [0, 128], sizes = [1, 128], strides = [1, 1]} : vector<1x256xbf16> to vector<1x128xbf16>
      %get3A_500 = arith.constant 128 : index
      %get3A_501 = arith.constant 0 : index
      %get3A_502 = vector.load %arg2[%get3A_500, %get3A_501] : memref<256x1024xbf16, #tpu.memory_space<vmem>>, vector<128x1024xbf16>
      %dot_general3A_503 = arith.constant dense<0.000000e+00> : vector<1x1024xf32>
      %dot_general3A_504 = tpu.matmul %slice3A_499, %get3A_502, %dot_general3A_503 {dimension_numbers = #tpu.dot_dimension_numbers<[1], [0], [0], [1], [0, 0, 1, 1], [], []>, transpose_lhs_hint = false} : vector<1x128xbf16>, vector<128x1024xbf16>, vector<1x1024xf32> -> vector<1x1024xf32>
      %add3A_505 = arith.addf %add3A_498, %dot_general3A_504 : vector<1x1024xf32>
      %slice3A_506 = vector.extract_strided_slice %get3A_43 {offsets = [3, 0], sizes = [1, 1024], strides = [1, 1]} : vector<8x1024xf32> to vector<1x1024xf32>
      %convert_element_type3A_507 = arith.truncf %mul3A_489 : vector<1x256xf32> to vector<1x256xbf16>
      %slice3A_508 = vector.extract_strided_slice %convert_element_type3A_507 {offsets = [0, 0], sizes = [1, 128], strides = [1, 1]} : vector<1x256xbf16> to vector<1x128xbf16>
      %get3A_509 = arith.constant 0 : index
      %get3A_510 = arith.constant 0 : index
      %get3A_511 = vector.load %arg5[%get3A_509, %get3A_510] : memref<256x1024xbf16, #tpu.memory_space<vmem>>, vector<128x1024xbf16>
      %dot_general3A_512 = arith.constant dense<0.000000e+00> : vector<1x1024xf32>
      %dot_general3A_513 = tpu.matmul %slice3A_508, %get3A_511, %dot_general3A_512 {dimension_numbers = #tpu.dot_dimension_numbers<[1], [0], [0], [1], [0, 0, 1, 1], [], []>, transpose_lhs_hint = false} : vector<1x128xbf16>, vector<128x1024xbf16>, vector<1x1024xf32> -> vector<1x1024xf32>
      %add3A_514 = arith.addf %slice3A_506, %dot_general3A_513 : vector<1x1024xf32>
      %slice3A_515 = vector.extract_strided_slice %convert_element_type3A_507 {offsets = [0, 128], sizes = [1, 128], strides = [1, 1]} : vector<1x256xbf16> to vector<1x128xbf16>
      %get3A_516 = arith.constant 128 : index
      %get3A_517 = arith.constant 0 : index
      %get3A_518 = vector.load %arg5[%get3A_516, %get3A_517] : memref<256x1024xbf16, #tpu.memory_space<vmem>>, vector<128x1024xbf16>
      %dot_general3A_519 = arith.constant dense<0.000000e+00> : vector<1x1024xf32>
      %dot_general3A_520 = tpu.matmul %slice3A_515, %get3A_518, %dot_general3A_519 {dimension_numbers = #tpu.dot_dimension_numbers<[1], [0], [0], [1], [0, 0, 1, 1], [], []>, transpose_lhs_hint = false} : vector<1x128xbf16>, vector<128x1024xbf16>, vector<1x1024xf32> -> vector<1x1024xf32>
      %add3A_521 = arith.addf %add3A_514, %dot_general3A_520 : vector<1x1024xf32>
      %slice3A_522 = vector.extract_strided_slice %add3A_505 {offsets = [0, 0], sizes = [1, 256], strides = [1, 1]} : vector<1x1024xf32> to vector<1x256xf32>
      %mul3A_523 = arith.constant 5.000000e-01 : f32
      %mul3A_524 = vector.broadcast %mul3A_523 : f32 to vector<1x256xf32>
      %mul3A_525 = arith.mulf %mul3A_524, %slice3A_522 : vector<1x256xf32>
      %tanh3A_526 = math.tanh %mul3A_525 : vector<1x256xf32>
      %mul3A_527 = arith.constant 5.000000e-01 : f32
      %mul3A_528 = vector.broadcast %mul3A_527 : f32 to vector<1x256xf32>
      %mul3A_529 = arith.mulf %mul3A_528, %tanh3A_526 : vector<1x256xf32>
      %add3A_530 = arith.constant 5.000000e-01 : f32
      %add3A_531 = vector.broadcast %add3A_530 : f32 to vector<1x256xf32>
      %add3A_532 = arith.addf %mul3A_529, %add3A_531 : vector<1x256xf32>
      %slice3A_533 = vector.extract_strided_slice %add3A_505 {offsets = [0, 256], sizes = [1, 256], strides = [1, 1]} : vector<1x1024xf32> to vector<1x256xf32>
      %mul3A_534 = arith.constant 5.000000e-01 : f32
      %mul3A_535 = vector.broadcast %mul3A_534 : f32 to vector<1x256xf32>
      %mul3A_536 = arith.mulf %mul3A_535, %slice3A_533 : vector<1x256xf32>
      %tanh3A_537 = math.tanh %mul3A_536 : vector<1x256xf32>
      %mul3A_538 = arith.constant 5.000000e-01 : f32
      %mul3A_539 = vector.broadcast %mul3A_538 : f32 to vector<1x256xf32>
      %mul3A_540 = arith.mulf %mul3A_539, %tanh3A_537 : vector<1x256xf32>
      %add3A_541 = arith.constant 5.000000e-01 : f32
      %add3A_542 = vector.broadcast %add3A_541 : f32 to vector<1x256xf32>
      %add3A_543 = arith.addf %mul3A_540, %add3A_542 : vector<1x256xf32>
      %slice3A_544 = vector.extract_strided_slice %add3A_505 {offsets = [0, 512], sizes = [1, 256], strides = [1, 1]} : vector<1x1024xf32> to vector<1x256xf32>
      %tanh3A_545 = math.tanh %slice3A_544 : vector<1x256xf32>
      %slice3A_546 = vector.extract_strided_slice %add3A_505 {offsets = [0, 768], sizes = [1, 256], strides = [1, 1]} : vector<1x1024xf32> to vector<1x256xf32>
      %mul3A_547 = arith.constant 5.000000e-01 : f32
      %mul3A_548 = vector.broadcast %mul3A_547 : f32 to vector<1x256xf32>
      %mul3A_549 = arith.mulf %mul3A_548, %slice3A_546 : vector<1x256xf32>
      %tanh3A_550 = math.tanh %mul3A_549 : vector<1x256xf32>
      %mul3A_551 = arith.constant 5.000000e-01 : f32
      %mul3A_552 = vector.broadcast %mul3A_551 : f32 to vector<1x256xf32>
      %mul3A_553 = arith.mulf %mul3A_552, %tanh3A_550 : vector<1x256xf32>
      %add3A_554 = arith.constant 5.000000e-01 : f32
      %add3A_555 = vector.broadcast %add3A_554 : f32 to vector<1x256xf32>
      %add3A_556 = arith.addf %mul3A_553, %add3A_555 : vector<1x256xf32>
      %mul3A_557 = arith.mulf %add3A_543, %add3A_447 : vector<1x256xf32>
      %mul3A_558 = arith.mulf %add3A_532, %tanh3A_545 : vector<1x256xf32>
      %add3A_559 = arith.addf %mul3A_557, %mul3A_558 : vector<1x256xf32>
      %tanh3A_560 = math.tanh %add3A_559 : vector<1x256xf32>
      %mul3A_561 = arith.mulf %add3A_556, %tanh3A_560 : vector<1x256xf32>
      %slice3A_562 = vector.extract_strided_slice %add3A_521 {offsets = [0, 0], sizes = [1, 256], strides = [1, 1]} : vector<1x1024xf32> to vector<1x256xf32>
      %mul3A_563 = arith.constant 5.000000e-01 : f32
      %mul3A_564 = vector.broadcast %mul3A_563 : f32 to vector<1x256xf32>
      %mul3A_565 = arith.mulf %mul3A_564, %slice3A_562 : vector<1x256xf32>
      %tanh3A_566 = math.tanh %mul3A_565 : vector<1x256xf32>
      %mul3A_567 = arith.constant 5.000000e-01 : f32
      %mul3A_568 = vector.broadcast %mul3A_567 : f32 to vector<1x256xf32>
      %mul3A_569 = arith.mulf %mul3A_568, %tanh3A_566 : vector<1x256xf32>
      %add3A_570 = arith.constant 5.000000e-01 : f32
      %add3A_571 = vector.broadcast %add3A_570 : f32 to vector<1x256xf32>
      %add3A_572 = arith.addf %mul3A_569, %add3A_571 : vector<1x256xf32>
      %slice3A_573 = vector.extract_strided_slice %add3A_521 {offsets = [0, 256], sizes = [1, 256], strides = [1, 1]} : vector<1x1024xf32> to vector<1x256xf32>
      %mul3A_574 = arith.constant 5.000000e-01 : f32
      %mul3A_575 = vector.broadcast %mul3A_574 : f32 to vector<1x256xf32>
      %mul3A_576 = arith.mulf %mul3A_575, %slice3A_573 : vector<1x256xf32>
      %tanh3A_577 = math.tanh %mul3A_576 : vector<1x256xf32>
      %mul3A_578 = arith.constant 5.000000e-01 : f32
      %mul3A_579 = vector.broadcast %mul3A_578 : f32 to vector<1x256xf32>
      %mul3A_580 = arith.mulf %mul3A_579, %tanh3A_577 : vector<1x256xf32>
      %add3A_581 = arith.constant 5.000000e-01 : f32
      %add3A_582 = vector.broadcast %add3A_581 : f32 to vector<1x256xf32>
      %add3A_583 = arith.addf %mul3A_580, %add3A_582 : vector<1x256xf32>
      %slice3A_584 = vector.extract_strided_slice %add3A_521 {offsets = [0, 512], sizes = [1, 256], strides = [1, 1]} : vector<1x1024xf32> to vector<1x256xf32>
      %tanh3A_585 = math.tanh %slice3A_584 : vector<1x256xf32>
      %slice3A_586 = vector.extract_strided_slice %add3A_521 {offsets = [0, 768], sizes = [1, 256], strides = [1, 1]} : vector<1x1024xf32> to vector<1x256xf32>
      %mul3A_587 = arith.constant 5.000000e-01 : f32
      %mul3A_588 = vector.broadcast %mul3A_587 : f32 to vector<1x256xf32>
      %mul3A_589 = arith.mulf %mul3A_588, %slice3A_586 : vector<1x256xf32>
      %tanh3A_590 = math.tanh %mul3A_589 : vector<1x256xf32>
      %mul3A_591 = arith.constant 5.000000e-01 : f32
      %mul3A_592 = vector.broadcast %mul3A_591 : f32 to vector<1x256xf32>
      %mul3A_593 = arith.mulf %mul3A_592, %tanh3A_590 : vector<1x256xf32>
      %add3A_594 = arith.constant 5.000000e-01 : f32
      %add3A_595 = vector.broadcast %add3A_594 : f32 to vector<1x256xf32>
      %add3A_596 = arith.addf %mul3A_593, %add3A_595 : vector<1x256xf32>
      %mul3A_597 = arith.mulf %add3A_583, %add3A_487 : vector<1x256xf32>
      %mul3A_598 = arith.mulf %add3A_572, %tanh3A_585 : vector<1x256xf32>
      %add3A_599 = arith.addf %mul3A_597, %mul3A_598 : vector<1x256xf32>
      %tanh3A_600 = math.tanh %add3A_599 : vector<1x256xf32>
      %mul3A_601 = arith.mulf %add3A_596, %tanh3A_600 : vector<1x256xf32>
      %slice3A_602 = vector.extract_strided_slice %get3A_40 {offsets = [5, 0], sizes = [1, 1024], strides = [1, 1]} : vector<8x1024xf32> to vector<1x1024xf32>
      %convert_element_type3A_603 = arith.truncf %mul3A_561 : vector<1x256xf32> to vector<1x256xbf16>
      %slice3A_604 = vector.extract_strided_slice %convert_element_type3A_603 {offsets = [0, 0], sizes = [1, 128], strides = [1, 1]} : vector<1x256xbf16> to vector<1x128xbf16>
      %get3A_605 = arith.constant 0 : index
      %get3A_606 = arith.constant 0 : index
      %get3A_607 = vector.load %arg2[%get3A_605, %get3A_606] : memref<256x1024xbf16, #tpu.memory_space<vmem>>, vector<128x1024xbf16>
      %dot_general3A_608 = arith.constant dense<0.000000e+00> : vector<1x1024xf32>
      %dot_general3A_609 = tpu.matmul %slice3A_604, %get3A_607, %dot_general3A_608 {dimension_numbers = #tpu.dot_dimension_numbers<[1], [0], [0], [1], [0, 0, 1, 1], [], []>, transpose_lhs_hint = false} : vector<1x128xbf16>, vector<128x1024xbf16>, vector<1x1024xf32> -> vector<1x1024xf32>
      %add3A_610 = arith.addf %slice3A_602, %dot_general3A_609 : vector<1x1024xf32>
      %slice3A_611 = vector.extract_strided_slice %convert_element_type3A_603 {offsets = [0, 128], sizes = [1, 128], strides = [1, 1]} : vector<1x256xbf16> to vector<1x128xbf16>
      %get3A_612 = arith.constant 128 : index
      %get3A_613 = arith.constant 0 : index
      %get3A_614 = vector.load %arg2[%get3A_612, %get3A_613] : memref<256x1024xbf16, #tpu.memory_space<vmem>>, vector<128x1024xbf16>
      %dot_general3A_615 = arith.constant dense<0.000000e+00> : vector<1x1024xf32>
      %dot_general3A_616 = tpu.matmul %slice3A_611, %get3A_614, %dot_general3A_615 {dimension_numbers = #tpu.dot_dimension_numbers<[1], [0], [0], [1], [0, 0, 1, 1], [], []>, transpose_lhs_hint = false} : vector<1x128xbf16>, vector<128x1024xbf16>, vector<1x1024xf32> -> vector<1x1024xf32>
      %add3A_617 = arith.addf %add3A_610, %dot_general3A_616 : vector<1x1024xf32>
      %slice3A_618 = vector.extract_strided_slice %get3A_43 {offsets = [2, 0], sizes = [1, 1024], strides = [1, 1]} : vector<8x1024xf32> to vector<1x1024xf32>
      %convert_element_type3A_619 = arith.truncf %mul3A_601 : vector<1x256xf32> to vector<1x256xbf16>
      %slice3A_620 = vector.extract_strided_slice %convert_element_type3A_619 {offsets = [0, 0], sizes = [1, 128], strides = [1, 1]} : vector<1x256xbf16> to vector<1x128xbf16>
      %get3A_621 = arith.constant 0 : index
      %get3A_622 = arith.constant 0 : index
      %get3A_623 = vector.load %arg5[%get3A_621, %get3A_622] : memref<256x1024xbf16, #tpu.memory_space<vmem>>, vector<128x1024xbf16>
      %dot_general3A_624 = arith.constant dense<0.000000e+00> : vector<1x1024xf32>
      %dot_general3A_625 = tpu.matmul %slice3A_620, %get3A_623, %dot_general3A_624 {dimension_numbers = #tpu.dot_dimension_numbers<[1], [0], [0], [1], [0, 0, 1, 1], [], []>, transpose_lhs_hint = false} : vector<1x128xbf16>, vector<128x1024xbf16>, vector<1x1024xf32> -> vector<1x1024xf32>
      %add3A_626 = arith.addf %slice3A_618, %dot_general3A_625 : vector<1x1024xf32>
      %slice3A_627 = vector.extract_strided_slice %convert_element_type3A_619 {offsets = [0, 128], sizes = [1, 128], strides = [1, 1]} : vector<1x256xbf16> to vector<1x128xbf16>
      %get3A_628 = arith.constant 128 : index
      %get3A_629 = arith.constant 0 : index
      %get3A_630 = vector.load %arg5[%get3A_628, %get3A_629] : memref<256x1024xbf16, #tpu.memory_space<vmem>>, vector<128x1024xbf16>
      %dot_general3A_631 = arith.constant dense<0.000000e+00> : vector<1x1024xf32>
      %dot_general3A_632 = tpu.matmul %slice3A_627, %get3A_630, %dot_general3A_631 {dimension_numbers = #tpu.dot_dimension_numbers<[1], [0], [0], [1], [0, 0, 1, 1], [], []>, transpose_lhs_hint = false} : vector<1x128xbf16>, vector<128x1024xbf16>, vector<1x1024xf32> -> vector<1x1024xf32>
      %add3A_633 = arith.addf %add3A_626, %dot_general3A_632 : vector<1x1024xf32>
      %slice3A_634 = vector.extract_strided_slice %add3A_617 {offsets = [0, 0], sizes = [1, 256], strides = [1, 1]} : vector<1x1024xf32> to vector<1x256xf32>
      %mul3A_635 = arith.constant 5.000000e-01 : f32
      %mul3A_636 = vector.broadcast %mul3A_635 : f32 to vector<1x256xf32>
      %mul3A_637 = arith.mulf %mul3A_636, %slice3A_634 : vector<1x256xf32>
      %tanh3A_638 = math.tanh %mul3A_637 : vector<1x256xf32>
      %mul3A_639 = arith.constant 5.000000e-01 : f32
      %mul3A_640 = vector.broadcast %mul3A_639 : f32 to vector<1x256xf32>
      %mul3A_641 = arith.mulf %mul3A_640, %tanh3A_638 : vector<1x256xf32>
      %add3A_642 = arith.constant 5.000000e-01 : f32
      %add3A_643 = vector.broadcast %add3A_642 : f32 to vector<1x256xf32>
      %add3A_644 = arith.addf %mul3A_641, %add3A_643 : vector<1x256xf32>
      %slice3A_645 = vector.extract_strided_slice %add3A_617 {offsets = [0, 256], sizes = [1, 256], strides = [1, 1]} : vector<1x1024xf32> to vector<1x256xf32>
      %mul3A_646 = arith.constant 5.000000e-01 : f32
      %mul3A_647 = vector.broadcast %mul3A_646 : f32 to vector<1x256xf32>
      %mul3A_648 = arith.mulf %mul3A_647, %slice3A_645 : vector<1x256xf32>
      %tanh3A_649 = math.tanh %mul3A_648 : vector<1x256xf32>
      %mul3A_650 = arith.constant 5.000000e-01 : f32
      %mul3A_651 = vector.broadcast %mul3A_650 : f32 to vector<1x256xf32>
      %mul3A_652 = arith.mulf %mul3A_651, %tanh3A_649 : vector<1x256xf32>
      %add3A_653 = arith.constant 5.000000e-01 : f32
      %add3A_654 = vector.broadcast %add3A_653 : f32 to vector<1x256xf32>
      %add3A_655 = arith.addf %mul3A_652, %add3A_654 : vector<1x256xf32>
      %slice3A_656 = vector.extract_strided_slice %add3A_617 {offsets = [0, 512], sizes = [1, 256], strides = [1, 1]} : vector<1x1024xf32> to vector<1x256xf32>
      %tanh3A_657 = math.tanh %slice3A_656 : vector<1x256xf32>
      %slice3A_658 = vector.extract_strided_slice %add3A_617 {offsets = [0, 768], sizes = [1, 256], strides = [1, 1]} : vector<1x1024xf32> to vector<1x256xf32>
      %mul3A_659 = arith.constant 5.000000e-01 : f32
      %mul3A_660 = vector.broadcast %mul3A_659 : f32 to vector<1x256xf32>
      %mul3A_661 = arith.mulf %mul3A_660, %slice3A_658 : vector<1x256xf32>
      %tanh3A_662 = math.tanh %mul3A_661 : vector<1x256xf32>
      %mul3A_663 = arith.constant 5.000000e-01 : f32
      %mul3A_664 = vector.broadcast %mul3A_663 : f32 to vector<1x256xf32>
      %mul3A_665 = arith.mulf %mul3A_664, %tanh3A_662 : vector<1x256xf32>
      %add3A_666 = arith.constant 5.000000e-01 : f32
      %add3A_667 = vector.broadcast %add3A_666 : f32 to vector<1x256xf32>
      %add3A_668 = arith.addf %mul3A_665, %add3A_667 : vector<1x256xf32>
      %mul3A_669 = arith.mulf %add3A_655, %add3A_559 : vector<1x256xf32>
      %mul3A_670 = arith.mulf %add3A_644, %tanh3A_657 : vector<1x256xf32>
      %add3A_671 = arith.addf %mul3A_669, %mul3A_670 : vector<1x256xf32>
      %tanh3A_672 = math.tanh %add3A_671 : vector<1x256xf32>
      %mul3A_673 = arith.mulf %add3A_668, %tanh3A_672 : vector<1x256xf32>
      %slice3A_674 = vector.extract_strided_slice %add3A_633 {offsets = [0, 0], sizes = [1, 256], strides = [1, 1]} : vector<1x1024xf32> to vector<1x256xf32>
      %mul3A_675 = arith.constant 5.000000e-01 : f32
      %mul3A_676 = vector.broadcast %mul3A_675 : f32 to vector<1x256xf32>
      %mul3A_677 = arith.mulf %mul3A_676, %slice3A_674 : vector<1x256xf32>
      %tanh3A_678 = math.tanh %mul3A_677 : vector<1x256xf32>
      %mul3A_679 = arith.constant 5.000000e-01 : f32
      %mul3A_680 = vector.broadcast %mul3A_679 : f32 to vector<1x256xf32>
      %mul3A_681 = arith.mulf %mul3A_680, %tanh3A_678 : vector<1x256xf32>
      %add3A_682 = arith.constant 5.000000e-01 : f32
      %add3A_683 = vector.broadcast %add3A_682 : f32 to vector<1x256xf32>
      %add3A_684 = arith.addf %mul3A_681, %add3A_683 : vector<1x256xf32>
      %slice3A_685 = vector.extract_strided_slice %add3A_633 {offsets = [0, 256], sizes = [1, 256], strides = [1, 1]} : vector<1x1024xf32> to vector<1x256xf32>
      %mul3A_686 = arith.constant 5.000000e-01 : f32
      %mul3A_687 = vector.broadcast %mul3A_686 : f32 to vector<1x256xf32>
      %mul3A_688 = arith.mulf %mul3A_687, %slice3A_685 : vector<1x256xf32>
      %tanh3A_689 = math.tanh %mul3A_688 : vector<1x256xf32>
      %mul3A_690 = arith.constant 5.000000e-01 : f32
      %mul3A_691 = vector.broadcast %mul3A_690 : f32 to vector<1x256xf32>
      %mul3A_692 = arith.mulf %mul3A_691, %tanh3A_689 : vector<1x256xf32>
      %add3A_693 = arith.constant 5.000000e-01 : f32
      %add3A_694 = vector.broadcast %add3A_693 : f32 to vector<1x256xf32>
      %add3A_695 = arith.addf %mul3A_692, %add3A_694 : vector<1x256xf32>
      %slice3A_696 = vector.extract_strided_slice %add3A_633 {offsets = [0, 512], sizes = [1, 256], strides = [1, 1]} : vector<1x1024xf32> to vector<1x256xf32>
      %tanh3A_697 = math.tanh %slice3A_696 : vector<1x256xf32>
      %slice3A_698 = vector.extract_strided_slice %add3A_633 {offsets = [0, 768], sizes = [1, 256], strides = [1, 1]} : vector<1x1024xf32> to vector<1x256xf32>
      %mul3A_699 = arith.constant 5.000000e-01 : f32
      %mul3A_700 = vector.broadcast %mul3A_699 : f32 to vector<1x256xf32>
      %mul3A_701 = arith.mulf %mul3A_700, %slice3A_698 : vector<1x256xf32>
      %tanh3A_702 = math.tanh %mul3A_701 : vector<1x256xf32>
      %mul3A_703 = arith.constant 5.000000e-01 : f32
      %mul3A_704 = vector.broadcast %mul3A_703 : f32 to vector<1x256xf32>
      %mul3A_705 = arith.mulf %mul3A_704, %tanh3A_702 : vector<1x256xf32>
      %add3A_706 = arith.constant 5.000000e-01 : f32
      %add3A_707 = vector.broadcast %add3A_706 : f32 to vector<1x256xf32>
      %add3A_708 = arith.addf %mul3A_705, %add3A_707 : vector<1x256xf32>
      %mul3A_709 = arith.mulf %add3A_695, %add3A_599 : vector<1x256xf32>
      %mul3A_710 = arith.mulf %add3A_684, %tanh3A_697 : vector<1x256xf32>
      %add3A_711 = arith.addf %mul3A_709, %mul3A_710 : vector<1x256xf32>
      %tanh3A_712 = math.tanh %add3A_711 : vector<1x256xf32>
      %mul3A_713 = arith.mulf %add3A_708, %tanh3A_712 : vector<1x256xf32>
      %slice3A_714 = vector.extract_strided_slice %get3A_40 {offsets = [6, 0], sizes = [1, 1024], strides = [1, 1]} : vector<8x1024xf32> to vector<1x1024xf32>
      %convert_element_type3A_715 = arith.truncf %mul3A_673 : vector<1x256xf32> to vector<1x256xbf16>
      %slice3A_716 = vector.extract_strided_slice %convert_element_type3A_715 {offsets = [0, 0], sizes = [1, 128], strides = [1, 1]} : vector<1x256xbf16> to vector<1x128xbf16>
      %get3A_717 = arith.constant 0 : index
      %get3A_718 = arith.constant 0 : index
      %get3A_719 = vector.load %arg2[%get3A_717, %get3A_718] : memref<256x1024xbf16, #tpu.memory_space<vmem>>, vector<128x1024xbf16>
      %dot_general3A_720 = arith.constant dense<0.000000e+00> : vector<1x1024xf32>
      %dot_general3A_721 = tpu.matmul %slice3A_716, %get3A_719, %dot_general3A_720 {dimension_numbers = #tpu.dot_dimension_numbers<[1], [0], [0], [1], [0, 0, 1, 1], [], []>, transpose_lhs_hint = false} : vector<1x128xbf16>, vector<128x1024xbf16>, vector<1x1024xf32> -> vector<1x1024xf32>
      %add3A_722 = arith.addf %slice3A_714, %dot_general3A_721 : vector<1x1024xf32>
      %slice3A_723 = vector.extract_strided_slice %convert_element_type3A_715 {offsets = [0, 128], sizes = [1, 128], strides = [1, 1]} : vector<1x256xbf16> to vector<1x128xbf16>
      %get3A_724 = arith.constant 128 : index
      %get3A_725 = arith.constant 0 : index
      %get3A_726 = vector.load %arg2[%get3A_724, %get3A_725] : memref<256x1024xbf16, #tpu.memory_space<vmem>>, vector<128x1024xbf16>
      %dot_general3A_727 = arith.constant dense<0.000000e+00> : vector<1x1024xf32>
      %dot_general3A_728 = tpu.matmul %slice3A_723, %get3A_726, %dot_general3A_727 {dimension_numbers = #tpu.dot_dimension_numbers<[1], [0], [0], [1], [0, 0, 1, 1], [], []>, transpose_lhs_hint = false} : vector<1x128xbf16>, vector<128x1024xbf16>, vector<1x1024xf32> -> vector<1x1024xf32>
      %add3A_729 = arith.addf %add3A_722, %dot_general3A_728 : vector<1x1024xf32>
      %slice3A_730 = vector.extract_strided_slice %get3A_43 {offsets = [1, 0], sizes = [1, 1024], strides = [1, 1]} : vector<8x1024xf32> to vector<1x1024xf32>
      %convert_element_type3A_731 = arith.truncf %mul3A_713 : vector<1x256xf32> to vector<1x256xbf16>
      %slice3A_732 = vector.extract_strided_slice %convert_element_type3A_731 {offsets = [0, 0], sizes = [1, 128], strides = [1, 1]} : vector<1x256xbf16> to vector<1x128xbf16>
      %get3A_733 = arith.constant 0 : index
      %get3A_734 = arith.constant 0 : index
      %get3A_735 = vector.load %arg5[%get3A_733, %get3A_734] : memref<256x1024xbf16, #tpu.memory_space<vmem>>, vector<128x1024xbf16>
      %dot_general3A_736 = arith.constant dense<0.000000e+00> : vector<1x1024xf32>
      %dot_general3A_737 = tpu.matmul %slice3A_732, %get3A_735, %dot_general3A_736 {dimension_numbers = #tpu.dot_dimension_numbers<[1], [0], [0], [1], [0, 0, 1, 1], [], []>, transpose_lhs_hint = false} : vector<1x128xbf16>, vector<128x1024xbf16>, vector<1x1024xf32> -> vector<1x1024xf32>
      %add3A_738 = arith.addf %slice3A_730, %dot_general3A_737 : vector<1x1024xf32>
      %slice3A_739 = vector.extract_strided_slice %convert_element_type3A_731 {offsets = [0, 128], sizes = [1, 128], strides = [1, 1]} : vector<1x256xbf16> to vector<1x128xbf16>
      %get3A_740 = arith.constant 128 : index
      %get3A_741 = arith.constant 0 : index
      %get3A_742 = vector.load %arg5[%get3A_740, %get3A_741] : memref<256x1024xbf16, #tpu.memory_space<vmem>>, vector<128x1024xbf16>
      %dot_general3A_743 = arith.constant dense<0.000000e+00> : vector<1x1024xf32>
      %dot_general3A_744 = tpu.matmul %slice3A_739, %get3A_742, %dot_general3A_743 {dimension_numbers = #tpu.dot_dimension_numbers<[1], [0], [0], [1], [0, 0, 1, 1], [], []>, transpose_lhs_hint = false} : vector<1x128xbf16>, vector<128x1024xbf16>, vector<1x1024xf32> -> vector<1x1024xf32>
      %add3A_745 = arith.addf %add3A_738, %dot_general3A_744 : vector<1x1024xf32>
      %slice3A_746 = vector.extract_strided_slice %add3A_729 {offsets = [0, 0], sizes = [1, 256], strides = [1, 1]} : vector<1x1024xf32> to vector<1x256xf32>
      %mul3A_747 = arith.constant 5.000000e-01 : f32
      %mul3A_748 = vector.broadcast %mul3A_747 : f32 to vector<1x256xf32>
      %mul3A_749 = arith.mulf %mul3A_748, %slice3A_746 : vector<1x256xf32>
      %tanh3A_750 = math.tanh %mul3A_749 : vector<1x256xf32>
      %mul3A_751 = arith.constant 5.000000e-01 : f32
      %mul3A_752 = vector.broadcast %mul3A_751 : f32 to vector<1x256xf32>
      %mul3A_753 = arith.mulf %mul3A_752, %tanh3A_750 : vector<1x256xf32>
      %add3A_754 = arith.constant 5.000000e-01 : f32
      %add3A_755 = vector.broadcast %add3A_754 : f32 to vector<1x256xf32>
      %add3A_756 = arith.addf %mul3A_753, %add3A_755 : vector<1x256xf32>
      %slice3A_757 = vector.extract_strided_slice %add3A_729 {offsets = [0, 256], sizes = [1, 256], strides = [1, 1]} : vector<1x1024xf32> to vector<1x256xf32>
      %mul3A_758 = arith.constant 5.000000e-01 : f32
      %mul3A_759 = vector.broadcast %mul3A_758 : f32 to vector<1x256xf32>
      %mul3A_760 = arith.mulf %mul3A_759, %slice3A_757 : vector<1x256xf32>
      %tanh3A_761 = math.tanh %mul3A_760 : vector<1x256xf32>
      %mul3A_762 = arith.constant 5.000000e-01 : f32
      %mul3A_763 = vector.broadcast %mul3A_762 : f32 to vector<1x256xf32>
      %mul3A_764 = arith.mulf %mul3A_763, %tanh3A_761 : vector<1x256xf32>
      %add3A_765 = arith.constant 5.000000e-01 : f32
      %add3A_766 = vector.broadcast %add3A_765 : f32 to vector<1x256xf32>
      %add3A_767 = arith.addf %mul3A_764, %add3A_766 : vector<1x256xf32>
      %slice3A_768 = vector.extract_strided_slice %add3A_729 {offsets = [0, 512], sizes = [1, 256], strides = [1, 1]} : vector<1x1024xf32> to vector<1x256xf32>
      %tanh3A_769 = math.tanh %slice3A_768 : vector<1x256xf32>
      %slice3A_770 = vector.extract_strided_slice %add3A_729 {offsets = [0, 768], sizes = [1, 256], strides = [1, 1]} : vector<1x1024xf32> to vector<1x256xf32>
      %mul3A_771 = arith.constant 5.000000e-01 : f32
      %mul3A_772 = vector.broadcast %mul3A_771 : f32 to vector<1x256xf32>
      %mul3A_773 = arith.mulf %mul3A_772, %slice3A_770 : vector<1x256xf32>
      %tanh3A_774 = math.tanh %mul3A_773 : vector<1x256xf32>
      %mul3A_775 = arith.constant 5.000000e-01 : f32
      %mul3A_776 = vector.broadcast %mul3A_775 : f32 to vector<1x256xf32>
      %mul3A_777 = arith.mulf %mul3A_776, %tanh3A_774 : vector<1x256xf32>
      %add3A_778 = arith.constant 5.000000e-01 : f32
      %add3A_779 = vector.broadcast %add3A_778 : f32 to vector<1x256xf32>
      %add3A_780 = arith.addf %mul3A_777, %add3A_779 : vector<1x256xf32>
      %mul3A_781 = arith.mulf %add3A_767, %add3A_671 : vector<1x256xf32>
      %mul3A_782 = arith.mulf %add3A_756, %tanh3A_769 : vector<1x256xf32>
      %add3A_783 = arith.addf %mul3A_781, %mul3A_782 : vector<1x256xf32>
      %tanh3A_784 = math.tanh %add3A_783 : vector<1x256xf32>
      %mul3A_785 = arith.mulf %add3A_780, %tanh3A_784 : vector<1x256xf32>
      %slice3A_786 = vector.extract_strided_slice %add3A_745 {offsets = [0, 0], sizes = [1, 256], strides = [1, 1]} : vector<1x1024xf32> to vector<1x256xf32>
      %mul3A_787 = arith.constant 5.000000e-01 : f32
      %mul3A_788 = vector.broadcast %mul3A_787 : f32 to vector<1x256xf32>
      %mul3A_789 = arith.mulf %mul3A_788, %slice3A_786 : vector<1x256xf32>
      %tanh3A_790 = math.tanh %mul3A_789 : vector<1x256xf32>
      %mul3A_791 = arith.constant 5.000000e-01 : f32
      %mul3A_792 = vector.broadcast %mul3A_791 : f32 to vector<1x256xf32>
      %mul3A_793 = arith.mulf %mul3A_792, %tanh3A_790 : vector<1x256xf32>
      %add3A_794 = arith.constant 5.000000e-01 : f32
      %add3A_795 = vector.broadcast %add3A_794 : f32 to vector<1x256xf32>
      %add3A_796 = arith.addf %mul3A_793, %add3A_795 : vector<1x256xf32>
      %slice3A_797 = vector.extract_strided_slice %add3A_745 {offsets = [0, 256], sizes = [1, 256], strides = [1, 1]} : vector<1x1024xf32> to vector<1x256xf32>
      %mul3A_798 = arith.constant 5.000000e-01 : f32
      %mul3A_799 = vector.broadcast %mul3A_798 : f32 to vector<1x256xf32>
      %mul3A_800 = arith.mulf %mul3A_799, %slice3A_797 : vector<1x256xf32>
      %tanh3A_801 = math.tanh %mul3A_800 : vector<1x256xf32>
      %mul3A_802 = arith.constant 5.000000e-01 : f32
      %mul3A_803 = vector.broadcast %mul3A_802 : f32 to vector<1x256xf32>
      %mul3A_804 = arith.mulf %mul3A_803, %tanh3A_801 : vector<1x256xf32>
      %add3A_805 = arith.constant 5.000000e-01 : f32
      %add3A_806 = vector.broadcast %add3A_805 : f32 to vector<1x256xf32>
      %add3A_807 = arith.addf %mul3A_804, %add3A_806 : vector<1x256xf32>
      %slice3A_808 = vector.extract_strided_slice %add3A_745 {offsets = [0, 512], sizes = [1, 256], strides = [1, 1]} : vector<1x1024xf32> to vector<1x256xf32>
      %tanh3A_809 = math.tanh %slice3A_808 : vector<1x256xf32>
      %slice3A_810 = vector.extract_strided_slice %add3A_745 {offsets = [0, 768], sizes = [1, 256], strides = [1, 1]} : vector<1x1024xf32> to vector<1x256xf32>
      %mul3A_811 = arith.constant 5.000000e-01 : f32
      %mul3A_812 = vector.broadcast %mul3A_811 : f32 to vector<1x256xf32>
      %mul3A_813 = arith.mulf %mul3A_812, %slice3A_810 : vector<1x256xf32>
      %tanh3A_814 = math.tanh %mul3A_813 : vector<1x256xf32>
      %mul3A_815 = arith.constant 5.000000e-01 : f32
      %mul3A_816 = vector.broadcast %mul3A_815 : f32 to vector<1x256xf32>
      %mul3A_817 = arith.mulf %mul3A_816, %tanh3A_814 : vector<1x256xf32>
      %add3A_818 = arith.constant 5.000000e-01 : f32
      %add3A_819 = vector.broadcast %add3A_818 : f32 to vector<1x256xf32>
      %add3A_820 = arith.addf %mul3A_817, %add3A_819 : vector<1x256xf32>
      %mul3A_821 = arith.mulf %add3A_807, %add3A_711 : vector<1x256xf32>
      %mul3A_822 = arith.mulf %add3A_796, %tanh3A_809 : vector<1x256xf32>
      %add3A_823 = arith.addf %mul3A_821, %mul3A_822 : vector<1x256xf32>
      %tanh3A_824 = math.tanh %add3A_823 : vector<1x256xf32>
      %mul3A_825 = arith.mulf %add3A_820, %tanh3A_824 : vector<1x256xf32>
      %slice3A_826 = vector.extract_strided_slice %get3A_40 {offsets = [7, 0], sizes = [1, 1024], strides = [1, 1]} : vector<8x1024xf32> to vector<1x1024xf32>
      %convert_element_type3A_827 = arith.truncf %mul3A_785 : vector<1x256xf32> to vector<1x256xbf16>
      %slice3A_828 = vector.extract_strided_slice %convert_element_type3A_827 {offsets = [0, 0], sizes = [1, 128], strides = [1, 1]} : vector<1x256xbf16> to vector<1x128xbf16>
      %get3A_829 = arith.constant 0 : index
      %get3A_830 = arith.constant 0 : index
      %get3A_831 = vector.load %arg2[%get3A_829, %get3A_830] : memref<256x1024xbf16, #tpu.memory_space<vmem>>, vector<128x1024xbf16>
      %dot_general3A_832 = arith.constant dense<0.000000e+00> : vector<1x1024xf32>
      %dot_general3A_833 = tpu.matmul %slice3A_828, %get3A_831, %dot_general3A_832 {dimension_numbers = #tpu.dot_dimension_numbers<[1], [0], [0], [1], [0, 0, 1, 1], [], []>, transpose_lhs_hint = false} : vector<1x128xbf16>, vector<128x1024xbf16>, vector<1x1024xf32> -> vector<1x1024xf32>
      %add3A_834 = arith.addf %slice3A_826, %dot_general3A_833 : vector<1x1024xf32>
      %slice3A_835 = vector.extract_strided_slice %convert_element_type3A_827 {offsets = [0, 128], sizes = [1, 128], strides = [1, 1]} : vector<1x256xbf16> to vector<1x128xbf16>
      %get3A_836 = arith.constant 128 : index
      %get3A_837 = arith.constant 0 : index
      %get3A_838 = vector.load %arg2[%get3A_836, %get3A_837] : memref<256x1024xbf16, #tpu.memory_space<vmem>>, vector<128x1024xbf16>
      %dot_general3A_839 = arith.constant dense<0.000000e+00> : vector<1x1024xf32>
      %dot_general3A_840 = tpu.matmul %slice3A_835, %get3A_838, %dot_general3A_839 {dimension_numbers = #tpu.dot_dimension_numbers<[1], [0], [0], [1], [0, 0, 1, 1], [], []>, transpose_lhs_hint = false} : vector<1x128xbf16>, vector<128x1024xbf16>, vector<1x1024xf32> -> vector<1x1024xf32>
      %add3A_841 = arith.addf %add3A_834, %dot_general3A_840 : vector<1x1024xf32>
      %slice3A_842 = vector.extract_strided_slice %get3A_43 {offsets = [0, 0], sizes = [1, 1024], strides = [1, 1]} : vector<8x1024xf32> to vector<1x1024xf32>
      %convert_element_type3A_843 = arith.truncf %mul3A_825 : vector<1x256xf32> to vector<1x256xbf16>
      %slice3A_844 = vector.extract_strided_slice %convert_element_type3A_843 {offsets = [0, 0], sizes = [1, 128], strides = [1, 1]} : vector<1x256xbf16> to vector<1x128xbf16>
      %get3A_845 = arith.constant 0 : index
      %get3A_846 = arith.constant 0 : index
      %get3A_847 = vector.load %arg5[%get3A_845, %get3A_846] : memref<256x1024xbf16, #tpu.memory_space<vmem>>, vector<128x1024xbf16>
      %dot_general3A_848 = arith.constant dense<0.000000e+00> : vector<1x1024xf32>
      %dot_general3A_849 = tpu.matmul %slice3A_844, %get3A_847, %dot_general3A_848 {dimension_numbers = #tpu.dot_dimension_numbers<[1], [0], [0], [1], [0, 0, 1, 1], [], []>, transpose_lhs_hint = false} : vector<1x128xbf16>, vector<128x1024xbf16>, vector<1x1024xf32> -> vector<1x1024xf32>
      %add3A_850 = arith.addf %slice3A_842, %dot_general3A_849 : vector<1x1024xf32>
      %slice3A_851 = vector.extract_strided_slice %convert_element_type3A_843 {offsets = [0, 128], sizes = [1, 128], strides = [1, 1]} : vector<1x256xbf16> to vector<1x128xbf16>
      %get3A_852 = arith.constant 128 : index
      %get3A_853 = arith.constant 0 : index
      %get3A_854 = vector.load %arg5[%get3A_852, %get3A_853] : memref<256x1024xbf16, #tpu.memory_space<vmem>>, vector<128x1024xbf16>
      %dot_general3A_855 = arith.constant dense<0.000000e+00> : vector<1x1024xf32>
      %dot_general3A_856 = tpu.matmul %slice3A_851, %get3A_854, %dot_general3A_855 {dimension_numbers = #tpu.dot_dimension_numbers<[1], [0], [0], [1], [0, 0, 1, 1], [], []>, transpose_lhs_hint = false} : vector<1x128xbf16>, vector<128x1024xbf16>, vector<1x1024xf32> -> vector<1x1024xf32>
      %add3A_857 = arith.addf %add3A_850, %dot_general3A_856 : vector<1x1024xf32>
      %slice3A_858 = vector.extract_strided_slice %add3A_841 {offsets = [0, 0], sizes = [1, 256], strides = [1, 1]} : vector<1x1024xf32> to vector<1x256xf32>
      %mul3A_859 = arith.constant 5.000000e-01 : f32
      %mul3A_860 = vector.broadcast %mul3A_859 : f32 to vector<1x256xf32>
      %mul3A_861 = arith.mulf %mul3A_860, %slice3A_858 : vector<1x256xf32>
      %tanh3A_862 = math.tanh %mul3A_861 : vector<1x256xf32>
      %mul3A_863 = arith.constant 5.000000e-01 : f32
      %mul3A_864 = vector.broadcast %mul3A_863 : f32 to vector<1x256xf32>
      %mul3A_865 = arith.mulf %mul3A_864, %tanh3A_862 : vector<1x256xf32>
      %add3A_866 = arith.constant 5.000000e-01 : f32
      %add3A_867 = vector.broadcast %add3A_866 : f32 to vector<1x256xf32>
      %add3A_868 = arith.addf %mul3A_865, %add3A_867 : vector<1x256xf32>
      %slice3A_869 = vector.extract_strided_slice %add3A_841 {offsets = [0, 256], sizes = [1, 256], strides = [1, 1]} : vector<1x1024xf32> to vector<1x256xf32>
      %mul3A_870 = arith.constant 5.000000e-01 : f32
      %mul3A_871 = vector.broadcast %mul3A_870 : f32 to vector<1x256xf32>
      %mul3A_872 = arith.mulf %mul3A_871, %slice3A_869 : vector<1x256xf32>
      %tanh3A_873 = math.tanh %mul3A_872 : vector<1x256xf32>
      %mul3A_874 = arith.constant 5.000000e-01 : f32
      %mul3A_875 = vector.broadcast %mul3A_874 : f32 to vector<1x256xf32>
      %mul3A_876 = arith.mulf %mul3A_875, %tanh3A_873 : vector<1x256xf32>
      %add3A_877 = arith.constant 5.000000e-01 : f32
      %add3A_878 = vector.broadcast %add3A_877 : f32 to vector<1x256xf32>
      %add3A_879 = arith.addf %mul3A_876, %add3A_878 : vector<1x256xf32>
      %slice3A_880 = vector.extract_strided_slice %add3A_841 {offsets = [0, 512], sizes = [1, 256], strides = [1, 1]} : vector<1x1024xf32> to vector<1x256xf32>
      %tanh3A_881 = math.tanh %slice3A_880 : vector<1x256xf32>
      %slice3A_882 = vector.extract_strided_slice %add3A_841 {offsets = [0, 768], sizes = [1, 256], strides = [1, 1]} : vector<1x1024xf32> to vector<1x256xf32>
      %mul3A_883 = arith.constant 5.000000e-01 : f32
      %mul3A_884 = vector.broadcast %mul3A_883 : f32 to vector<1x256xf32>
      %mul3A_885 = arith.mulf %mul3A_884, %slice3A_882 : vector<1x256xf32>
      %tanh3A_886 = math.tanh %mul3A_885 : vector<1x256xf32>
      %mul3A_887 = arith.constant 5.000000e-01 : f32
      %mul3A_888 = vector.broadcast %mul3A_887 : f32 to vector<1x256xf32>
      %mul3A_889 = arith.mulf %mul3A_888, %tanh3A_886 : vector<1x256xf32>
      %add3A_890 = arith.constant 5.000000e-01 : f32
      %add3A_891 = vector.broadcast %add3A_890 : f32 to vector<1x256xf32>
      %add3A_892 = arith.addf %mul3A_889, %add3A_891 : vector<1x256xf32>
      %mul3A_893 = arith.mulf %add3A_879, %add3A_783 : vector<1x256xf32>
      %mul3A_894 = arith.mulf %add3A_868, %tanh3A_881 : vector<1x256xf32>
      %add3A_895 = arith.addf %mul3A_893, %mul3A_894 : vector<1x256xf32>
      %tanh3A_896 = math.tanh %add3A_895 : vector<1x256xf32>
      %mul3A_897 = arith.mulf %add3A_892, %tanh3A_896 : vector<1x256xf32>
      %slice3A_898 = vector.extract_strided_slice %add3A_857 {offsets = [0, 0], sizes = [1, 256], strides = [1, 1]} : vector<1x1024xf32> to vector<1x256xf32>
      %mul3A_899 = arith.constant 5.000000e-01 : f32
      %mul3A_900 = vector.broadcast %mul3A_899 : f32 to vector<1x256xf32>
      %mul3A_901 = arith.mulf %mul3A_900, %slice3A_898 : vector<1x256xf32>
      %tanh3A_902 = math.tanh %mul3A_901 : vector<1x256xf32>
      %mul3A_903 = arith.constant 5.000000e-01 : f32
      %mul3A_904 = vector.broadcast %mul3A_903 : f32 to vector<1x256xf32>
      %mul3A_905 = arith.mulf %mul3A_904, %tanh3A_902 : vector<1x256xf32>
      %add3A_906 = arith.constant 5.000000e-01 : f32
      %add3A_907 = vector.broadcast %add3A_906 : f32 to vector<1x256xf32>
      %add3A_908 = arith.addf %mul3A_905, %add3A_907 : vector<1x256xf32>
      %slice3A_909 = vector.extract_strided_slice %add3A_857 {offsets = [0, 256], sizes = [1, 256], strides = [1, 1]} : vector<1x1024xf32> to vector<1x256xf32>
      %mul3A_910 = arith.constant 5.000000e-01 : f32
      %mul3A_911 = vector.broadcast %mul3A_910 : f32 to vector<1x256xf32>
      %mul3A_912 = arith.mulf %mul3A_911, %slice3A_909 : vector<1x256xf32>
      %tanh3A_913 = math.tanh %mul3A_912 : vector<1x256xf32>
      %mul3A_914 = arith.constant 5.000000e-01 : f32
      %mul3A_915 = vector.broadcast %mul3A_914 : f32 to vector<1x256xf32>
      %mul3A_916 = arith.mulf %mul3A_915, %tanh3A_913 : vector<1x256xf32>
      %add3A_917 = arith.constant 5.000000e-01 : f32
      %add3A_918 = vector.broadcast %add3A_917 : f32 to vector<1x256xf32>
      %add3A_919 = arith.addf %mul3A_916, %add3A_918 : vector<1x256xf32>
      %slice3A_920 = vector.extract_strided_slice %add3A_857 {offsets = [0, 512], sizes = [1, 256], strides = [1, 1]} : vector<1x1024xf32> to vector<1x256xf32>
      %tanh3A_921 = math.tanh %slice3A_920 : vector<1x256xf32>
      %slice3A_922 = vector.extract_strided_slice %add3A_857 {offsets = [0, 768], sizes = [1, 256], strides = [1, 1]} : vector<1x1024xf32> to vector<1x256xf32>
      %mul3A_923 = arith.constant 5.000000e-01 : f32
      %mul3A_924 = vector.broadcast %mul3A_923 : f32 to vector<1x256xf32>
      %mul3A_925 = arith.mulf %mul3A_924, %slice3A_922 : vector<1x256xf32>
      %tanh3A_926 = math.tanh %mul3A_925 : vector<1x256xf32>
      %mul3A_927 = arith.constant 5.000000e-01 : f32
      %mul3A_928 = vector.broadcast %mul3A_927 : f32 to vector<1x256xf32>
      %mul3A_929 = arith.mulf %mul3A_928, %tanh3A_926 : vector<1x256xf32>
      %add3A_930 = arith.constant 5.000000e-01 : f32
      %add3A_931 = vector.broadcast %add3A_930 : f32 to vector<1x256xf32>
      %add3A_932 = arith.addf %mul3A_929, %add3A_931 : vector<1x256xf32>
      %mul3A_933 = arith.mulf %add3A_919, %add3A_823 : vector<1x256xf32>
      %mul3A_934 = arith.mulf %add3A_908, %tanh3A_921 : vector<1x256xf32>
      %add3A_935 = arith.addf %mul3A_933, %mul3A_934 : vector<1x256xf32>
      %tanh3A_936 = math.tanh %add3A_935 : vector<1x256xf32>
      %mul3A_937 = arith.mulf %add3A_932, %tanh3A_936 : vector<1x256xf32>
      %concatenate3A = tpu.concatenate %mul3A_113, %mul3A_225, %mul3A_337, %mul3A_449, %mul3A_561, %mul3A_673, %mul3A_785, %mul3A_897 in 0 : vector<1x256xf32>, vector<1x256xf32>, vector<1x256xf32>, vector<1x256xf32>, vector<1x256xf32>, vector<1x256xf32>, vector<1x256xf32>, vector<1x256xf32> -> vector<8x256xf32>
      %swap3A_938 = arith.index_cast %mul3A_36 : i32 to index
      %swap3A_939 = arith.constant 0 : index
      %swap3A_940 = vector.load %arg7[%swap3A_938, %swap3A_939] : memref<512x512xf32, #tpu.memory_space<vmem>>, vector<8x256xf32>
      tpu.vector_store %arg7[%swap3A_938, %swap3A_939], %concatenate3A {strides = array<i32>} : memref<512x512xf32, #tpu.memory_space<vmem>>, vector<8x256xf32>,
      %concatenate3A_941 = tpu.concatenate %mul3A_937, %mul3A_825, %mul3A_713, %mul3A_601, %mul3A_489, %mul3A_377, %mul3A_265, %mul3A_153 in 0 : vector<1x256xf32>, vector<1x256xf32>, vector<1x256xf32>, vector<1x256xf32>, vector<1x256xf32>, vector<1x256xf32>, vector<1x256xf32>, vector<1x256xf32> -> vector<8x256xf32>
      %swap3A_942 = arith.index_cast %sub3A_37 : i32 to index
      %swap3A_943 = arith.constant 256 : index
      %swap3A_944 = vector.load %arg7[%swap3A_942, %swap3A_943] : memref<512x512xf32, #tpu.memory_space<vmem>>, vector<8x256xf32>
      tpu.vector_store %arg7[%swap3A_942, %swap3A_943], %concatenate3A_941 {strides = array<i32>} : memref<512x512xf32, #tpu.memory_space<vmem>>, vector<8x256xf32>,
      scf.yield %mul3A_897, %add3A_895, %mul3A_937, %add3A_935 : vector<1x256xf32>, vector<1x256xf32>, vector<1x256xf32>, vector<1x256xf32>
    }
    %scan3A_30 = arith.constant 64 : i32
    return
  }
}

module attributes {stable_mosaic.version = 14 : i64} {
  func.func @_ab_body(%arg0: memref<512x512xf32, #tpu.memory_space<vmem>>, %arg1: memref<512x512xf32, #tpu.memory_space<vmem>>, %arg2: memref<512x256xbf16, #tpu.memory_space<vmem>>, %arg3: memref<256x512xbf16, #tpu.memory_space<vmem>>, %arg4: memref<1x256xf32, #tpu.memory_space<vmem>>, %arg5: memref<512x256xf32, #tpu.memory_space<vmem>>, %arg6: memref<256x512xf32, #tpu.memory_space<vmem>>) attributes {dimension_semantics = [], scalar_prefetch = 0 : i64, scratch_operands = 0 : i64, tpu.core_type = #tpu.core_type<tc>} {
    %get3A = arith.constant 0 : index
    %get3A_0 = arith.constant 0 : index
    %get3A_1 = vector.load %arg0[%get3A, %get3A_0] : memref<512x512xf32, #tpu.memory_space<vmem>>, vector<512x512xf32>
    %convert_element_type3A = arith.truncf %get3A_1 : vector<512x512xf32> to vector<512x512xbf16>
    %get3A_2 = arith.constant 0 : index
    %get3A_3 = arith.constant 0 : index
    %get3A_4 = vector.load %arg2[%get3A_2, %get3A_3] : memref<512x256xbf16, #tpu.memory_space<vmem>>, vector<512x256xbf16>
    %dot_general3A = arith.constant dense<0.000000e+00> : vector<512x256xf32>
    %dot_general3A_5 = tpu.matmul %convert_element_type3A, %get3A_4, %dot_general3A {dimension_numbers = #tpu.dot_dimension_numbers<[1], [0], [0], [1], [0, 0, 1, 1], [], []>, transpose_lhs_hint = false} : vector<512x512xbf16>, vector<512x256xbf16>, vector<512x256xf32> -> vector<512x256xf32>
    %get3A_6 = arith.constant 0 : index
    %get3A_7 = arith.constant 0 : index
    %get3A_8 = vector.load %arg4[%get3A_6, %get3A_7] : memref<1x256xf32, #tpu.memory_space<vmem>>, vector<1x256xf32>
    %add3A = vector.broadcast %get3A_8 : vector<1x256xf32> to vector<512x256xf32>
    %add3A_9 = arith.addf %dot_general3A_5, %add3A : vector<512x256xf32>
    %swap3A = arith.constant 0 : index
    %swap3A_10 = arith.constant 0 : index
    %swap3A_11 = vector.load %arg5[%swap3A, %swap3A_10] : memref<512x256xf32, #tpu.memory_space<vmem>>, vector<512x256xf32>
    tpu.vector_store %arg5[%swap3A, %swap3A_10], %add3A_9 {strides = array<i32>} : memref<512x256xf32, #tpu.memory_space<vmem>>, vector<512x256xf32>,
    %get3A_12 = arith.constant 0 : index
    %get3A_13 = arith.constant 0 : index
    %get3A_14 = vector.load %arg3[%get3A_12, %get3A_13] : memref<256x512xbf16, #tpu.memory_space<vmem>>, vector<256x512xbf16>
    %get3A_15 = arith.constant 0 : index
    %get3A_16 = arith.constant 0 : index
    %get3A_17 = vector.load %arg1[%get3A_15, %get3A_16] : memref<512x512xf32, #tpu.memory_space<vmem>>, vector<512x512xf32>
    %convert_element_type3A_18 = arith.truncf %get3A_17 : vector<512x512xf32> to vector<512x512xbf16>
    %dot_general3A_19 = arith.constant dense<0.000000e+00> : vector<256x512xf32>
    %dot_general3A_20 = tpu.matmul %get3A_14, %convert_element_type3A_18, %dot_general3A_19 {dimension_numbers = #tpu.dot_dimension_numbers<[1], [0], [0], [1], [0, 0, 1, 1], [], []>, transpose_lhs_hint = false} : vector<256x512xbf16>, vector<512x512xbf16>, vector<256x512xf32> -> vector<256x512xf32>
    %swap3A_21 = arith.constant 0 : index
    %swap3A_22 = arith.constant 0 : index
    %swap3A_23 = vector.load %arg6[%swap3A_21, %swap3A_22] : memref<256x512xf32, #tpu.memory_space<vmem>>, vector<256x512xf32>
    tpu.vector_store %arg6[%swap3A_21, %swap3A_22], %dot_general3A_20 {strides = array<i32>} : memref<256x512xf32, #tpu.memory_space<vmem>>, vector<256x512xf32>,
    return
  }
}

module attributes {stable_mosaic.version = 14 : i64} {
  func.func @_mlp_body(%arg0: i32, %arg1: memref<8x256xf32, #tpu.memory_space<vmem>>, %arg2: memref<256x512xf32, #tpu.memory_space<vmem>>, %arg3: memref<128x256xbf16, #tpu.memory_space<vmem>>, %arg4: memref<128x1xf32, #tpu.memory_space<vmem>>, %arg5: memref<1x128xbf16, #tpu.memory_space<vmem>>, %arg6: memref<1x1xf32, #tpu.memory_space<vmem>>, %arg7: memref<8x512xf32, #tpu.memory_space<vmem>>, %arg8: memref<1x512xf32, #tpu.memory_space<vmem>>, %arg9: memref<1x512xf32, #tpu.memory_space<vmem>>) attributes {dimension_semantics = [#tpu.dimension_semantics<arbitrary>], iteration_bounds = array<i64: 64>, scalar_prefetch = 0 : i64, scratch_operands = 1 : i64, tpu.core_type = #tpu.core_type<tc>, window_params = [{transform_indices = @transform_0, window_bounds = array<i64: 8, 256>}, {pipeline_mode = #tpu.pipeline_mode<synchronous>, transform_indices = @transform_1, window_bounds = array<i64: 256, 512>}, {pipeline_mode = #tpu.pipeline_mode<synchronous>, transform_indices = @transform_2, window_bounds = array<i64: 128, 256>}, {pipeline_mode = #tpu.pipeline_mode<synchronous>, transform_indices = @transform_3, window_bounds = array<i64: 128, 1>}, {pipeline_mode = #tpu.pipeline_mode<synchronous>, transform_indices = @transform_4, window_bounds = array<i64: 1, 128>}, {pipeline_mode = #tpu.pipeline_mode<synchronous>, transform_indices = @transform_5, window_bounds = array<i64: 1, 1>}, {transform_indices = @transform_6, window_bounds = array<i64: 8, 512>}, {pipeline_mode = #tpu.pipeline_mode<synchronous>, transform_indices = @transform_7, window_bounds = array<i64: 1, 512>}]} {
    %eq3A = arith.constant 0 : i32
    %eq3A_0 = arith.cmpi eq, %arg0, %eq3A : i32
    %convert_element_type3A = arith.extui %eq3A_0 : i1 to i32
    %cond3A = arith.constant 0 : i32
    %cond3A_1 = arith.cmpi ne, %convert_element_type3A, %cond3A : i32
    scf.if %cond3A_1 {
      %broadcast_in_dim3A_218 = arith.constant 0.000000e+00 : f32
      %broadcast_in_dim3A_219 = vector.broadcast %broadcast_in_dim3A_218 : f32 to vector<1x512xf32>
      %swap3A_220 = arith.constant 0 : index
      %swap3A_221 = arith.constant 0 : index
      %swap3A_222 = vector.load %arg9[%swap3A_220, %swap3A_221] : memref<1x512xf32, #tpu.memory_space<vmem>>, vector<1x512xf32>
      tpu.vector_store %arg9[%swap3A_220, %swap3A_221], %broadcast_in_dim3A_219 {strides = array<i32>} : memref<1x512xf32, #tpu.memory_space<vmem>>, vector<1x512xf32>,
    } else {
    }
    %get3A = arith.constant 0 : index
    %get3A_2 = arith.constant 0 : index
    %get3A_3 = vector.load %arg1[%get3A, %get3A_2] : memref<8x256xf32, #tpu.memory_space<vmem>>, vector<8x256xf32>
    %transpose3A = tpu.transpose %get3A_3, [1, 0] : vector<8x256xf32> -> vector<256x8xf32>
    %get3A_4 = arith.constant 0 : index
    %get3A_5 = arith.constant 0 : index
    %get3A_6 = vector.load %arg2[%get3A_4, %get3A_5] : memref<256x512xf32, #tpu.memory_space<vmem>>, vector<256x512xf32>
    %slice3A = vector.extract_strided_slice %transpose3A {offsets = [0, 0], sizes = [256, 1], strides = [1, 1]} : vector<256x8xf32> to vector<256x1xf32>
    %add3A = vector.broadcast %slice3A : vector<256x1xf32> to vector<256x512xf32>
    %add3A_7 = arith.addf %get3A_6, %add3A : vector<256x512xf32>
    %max3A = arith.constant 0.000000e+00 : f32
    %max3A_8 = vector.broadcast %max3A : f32 to vector<256x512xf32>
    %max3A_9 = arith.maximumf %add3A_7, %max3A_8 : vector<256x512xf32>
    %get3A_10 = arith.constant 0 : index
    %get3A_11 = arith.constant 0 : index
    %get3A_12 = vector.load %arg3[%get3A_10, %get3A_11] : memref<128x256xbf16, #tpu.memory_space<vmem>>, vector<128x256xbf16>
    %convert_element_type3A_13 = arith.truncf %max3A_9 : vector<256x512xf32> to vector<256x512xbf16>
    %dot_general3A = arith.constant dense<0.000000e+00> : vector<128x512xf32>
    %dot_general3A_14 = tpu.matmul %get3A_12, %convert_element_type3A_13, %dot_general3A {dimension_numbers = #tpu.dot_dimension_numbers<[1], [0], [0], [1], [0, 0, 1, 1], [], []>, transpose_lhs_hint = false} : vector<128x256xbf16>, vector<256x512xbf16>, vector<128x512xf32> -> vector<128x512xf32>
    %get3A_15 = arith.constant 0 : index
    %get3A_16 = arith.constant 0 : index
    %get3A_17 = vector.load %arg4[%get3A_15, %get3A_16] : memref<128x1xf32, #tpu.memory_space<vmem>>, vector<128x1xf32>
    %add3A_18 = vector.broadcast %get3A_17 : vector<128x1xf32> to vector<128x512xf32>
    %add3A_19 = arith.addf %dot_general3A_14, %add3A_18 : vector<128x512xf32>
    %max3A_20 = arith.constant 0.000000e+00 : f32
    %max3A_21 = vector.broadcast %max3A_20 : f32 to vector<128x512xf32>
    %max3A_22 = arith.maximumf %add3A_19, %max3A_21 : vector<128x512xf32>
    %convert_element_type3A_23 = arith.truncf %max3A_22 : vector<128x512xf32> to vector<128x512xbf16>
    %slice3A_24 = vector.extract_strided_slice %transpose3A {offsets = [0, 1], sizes = [256, 1], strides = [1, 1]} : vector<256x8xf32> to vector<256x1xf32>
    %add3A_25 = vector.broadcast %slice3A_24 : vector<256x1xf32> to vector<256x512xf32>
    %add3A_26 = arith.addf %get3A_6, %add3A_25 : vector<256x512xf32>
    %max3A_27 = arith.constant 0.000000e+00 : f32
    %max3A_28 = vector.broadcast %max3A_27 : f32 to vector<256x512xf32>
    %max3A_29 = arith.maximumf %add3A_26, %max3A_28 : vector<256x512xf32>
    %get3A_30 = arith.constant 0 : index
    %get3A_31 = arith.constant 0 : index
    %get3A_32 = vector.load %arg3[%get3A_30, %get3A_31] : memref<128x256xbf16, #tpu.memory_space<vmem>>, vector<128x256xbf16>
    %convert_element_type3A_33 = arith.truncf %max3A_29 : vector<256x512xf32> to vector<256x512xbf16>
    %dot_general3A_34 = arith.constant dense<0.000000e+00> : vector<128x512xf32>
    %dot_general3A_35 = tpu.matmul %get3A_32, %convert_element_type3A_33, %dot_general3A_34 {dimension_numbers = #tpu.dot_dimension_numbers<[1], [0], [0], [1], [0, 0, 1, 1], [], []>, transpose_lhs_hint = false} : vector<128x256xbf16>, vector<256x512xbf16>, vector<128x512xf32> -> vector<128x512xf32>
    %get3A_36 = arith.constant 0 : index
    %get3A_37 = arith.constant 0 : index
    %get3A_38 = vector.load %arg4[%get3A_36, %get3A_37] : memref<128x1xf32, #tpu.memory_space<vmem>>, vector<128x1xf32>
    %add3A_39 = vector.broadcast %get3A_38 : vector<128x1xf32> to vector<128x512xf32>
    %add3A_40 = arith.addf %dot_general3A_35, %add3A_39 : vector<128x512xf32>
    %max3A_41 = arith.constant 0.000000e+00 : f32
    %max3A_42 = vector.broadcast %max3A_41 : f32 to vector<128x512xf32>
    %max3A_43 = arith.maximumf %add3A_40, %max3A_42 : vector<128x512xf32>
    %convert_element_type3A_44 = arith.truncf %max3A_43 : vector<128x512xf32> to vector<128x512xbf16>
    %slice3A_45 = vector.extract_strided_slice %transpose3A {offsets = [0, 2], sizes = [256, 1], strides = [1, 1]} : vector<256x8xf32> to vector<256x1xf32>
    %add3A_46 = vector.broadcast %slice3A_45 : vector<256x1xf32> to vector<256x512xf32>
    %add3A_47 = arith.addf %get3A_6, %add3A_46 : vector<256x512xf32>
    %max3A_48 = arith.constant 0.000000e+00 : f32
    %max3A_49 = vector.broadcast %max3A_48 : f32 to vector<256x512xf32>
    %max3A_50 = arith.maximumf %add3A_47, %max3A_49 : vector<256x512xf32>
    %get3A_51 = arith.constant 0 : index
    %get3A_52 = arith.constant 0 : index
    %get3A_53 = vector.load %arg3[%get3A_51, %get3A_52] : memref<128x256xbf16, #tpu.memory_space<vmem>>, vector<128x256xbf16>
    %convert_element_type3A_54 = arith.truncf %max3A_50 : vector<256x512xf32> to vector<256x512xbf16>
    %dot_general3A_55 = arith.constant dense<0.000000e+00> : vector<128x512xf32>
    %dot_general3A_56 = tpu.matmul %get3A_53, %convert_element_type3A_54, %dot_general3A_55 {dimension_numbers = #tpu.dot_dimension_numbers<[1], [0], [0], [1], [0, 0, 1, 1], [], []>, transpose_lhs_hint = false} : vector<128x256xbf16>, vector<256x512xbf16>, vector<128x512xf32> -> vector<128x512xf32>
    %get3A_57 = arith.constant 0 : index
    %get3A_58 = arith.constant 0 : index
    %get3A_59 = vector.load %arg4[%get3A_57, %get3A_58] : memref<128x1xf32, #tpu.memory_space<vmem>>, vector<128x1xf32>
    %add3A_60 = vector.broadcast %get3A_59 : vector<128x1xf32> to vector<128x512xf32>
    %add3A_61 = arith.addf %dot_general3A_56, %add3A_60 : vector<128x512xf32>
    %max3A_62 = arith.constant 0.000000e+00 : f32
    %max3A_63 = vector.broadcast %max3A_62 : f32 to vector<128x512xf32>
    %max3A_64 = arith.maximumf %add3A_61, %max3A_63 : vector<128x512xf32>
    %convert_element_type3A_65 = arith.truncf %max3A_64 : vector<128x512xf32> to vector<128x512xbf16>
    %slice3A_66 = vector.extract_strided_slice %transpose3A {offsets = [0, 3], sizes = [256, 1], strides = [1, 1]} : vector<256x8xf32> to vector<256x1xf32>
    %add3A_67 = vector.broadcast %slice3A_66 : vector<256x1xf32> to vector<256x512xf32>
    %add3A_68 = arith.addf %get3A_6, %add3A_67 : vector<256x512xf32>
    %max3A_69 = arith.constant 0.000000e+00 : f32
    %max3A_70 = vector.broadcast %max3A_69 : f32 to vector<256x512xf32>
    %max3A_71 = arith.maximumf %add3A_68, %max3A_70 : vector<256x512xf32>
    %get3A_72 = arith.constant 0 : index
    %get3A_73 = arith.constant 0 : index
    %get3A_74 = vector.load %arg3[%get3A_72, %get3A_73] : memref<128x256xbf16, #tpu.memory_space<vmem>>, vector<128x256xbf16>
    %convert_element_type3A_75 = arith.truncf %max3A_71 : vector<256x512xf32> to vector<256x512xbf16>
    %dot_general3A_76 = arith.constant dense<0.000000e+00> : vector<128x512xf32>
    %dot_general3A_77 = tpu.matmul %get3A_74, %convert_element_type3A_75, %dot_general3A_76 {dimension_numbers = #tpu.dot_dimension_numbers<[1], [0], [0], [1], [0, 0, 1, 1], [], []>, transpose_lhs_hint = false} : vector<128x256xbf16>, vector<256x512xbf16>, vector<128x512xf32> -> vector<128x512xf32>
    %get3A_78 = arith.constant 0 : index
    %get3A_79 = arith.constant 0 : index
    %get3A_80 = vector.load %arg4[%get3A_78, %get3A_79] : memref<128x1xf32, #tpu.memory_space<vmem>>, vector<128x1xf32>
    %add3A_81 = vector.broadcast %get3A_80 : vector<128x1xf32> to vector<128x512xf32>
    %add3A_82 = arith.addf %dot_general3A_77, %add3A_81 : vector<128x512xf32>
    %max3A_83 = arith.constant 0.000000e+00 : f32
    %max3A_84 = vector.broadcast %max3A_83 : f32 to vector<128x512xf32>
    %max3A_85 = arith.maximumf %add3A_82, %max3A_84 : vector<128x512xf32>
    %convert_element_type3A_86 = arith.truncf %max3A_85 : vector<128x512xf32> to vector<128x512xbf16>
    %slice3A_87 = vector.extract_strided_slice %transpose3A {offsets = [0, 4], sizes = [256, 1], strides = [1, 1]} : vector<256x8xf32> to vector<256x1xf32>
    %add3A_88 = vector.broadcast %slice3A_87 : vector<256x1xf32> to vector<256x512xf32>
    %add3A_89 = arith.addf %get3A_6, %add3A_88 : vector<256x512xf32>
    %max3A_90 = arith.constant 0.000000e+00 : f32
    %max3A_91 = vector.broadcast %max3A_90 : f32 to vector<256x512xf32>
    %max3A_92 = arith.maximumf %add3A_89, %max3A_91 : vector<256x512xf32>
    %get3A_93 = arith.constant 0 : index
    %get3A_94 = arith.constant 0 : index
    %get3A_95 = vector.load %arg3[%get3A_93, %get3A_94] : memref<128x256xbf16, #tpu.memory_space<vmem>>, vector<128x256xbf16>
    %convert_element_type3A_96 = arith.truncf %max3A_92 : vector<256x512xf32> to vector<256x512xbf16>
    %dot_general3A_97 = arith.constant dense<0.000000e+00> : vector<128x512xf32>
    %dot_general3A_98 = tpu.matmul %get3A_95, %convert_element_type3A_96, %dot_general3A_97 {dimension_numbers = #tpu.dot_dimension_numbers<[1], [0], [0], [1], [0, 0, 1, 1], [], []>, transpose_lhs_hint = false} : vector<128x256xbf16>, vector<256x512xbf16>, vector<128x512xf32> -> vector<128x512xf32>
    %get3A_99 = arith.constant 0 : index
    %get3A_100 = arith.constant 0 : index
    %get3A_101 = vector.load %arg4[%get3A_99, %get3A_100] : memref<128x1xf32, #tpu.memory_space<vmem>>, vector<128x1xf32>
    %add3A_102 = vector.broadcast %get3A_101 : vector<128x1xf32> to vector<128x512xf32>
    %add3A_103 = arith.addf %dot_general3A_98, %add3A_102 : vector<128x512xf32>
    %max3A_104 = arith.constant 0.000000e+00 : f32
    %max3A_105 = vector.broadcast %max3A_104 : f32 to vector<128x512xf32>
    %max3A_106 = arith.maximumf %add3A_103, %max3A_105 : vector<128x512xf32>
    %convert_element_type3A_107 = arith.truncf %max3A_106 : vector<128x512xf32> to vector<128x512xbf16>
    %slice3A_108 = vector.extract_strided_slice %transpose3A {offsets = [0, 5], sizes = [256, 1], strides = [1, 1]} : vector<256x8xf32> to vector<256x1xf32>
    %add3A_109 = vector.broadcast %slice3A_108 : vector<256x1xf32> to vector<256x512xf32>
    %add3A_110 = arith.addf %get3A_6, %add3A_109 : vector<256x512xf32>
    %max3A_111 = arith.constant 0.000000e+00 : f32
    %max3A_112 = vector.broadcast %max3A_111 : f32 to vector<256x512xf32>
    %max3A_113 = arith.maximumf %add3A_110, %max3A_112 : vector<256x512xf32>
    %get3A_114 = arith.constant 0 : index
    %get3A_115 = arith.constant 0 : index
    %get3A_116 = vector.load %arg3[%get3A_114, %get3A_115] : memref<128x256xbf16, #tpu.memory_space<vmem>>, vector<128x256xbf16>
    %convert_element_type3A_117 = arith.truncf %max3A_113 : vector<256x512xf32> to vector<256x512xbf16>
    %dot_general3A_118 = arith.constant dense<0.000000e+00> : vector<128x512xf32>
    %dot_general3A_119 = tpu.matmul %get3A_116, %convert_element_type3A_117, %dot_general3A_118 {dimension_numbers = #tpu.dot_dimension_numbers<[1], [0], [0], [1], [0, 0, 1, 1], [], []>, transpose_lhs_hint = false} : vector<128x256xbf16>, vector<256x512xbf16>, vector<128x512xf32> -> vector<128x512xf32>
    %get3A_120 = arith.constant 0 : index
    %get3A_121 = arith.constant 0 : index
    %get3A_122 = vector.load %arg4[%get3A_120, %get3A_121] : memref<128x1xf32, #tpu.memory_space<vmem>>, vector<128x1xf32>
    %add3A_123 = vector.broadcast %get3A_122 : vector<128x1xf32> to vector<128x512xf32>
    %add3A_124 = arith.addf %dot_general3A_119, %add3A_123 : vector<128x512xf32>
    %max3A_125 = arith.constant 0.000000e+00 : f32
    %max3A_126 = vector.broadcast %max3A_125 : f32 to vector<128x512xf32>
    %max3A_127 = arith.maximumf %add3A_124, %max3A_126 : vector<128x512xf32>
    %convert_element_type3A_128 = arith.truncf %max3A_127 : vector<128x512xf32> to vector<128x512xbf16>
    %slice3A_129 = vector.extract_strided_slice %transpose3A {offsets = [0, 6], sizes = [256, 1], strides = [1, 1]} : vector<256x8xf32> to vector<256x1xf32>
    %add3A_130 = vector.broadcast %slice3A_129 : vector<256x1xf32> to vector<256x512xf32>
    %add3A_131 = arith.addf %get3A_6, %add3A_130 : vector<256x512xf32>
    %max3A_132 = arith.constant 0.000000e+00 : f32
    %max3A_133 = vector.broadcast %max3A_132 : f32 to vector<256x512xf32>
    %max3A_134 = arith.maximumf %add3A_131, %max3A_133 : vector<256x512xf32>
    %get3A_135 = arith.constant 0 : index
    %get3A_136 = arith.constant 0 : index
    %get3A_137 = vector.load %arg3[%get3A_135, %get3A_136] : memref<128x256xbf16, #tpu.memory_space<vmem>>, vector<128x256xbf16>
    %convert_element_type3A_138 = arith.truncf %max3A_134 : vector<256x512xf32> to vector<256x512xbf16>
    %dot_general3A_139 = arith.constant dense<0.000000e+00> : vector<128x512xf32>
    %dot_general3A_140 = tpu.matmul %get3A_137, %convert_element_type3A_138, %dot_general3A_139 {dimension_numbers = #tpu.dot_dimension_numbers<[1], [0], [0], [1], [0, 0, 1, 1], [], []>, transpose_lhs_hint = false} : vector<128x256xbf16>, vector<256x512xbf16>, vector<128x512xf32> -> vector<128x512xf32>
    %get3A_141 = arith.constant 0 : index
    %get3A_142 = arith.constant 0 : index
    %get3A_143 = vector.load %arg4[%get3A_141, %get3A_142] : memref<128x1xf32, #tpu.memory_space<vmem>>, vector<128x1xf32>
    %add3A_144 = vector.broadcast %get3A_143 : vector<128x1xf32> to vector<128x512xf32>
    %add3A_145 = arith.addf %dot_general3A_140, %add3A_144 : vector<128x512xf32>
    %max3A_146 = arith.constant 0.000000e+00 : f32
    %max3A_147 = vector.broadcast %max3A_146 : f32 to vector<128x512xf32>
    %max3A_148 = arith.maximumf %add3A_145, %max3A_147 : vector<128x512xf32>
    %convert_element_type3A_149 = arith.truncf %max3A_148 : vector<128x512xf32> to vector<128x512xbf16>
    %slice3A_150 = vector.extract_strided_slice %transpose3A {offsets = [0, 7], sizes = [256, 1], strides = [1, 1]} : vector<256x8xf32> to vector<256x1xf32>
    %add3A_151 = vector.broadcast %slice3A_150 : vector<256x1xf32> to vector<256x512xf32>
    %add3A_152 = arith.addf %get3A_6, %add3A_151 : vector<256x512xf32>
    %max3A_153 = arith.constant 0.000000e+00 : f32
    %max3A_154 = vector.broadcast %max3A_153 : f32 to vector<256x512xf32>
    %max3A_155 = arith.maximumf %add3A_152, %max3A_154 : vector<256x512xf32>
    %get3A_156 = arith.constant 0 : index
    %get3A_157 = arith.constant 0 : index
    %get3A_158 = vector.load %arg3[%get3A_156, %get3A_157] : memref<128x256xbf16, #tpu.memory_space<vmem>>, vector<128x256xbf16>
    %convert_element_type3A_159 = arith.truncf %max3A_155 : vector<256x512xf32> to vector<256x512xbf16>
    %dot_general3A_160 = arith.constant dense<0.000000e+00> : vector<128x512xf32>
    %dot_general3A_161 = tpu.matmul %get3A_158, %convert_element_type3A_159, %dot_general3A_160 {dimension_numbers = #tpu.dot_dimension_numbers<[1], [0], [0], [1], [0, 0, 1, 1], [], []>, transpose_lhs_hint = false} : vector<128x256xbf16>, vector<256x512xbf16>, vector<128x512xf32> -> vector<128x512xf32>
    %get3A_162 = arith.constant 0 : index
    %get3A_163 = arith.constant 0 : index
    %get3A_164 = vector.load %arg4[%get3A_162, %get3A_163] : memref<128x1xf32, #tpu.memory_space<vmem>>, vector<128x1xf32>
    %add3A_165 = vector.broadcast %get3A_164 : vector<128x1xf32> to vector<128x512xf32>
    %add3A_166 = arith.addf %dot_general3A_161, %add3A_165 : vector<128x512xf32>
    %max3A_167 = arith.constant 0.000000e+00 : f32
    %max3A_168 = vector.broadcast %max3A_167 : f32 to vector<128x512xf32>
    %max3A_169 = arith.maximumf %add3A_166, %max3A_168 : vector<128x512xf32>
    %convert_element_type3A_170 = arith.truncf %max3A_169 : vector<128x512xf32> to vector<128x512xbf16>
    %concatenate3A = tpu.concatenate %convert_element_type3A_23, %convert_element_type3A_44, %convert_element_type3A_65, %convert_element_type3A_86, %convert_element_type3A_107, %convert_element_type3A_128, %convert_element_type3A_149, %convert_element_type3A_170 in 1 : vector<128x512xbf16>, vector<128x512xbf16>, vector<128x512xbf16>, vector<128x512xbf16>, vector<128x512xbf16>, vector<128x512xbf16>, vector<128x512xbf16>, vector<128x512xbf16> -> vector<128x4096xbf16>
    %get3A_171 = arith.constant 0 : index
    %get3A_172 = arith.constant 0 : index
    %get3A_173 = vector.load %arg5[%get3A_171, %get3A_172] : memref<1x128xbf16, #tpu.memory_space<vmem>>, vector<1x128xbf16>
    %dot_general3A_174 = arith.constant dense<0.000000e+00> : vector<1x4096xf32>
    %dot_general3A_175 = tpu.matmul %get3A_173, %concatenate3A, %dot_general3A_174 {dimension_numbers = #tpu.dot_dimension_numbers<[1], [0], [0], [1], [0, 0, 1, 1], [], []>, transpose_lhs_hint = false} : vector<1x128xbf16>, vector<128x4096xbf16>, vector<1x4096xf32> -> vector<1x4096xf32>
    %get3A_176 = arith.constant 0 : index
    %get3A_177 = arith.constant 0 : index
    %get3A_178 = vector.load %arg6[%get3A_176, %get3A_177] : memref<1x1xf32, #tpu.memory_space<vmem>>, vector<1x1xf32>
    %add3A_179 = vector.broadcast %get3A_178 : vector<1x1xf32> to vector<1x4096xf32>
    %add3A_180 = arith.addf %dot_general3A_175, %add3A_179 : vector<1x4096xf32>
    %max3A_181 = arith.constant 0.000000e+00 : f32
    %max3A_182 = vector.broadcast %max3A_181 : f32 to vector<1x4096xf32>
    %max3A_183 = arith.maximumf %add3A_180, %max3A_182 : vector<1x4096xf32>
    %slice3A_184 = vector.extract_strided_slice %max3A_183 {offsets = [0, 0], sizes = [1, 512], strides = [1, 1]} : vector<1x4096xf32> to vector<1x512xf32>
    %slice3A_185 = vector.extract_strided_slice %max3A_183 {offsets = [0, 512], sizes = [1, 512], strides = [1, 1]} : vector<1x4096xf32> to vector<1x512xf32>
    %slice3A_186 = vector.extract_strided_slice %max3A_183 {offsets = [0, 1024], sizes = [1, 512], strides = [1, 1]} : vector<1x4096xf32> to vector<1x512xf32>
    %slice3A_187 = vector.extract_strided_slice %max3A_183 {offsets = [0, 1536], sizes = [1, 512], strides = [1, 1]} : vector<1x4096xf32> to vector<1x512xf32>
    %slice3A_188 = vector.extract_strided_slice %max3A_183 {offsets = [0, 2048], sizes = [1, 512], strides = [1, 1]} : vector<1x4096xf32> to vector<1x512xf32>
    %slice3A_189 = vector.extract_strided_slice %max3A_183 {offsets = [0, 2560], sizes = [1, 512], strides = [1, 1]} : vector<1x4096xf32> to vector<1x512xf32>
    %slice3A_190 = vector.extract_strided_slice %max3A_183 {offsets = [0, 3072], sizes = [1, 512], strides = [1, 1]} : vector<1x4096xf32> to vector<1x512xf32>
    %slice3A_191 = vector.extract_strided_slice %max3A_183 {offsets = [0, 3584], sizes = [1, 512], strides = [1, 1]} : vector<1x4096xf32> to vector<1x512xf32>
    %concatenate3A_192 = tpu.concatenate %slice3A_184, %slice3A_185, %slice3A_186, %slice3A_187, %slice3A_188, %slice3A_189, %slice3A_190, %slice3A_191 in 0 : vector<1x512xf32>, vector<1x512xf32>, vector<1x512xf32>, vector<1x512xf32>, vector<1x512xf32>, vector<1x512xf32>, vector<1x512xf32>, vector<1x512xf32> -> vector<8x512xf32>
    %mul3A = arith.constant 8 : i32
    %mul3A_193 = arith.muli %arg0, %mul3A : i32
    %iota3A = tpu.iota {dimensions = array<i32: 0>} : vector<8x512xi32>
    %add3A_194 = vector.broadcast %mul3A_193 : i32 to vector<8x512xi32>
    %add3A_195 = arith.addi %add3A_194, %iota3A : vector<8x512xi32>
    %iota3A_196 = tpu.iota {dimensions = array<i32: 1>} : vector<8x512xi32>
    %ne3A = arith.cmpi ne, %iota3A_196, %add3A_195 : vector<8x512xi32>
    %ge3A = arith.constant 1 : i32
    %ge3A_197 = vector.broadcast %ge3A : i32 to vector<8x512xi32>
    %ge3A_198 = arith.cmpi sge, %iota3A_196, %ge3A_197 : vector<8x512xi32>
    %and3A = arith.andi %ne3A, %ge3A_198 : vector<8x512xi1>
    %jit3A = arith.constant 0.000000e+00 : f32
    %broadcast_in_dim3A = vector.broadcast %jit3A : f32 to vector<8x512xf32>
    %select_n3A = arith.select %and3A, %concatenate3A_192, %broadcast_in_dim3A : vector<8x512xi1>, vector<8x512xf32>
    %swap3A = arith.constant 0 : index
    %swap3A_199 = arith.constant 0 : index
    %swap3A_200 = vector.load %arg7[%swap3A, %swap3A_199] : memref<8x512xf32, #tpu.memory_space<vmem>>, vector<8x512xf32>
    tpu.vector_store %arg7[%swap3A, %swap3A_199], %select_n3A {strides = array<i32>} : memref<8x512xf32, #tpu.memory_space<vmem>>, vector<8x512xf32>,
    %get3A_201 = arith.constant 0 : index
    %get3A_202 = arith.constant 0 : index
    %get3A_203 = vector.load %arg9[%get3A_201, %get3A_202] : memref<1x512xf32, #tpu.memory_space<vmem>>, vector<1x512xf32>
    %exp3A = math.exp %select_n3A : vector<8x512xf32>
    %jit3A_204 = arith.constant 0.000000e+00 : f32
    %broadcast_in_dim3A_205 = vector.broadcast %jit3A_204 : f32 to vector<8x512xf32>
    %select_n3A_206 = arith.select %ne3A, %exp3A, %broadcast_in_dim3A_205 : vector<8x512xi1>, vector<8x512xf32>
    %reduce_sum3A = arith.constant dense<0.000000e+00> : vector<512xf32>
    %reduce_sum3A_207 = vector.multi_reduction <add>, %select_n3A_206, %reduce_sum3A [0] : vector<8x512xf32> to vector<512xf32>
    %broadcast_in_dim3A_208 = vector.shape_cast %reduce_sum3A_207 : vector<512xf32> to vector<1x512xf32>
    %add3A_209 = arith.addf %get3A_203, %broadcast_in_dim3A_208 : vector<1x512xf32>
    %swap3A_210 = arith.constant 0 : index
    %swap3A_211 = arith.constant 0 : index
    %swap3A_212 = vector.load %arg9[%swap3A_210, %swap3A_211] : memref<1x512xf32, #tpu.memory_space<vmem>>, vector<1x512xf32>
    tpu.vector_store %arg9[%swap3A_210, %swap3A_211], %add3A_209 {strides = array<i32>} : memref<1x512xf32, #tpu.memory_space<vmem>>, vector<1x512xf32>,
    %eq3A_213 = arith.constant 63 : i32
    %eq3A_214 = arith.cmpi eq, %arg0, %eq3A_213 : i32
    %convert_element_type3A_215 = arith.extui %eq3A_214 : i1 to i32
    %cond3A_216 = arith.constant 0 : i32
    %cond3A_217 = arith.cmpi ne, %convert_element_type3A_215, %cond3A_216 : i32
    scf.if %cond3A_217 {
      %get3A_218 = arith.constant 0 : index
      %get3A_219 = arith.constant 0 : index
      %get3A_220 = vector.load %arg9[%get3A_218, %get3A_219] : memref<1x512xf32, #tpu.memory_space<vmem>>, vector<1x512xf32>
      %log3A = math.log %get3A_220 : vector<1x512xf32>
      %swap3A_221 = arith.constant 0 : index
      %swap3A_222 = arith.constant 0 : index
      %swap3A_223 = vector.load %arg8[%swap3A_221, %swap3A_222] : memref<1x512xf32, #tpu.memory_space<vmem>>, vector<1x512xf32>
      tpu.vector_store %arg8[%swap3A_221, %swap3A_222], %log3A {strides = array<i32>} : memref<1x512xf32, #tpu.memory_space<vmem>>, vector<1x512xf32>,
    } else {
    }
    return
  }
  func.func @transform_0(%arg0: i32) -> (i32, i32) {
    %c0_i32 = arith.constant 0 : i32
    %c0_i32_0 = arith.constant 0 : i32
    return %arg0, %c0_i32 : i32, i32
  }
  func.func @transform_1(%arg0: i32) -> (i32, i32) {
    %c0_i32 = arith.constant 0 : i32
    %c0_i32_0 = arith.constant 0 : i32
    %c0_i32_1 = arith.constant 0 : i32
    return %c0_i32, %c0_i32_0 : i32, i32
  }
  func.func @transform_2(%arg0: i32) -> (i32, i32) {
    %c0_i32 = arith.constant 0 : i32
    %c0_i32_0 = arith.constant 0 : i32
    %c0_i32_1 = arith.constant 0 : i32
    return %c0_i32, %c0_i32_0 : i32, i32
  }
  func.func @transform_3(%arg0: i32) -> (i32, i32) {
    %c0_i32 = arith.constant 0 : i32
    %c0_i32_0 = arith.constant 0 : i32
    %c0_i32_1 = arith.constant 0 : i32
    return %c0_i32, %c0_i32_0 : i32, i32
  }
  func.func @transform_4(%arg0: i32) -> (i32, i32) {
    %c0_i32 = arith.constant 0 : i32
    %c0_i32_0 = arith.constant 0 : i32
    %c0_i32_1 = arith.constant 0 : i32
    return %c0_i32, %c0_i32_0 : i32, i32
  }
  func.func @transform_5(%arg0: i32) -> (i32, i32) {
    %c0_i32 = arith.constant 0 : i32
    %c0_i32_0 = arith.constant 0 : i32
    %c0_i32_1 = arith.constant 0 : i32
    return %c0_i32, %c0_i32_0 : i32, i32
  }
  func.func @transform_6(%arg0: i32) -> (i32, i32) {
    %c0_i32 = arith.constant 0 : i32
    %c0_i32_0 = arith.constant 0 : i32
    return %arg0, %c0_i32 : i32, i32
  }
  func.func @transform_7(%arg0: i32) -> (i32, i32) {
    %c0_i32 = arith.constant 0 : i32
    %c0_i32_0 = arith.constant 0 : i32
    %c0_i32_1 = arith.constant 0 : i32
    return %c0_i32, %c0_i32_0 : i32, i32
  }
}

</mosaic_0001>

<sc_bundles>
// kernel: kernel.7.cloned.1.call-start
scs
__scs_entry_jumppad:
0x0: {  	(pc) =	sbr.rel $0x88, $3  }
0x1: {  	(tag) =	ssettag $0x0;
	lr =	simm.s32 $0x1  }
0x2: {  	[smem:$0x3F89] =	sst lr;
	_ =	strace $0xD0000000  }
0x3: {  	_ = 	snop  }
0x4: {  	_ = 	snop  }
0x5: {  	_ = 	snop  }
0x6: {  	_ = 	snop  }
0x7: {  	_ = 	snop  }
__scs_overlays_trampoline_lowered:
0x8: {  	[smem:$0x3F98] =	sst s0  }
0x9: {  	[smem:$0x3F99] =	sst s1  }
0xa: {  	[smem:$0x3F9A] =	sst s2  }
0xb: {  	[smem:$0x3F9B] =	sst s3  }
0xc: {  	[smem:$0x3F9C] =	sst s4  }
0xd: {  	[smem:$0x3F9D] =	sst s5  }
0xe: {  	[smem:$0x3F9E] =	sst s6  }
0xf: {  	[smem:$0x3F9F] =	sst s7  }
0x10: {  	[smem:$0x3FA0] =	sst s8  }
0x11: {  	[smem:$0x3FA1] =	sst s9;
	s0 =	simm.s32 @!p0 $0x0  }
0x12: {  	s1 =	sld [smem:$0x3F87];
	s0 =	simm.s32 @p0 $0x1  }
0x13: {  	[smem:$0x3FA2] =	sst s0;
	s0 =	simm.s32 @!p1 $0x0  }
0x14: {  	s2 =	sld [smem:$0x3F86];
	s0 =	simm.s32 @p1 $0x1  }
0x15: {  	[smem:$0x3FA3] =	sst s0;
	s0 =	simm.s32 @!p2 $0x0  }
0x16: {  	s3 =	sld [smem:$0x3FDB];
	s0 =	simm.s32 @p2 $0x1  }
0x17: {  	s4 =	simm.s32 $0x1BF5;
	[smem:$0x3FA5] =	sst s0  }
0x18: {  	s0 =	sld [smem:$0x3F88];
	_ =	swait.ge [sflag:s4], $0x0  }
0x19: {  	s7 =	sld [smem:$0x3F89]  }
0x1a: {  	s8 =	sadd.s32 $0xFFFFE003, lr  }
0x1b: {  	s9 =	sadd.s32 $0xFFFFFEF7, lr;
	s5 =	simm.s32 $0xFFFFFFFF;
	p2 =	slt.u32 s8, $0xFFFFF086  }
0x1c: {  	p1 =	slt.u32 s9, $0xF7A;
	s5 =	simm.s32 @!p2 $0x0  }
0x1d: {  	s5 =	simm.s32 @p1 $0x1;
	p0 =	seq.s32 s7, s2  }
0x1e: {  	s7 =	smul.u32 @!p0 $0xF7A, s2;
	p2 =	seq.s32 @!p0 s5, $0x0  }
0x1f: {  	s9 =	smul.u32 $0xF7A, s1;
	s8 =	simm.s32 @!p0 $0x1BF5;
	p2 =	por !p2, p0  }
0x20: {  	[sflag:s8] =	ssyncset.s32 @!p0 $0xFFFFF086;
	s6 =	sadd.s32 @!p0 s3, s7;
	s7 =	simm.s32 @!p0 $0x108  }
0x21: {  	s3 =	sadd.s32 s3, s9;
	s6 =	sadd.s32 @!p0 $0x88, s6;
	s7 =	simm.s32 @p2 $0x1082  }
0x22: {  	[simem:s7], [sflag:s8] =	dma.local @!p0 [hbm:s6], $0xF7A  }
0x23: {  	s9 =	sor.u32 $0xD0000000, s2;
	s6 =	simm.s32 $0x108;
	_ =	swait.ge @!p0 [sflag:s8], $0x0  }
0x24: {  	s3 =	sadd.s32 $0x88, s3;
	s6 =	simm.s32 @!p1 $0x1082;
	[sflag:s4] =	ssyncset.s32 $0xFFFFF086  }
0x25: {  	[simem:s6], [sflag:s4] =	dma.local [hbm:s3], $0xF7A  }
0x26: {  	[smem:$0x3F89] =	sst s1;
	(tag) =	ssettag s2;
	_ =	strace s9  }
0x27: {  	s1 =	sld [smem:$0x3F99]  }
0x28: {  	s2 =	sld [smem:$0x3F9A]  }
0x29: {  	s4 =	sld [smem:$0x3F9C]  }
0x2a: {  	p0 =	seq.s32 s5, $0x0;
	s5 =	sld [smem:$0x3F9D]  }
0x2b: {  	s6 =	sld [smem:$0x3F9E]  }
0x2c: {  	s7 =	sld [smem:$0x3F9F]  }
0x2d: {  	s3 =	simm.s32 $0x108;
	s8 =	sld [smem:$0x3FA0]  }
0x2e: {  	s3 =	simm.s32 @!p0 $0x1082;
	s9 =	sld [smem:$0x3FA1]  }
0x2f: {  	lr =	sadd.s32 s0, s3;
	s0 =	sld [smem:$0x3F98]  }
0x30: {  	s3 =	sld [smem:$0x3F9B]  }
0x31: {  	[smem:$0x3FA4] =	sst s10  }
0x32: {  	s10 =	sld [smem:$0x3FA2];
	_ =	sdelay $0x3  }
0x33: {  	p0 =	seq.s32 s10, $0x1;
	s10 =	sld [smem:$0x3FA4];
	_ =	sdelay $0x3  }
0x34: {  	[smem:$0x3FA4] =	sst s10  }
0x35: {  	s10 =	sld [smem:$0x3FA3];
	_ =	sdelay $0x3  }
0x36: {  	p1 =	seq.s32 s10, $0x1;
	s10 =	sld [smem:$0x3FA4];
	_ =	sdelay $0x3  }
0x37: {  	[smem:$0x3FA4] =	sst s10  }
0x38: {  	s10 =	sld [smem:$0x3FA5]  }
0x39: {  	_ = 	snop;
	(pc) =	sbr.ind lr, $3  }
0x3a: {  	_ = 	snop  }
0x3b: {  	_ = 	snop  }
0x3c: {  	p2 =	seq.s32 s10, $0x1;
	s10 =	sld [smem:$0x3FA4]  }
0x3d: {  	_ =	shalt  }
0x3e: {  	_ =	shalt  }
0x3f: {  	_ =	shalt  }
0x40: {  	_ =	shalt  }
0x41: {  	_ =	shalt  }
0x42: {  	_ =	shalt  }
0x43: {  	_ =	shalt  }
0x44: {  	_ =	shalt  }
0x45: {  	_ =	shalt  }
0x46: {  	_ =	shalt  }
0x47: {  	_ =	shalt  }
0x48: {  	_ =	shalt  }
0x49: {  	_ =	shalt  }
0x4a: {  	_ =	shalt  }
0x4b: {  	_ =	shalt  }
0x4c: {  	_ =	shalt  }
0x4d: {  	_ =	shalt  }
0x4e: {  	_ =	shalt  }
0x4f: {  	_ =	shalt  }
0x50: {  	_ =	shalt  }
0x51: {  	_ =	shalt  }
0x52: {  	_ =	shalt  }
0x53: {  	_ =	shalt  }
0x54: {  	_ =	shalt  }
0x55: {  	_ =	shalt  }
0x56: {  	_ =	shalt  }
0x57: {  	_ =	shalt  }
0x58: {  	_ =	shalt  }
0x59: {  	_ =	shalt  }
0x5a: {  	_ =	shalt  }
0x5b: {  	_ =	shalt  }
0x5c: {  	_ =	shalt  }
0x5d: {  	_ =	shalt  }
0x5e: {  	_ =	shalt  }
0x5f: {  	_ =	shalt  }
0x60: {  	_ =	shalt  }
0x61: {  	_ =	shalt  }
0x62: {  	_ =	shalt  }
0x63: {  	_ =	shalt  }
0x64: {  	_ =	shalt  }
0x65: {  	_ =	shalt  }
0x66: {  	_ =	shalt  }
0x67: {  	_ =	shalt  }
0x68: {  	_ =	shalt  }
0x69: {  	_ =	shalt  }
0x6a: {  	_ =	shalt  }
0x6b: {  	_ =	shalt  }
0x6c: {  	_ =	shalt  }
0x6d: {  	_ =	shalt  }
0x6e: {  	_ =	shalt  }
0x6f: {  	_ =	shalt  }
0x70: {  	_ =	shalt  }
0x71: {  	_ =	shalt  }
0x72: {  	_ =	shalt  }
0x73: {  	_ =	shalt  }
0x74: {  	_ =	shalt  }
0x75: {  	_ =	shalt  }
0x76: {  	_ =	shalt  }
0x77: {  	_ =	shalt  }
0x78: {  	_ =	shalt  }
0x79: {  	_ =	shalt  }
0x7a: {  	_ =	shalt  }
0x7b: {  	_ =	shalt  }
0x7c: {  	_ =	shalt  }
0x7d: {  	_ =	shalt  }
0x7e: {  	_ =	shalt  }
0x7f: {  	_ =	shalt  }
0x80: {  	_ =	shalt  }
0x81: {  	_ =	shalt  }
0x82: {  	_ =	shalt  }
0x83: {  	_ =	shalt  }
0x84: {  	_ =	shalt  }
0x85: {  	_ =	shalt  }
0x86: {  	_ =	shalt  }
0x87: {  	_ =	shalt  }
.Lfunc_end0:
.L_simem_size_0:
called_computation_lowered:
.L_overlay_start_0:
0x88: {  	s2 =	sld [smem:$0x3FD9]  }
0x89: {  	s3 =	sld [smem:$0x3FFE];
	_ =	sdelay $0x1  }
0x8a: {  	s1 =	srdreg.scid  }
0x8b: {  	s0 =	sand.u32 $0x1, s1  }
0x8c: {  	s16 =	sshll.u32 s0, $0xA;
	s2 =	sadd.s32 s3, s2  }
0x8d: {  	s2 =	sadd.s32 s2, s16  }
0x8e: {  	[smem:$0x3FB0] =	sst s2  }
0x8f: {  	_ = 	snop  }
0x90: {  	(tm) =	ssettm $0x1  }
0x91: {  	s17 =	sld [smem:$0x3FFB];
	_ =	sdelay $0x3  }
0x92: {  	_ =	strace s17  }
0x93: {  	s2 =	sld [smem:$0x3FFC];
	_ =	sdelay $0x3  }
0x94: {  	_ =	strace s2  }
0x95: {  	s2 =	sld [smem:$0x3FFD];
	_ =	sdelay $0x3  }
0x96: {  	_ =	strace s2  }
0x97: {  	_ =	strace $0x8FFFFFFF  }
0x98: {  	s18 =	sld [smem:$0x3FDB];
	_ =	sdelay $0x1  }
0x99: {  	s19 =	simm.s32 $_scs_section_size  }
0x9a: {  	s4 =	simm.s32 $_size__tile_overlayer_lowered;
	s5 =	simm.s32 $_tile_overlayer_lowered  }
0x9b: {  	s22 =	simm.s32 $0x1BFF;
	s21 =	sshll.u32 s5, $0x1;
	s2 =	sadd.s32 s19, s18  }
0x9c: {  	s6 =	simm.s32 $0x0;
	s20 =	sshll.u32 s4, $0x1;
	s4 =	sadd.s32 s21, s2  }
0x9d: {  	[timem:s6], [sflag:s22] =	dma.local [hbm:s4], s20  }
0x9e: {  	_ =	swait.ge [sflag:s22], s20  }
0x9f: {  	s3 =	ssub.s32 $0x0, s20;
	[sflag:s22] =	ssyncset.done $0x0  }
0xa0: {  	[sflag:s22] =	ssyncadd.s32 s3;
	_ =	sdelay $0x1  }
0xa1: {  	s23 =	simm.s32 $0x1B8B  }
0xa2: {  	_ =	swait.ge [sflag:s23], $0x1  }
0xa3: {  	[sflag:s23] =	ssyncset.done $0x0  }
0xa4: {  	s25 =	simm.s32 $0x1B8E;
	s24 =	sld [smem:$0x3FFE];
	[sflag:s23] =	ssyncadd.s32 $0xFFFFFFFF  }
0xa5: {  	s26 =	simm.s32 $execute0_lowered;
	[smem:$0x3FD2] =	sst s25  }
0xa6: {  	s4 =	sshll.u32 s26, $0x1;
	_ =	strace $0x80000046;
	[dreg:$0x1] =	wrdreg $0xFFFFFFFF  }
0xa7: {  	s28 =	simm.s32 $_size_execute0_lowered;
	s2 =	sadd.s32 s2, s4;
	[dreg:$0x0] =	wrdreg $0x0  }
0xa8: {  	s4 =	sshll.u32 s28, $0x1;
	[dreg:$0x2] =	wrdreg s2  }
0xa9: {  	[dreg:$0x3] =	wrdreg s4  }
0xaa: {  	[dreg:$0x4] =	wrdreg $0xC0  }
0xab: {  	_ =	task [dreg:s6], $0x5FFFF  }
0xac: {  	[dreg:$0x1] =	wrdreg $0xFFFFFFFF  }
0xad: {  	[dreg:$0x0] =	wrdreg $0x60  }
0xae: {  	[dreg:$0x2] =	wrdreg s24  }
0xaf: {  	[dreg:$0x3] =	wrdreg $0x9  }
0xb0: {  	_ =	task.clear_ibuf [dreg:s6], $0x4FFFF;
	_ =	strace $0x90000046  }
0xb1: {  	s29 =	simm.s32 $0x9;
	_ =	strace $0x80000048  }
0xb2: {  	_ =	swait.ge [sflag:s29], $0x1  }
0xb3: {  	[sflag:s29] =	ssyncadd.s32 $0xFFFFFFFF  }
0xb4: {  	_ =	strace $0x90000048  }
0xb5: {  	_ =	sfence  }
0xb6: {  	s30 =	sld [smem:$0x0];
	_ =	sdelay $0x2  }
0xb7: {  	s31 =	sshll.u32 s1, $0xD;
	s1 =	sshrl.u32 s1, $0x2  }
0xb8: {  	s3 =	sand.u32 $0x4000, s31;
	s1 =	sadd.s32 s1, s30  }
0xb9: {  	s0 =	sor.u32 s3, s0;
	s1 =	sshll.u32 s1, $0x11  }
0xba: {  	s0 =	sor.u32 s1, s0  }
0xbb: {  	s0 =	sadd.s32 $0x8F2B, s0  }
0xbc: {  	[sflag:s0] =	ssyncadd.remote.s32 $0x1  }
0xbd: {  	_ =	sfence.sel $0xFFFF  }
0xbe: {  	[dreg:$0x0] =	wrdreg $0xFFFFFFFF;
	(pc) =	sbr.abs _section_cstart, $3  }
0xbf: {  	[dreg:$0x1] =	wrdreg $0xFFFFFFFF  }
0xc0: {  	_ =	task.clear_ibuf [dreg:s6], $0x2FFFF;
	_ =	strace $0x9FFFFFFF  }
0xc1: {  	(tm) =	ssettm $0x7FFFFFFF  }
tec
execute0_lowered:
.L_overlay_start_1:
0x0: {  	(tag) =	ssettag $0x1  }
0x1: {  	s1 =	srdreg.scid;
	s0 =	stileid.u32  }
0x2: {  	s15 =	sand.u32 $0x1, s1;
	s30 =	sshll.u32 s0, $0x1  }
0x3: {  	s16 =	rddreg [dreg:$0x0];
	s17 =	sor.u32 s15, s30  }
0x4: {  	s2 =	simm.s32 $0x0;
	s1 =	rddreg [dreg:$0x1];
	s3 =	sshll.u32 s17, $0x1  }
0x5: {  	[smem:$0x7FF] =	sst s2;
	s7 =	sadd.s32 s3, s16  }
0x6: {  	_ =	strace $0x80000047;
	s3 =	simm.s32 $0x2;
	s4 =	sadd.s32 $0xBC00, s7  }
0x7: {  	[tilespmem:s2], [sflag:$0x2] =	stream.linear.gather [hbm4b:s4+s2], $0x10, $0x38;
	[tilespmem:$0x300] =	vst v63  }
0x8: {  	_ =	swait.ge [sflag:s3], $0x10  }
0x9: {  	[sflag:s3] =	ssyncset.done $0x0  }
0xa: {  	s6 =	simm.s32 $0x80;
	s5 =	sadd.s32 $0xBA00, s7;
	[sflag:s3] =	ssyncadd.s32 $0xFFFFFFF0  }
0xb: {  	[tilespmem:s6], [sflag:$0x2] =	stream.linear.gather [hbm4b:s5+s2], $0x10, $0x38;
	[tilespmem:$0x300] =	vst v63  }
0xc: {  	_ =	swait.ge [sflag:s3], $0x10  }
0xd: {  	[sflag:s3] =	ssyncset.done $0x0  }
0xe: {  	s8 =	simm.s32 $0x100;
	s7 =	sadd.s32 $0x3600, s7;
	[sflag:s3] =	ssyncadd.s32 $0xFFFFFFF0  }
0xf: {  	[tilespmem:s8], [sflag:$0x2] =	stream.linear.gather [hbm4b:s7+s2], $0x10, $0x38;
	[tilespmem:$0x300] =	vst v63  }
0x10: {  	_ =	swait.ge [sflag:s3], $0x10  }
0x11: {  	s10 =	simm.s32 $0x10;
	s11 =	simm.s32 $0x180;
	[sflag:s3] =	ssyncset.done $0x0  }
0x12: {  	s12 =	simm.s32 $0x1;
	s9 =	sadd.s32 $0x3A00, s16;
	[sflag:s3] =	ssyncadd.s32 $0xFFFFFFF0  }
0x13: {  	[tilespmem:s11], [sflag:$0x1] =	stream.indirect.gather [hbm4b:s9+s10], $0x1, s2, s10, $0xb8;
	[tilespmem:$0x300] =	vst v63  }
0x14: {  	_ =	swait.ge [sflag:s12], $0x10  }
0x15: {  	[sflag:s12] =	ssyncset.done $0x0  }
0x16: {  	s14 =	simm.s32 $0x200;
	s13 =	sadd.s32 $0x3800, s16;
	[sflag:s12] =	ssyncadd.s32 $0xFFFFFFF0  }
0x17: {  	[tilespmem:s14], [sflag:$0x1] =	stream.indirect.gather [hbm4b:s13+s10], $0x1, s6, s10, $0xb8;
	[tilespmem:$0x300] =	vst v63  }
0x18: {  	_ =	swait.ge [sflag:s12], $0x10  }
0x19: {  	[sflag:s12] =	ssyncset.done $0x0  }
0x1a: {  	[sflag:s12] =	ssyncadd.s32 $0xFFFFFFF0  }
0x1b: {  	v0 =	vld [tilespmem:$0x200]  }
0x1c: {  	v1 =	vld [tilespmem:$0x180];
	_ =	sdelay $0x1  }
0x1d: {  	s15 =	ssub.s32 $0x2, s15;
	v2 =	vld [tilespmem:$0x100]  }
0x1e: {  	s18 =	sshrl.u32 s15, $0x1  }
0x1f: {  	s17 =	sshll.u32 s17, $0x4;
	s31 =	ssub.s32 s15, s18  }
0x20: {  	s16 =	sadd.s32 s17, s16;
	s17 =	smax.u32 s31, $0x1;
	v0 =	vsub.f32 v0, v1  }
0x21: {  	p0 =	sne.s32 s17, $0x1  }
.Ltmp0:
0x22: {  	v0 =	vmul.f32 v2, v0;
	(pc) =	sbr.rel @!p0 .LBB2_2-.Ltmp0, $4  }
0x23: {  	_ = 	snop  }
0x24: {  	s15 =	sadd.s32 $0xBE00, s16;
	s16 =	simm.s32 $0x280;
	[tilespmem:$0x280] =	vst v0  }
0x25: {  	[hbm4b:s15+s2] =	stream.linear.scatter [tilespmem:s16], [sflag:$0x2], $0x80, $0x38;
	[tilespmem:$0x300] =	vst v63  }
0x26: {  	s17 =	sadd.s32 $0xFFFFFFFF, s17;
	_ =	swait.ge [sflag:s3], $0x80  }
.LBB2_1:
0x27: {  	p0 =	sne.s32 s17, $0x1;
	s17 =	sadd.s32 $0xFFFFFFFF, s17;
	[sflag:s3] =	ssyncset.done $0x0  }
0x28: {  	[sflag:s3] =	ssyncadd.s32 $0xFFFFFF80  }
0x29: {  	[tilespmem:s2], [sflag:$0x2] =	stream.linear.gather [hbm4b:s4+s2], $0x10, $0x38;
	[tilespmem:$0x300] =	vst v63  }
0x2a: {  	_ =	swait.ge [sflag:s3], $0x10  }
0x2b: {  	[sflag:s3] =	ssyncset.done $0x0  }
0x2c: {  	[sflag:s3] =	ssyncadd.s32 $0xFFFFFFF0  }
0x2d: {  	[tilespmem:s6], [sflag:$0x2] =	stream.linear.gather [hbm4b:s5+s2], $0x10, $0x38;
	[tilespmem:$0x300] =	vst v63  }
0x2e: {  	_ =	swait.ge [sflag:s3], $0x10  }
0x2f: {  	[sflag:s3] =	ssyncset.done $0x0  }
0x30: {  	[sflag:s3] =	ssyncadd.s32 $0xFFFFFFF0  }
0x31: {  	[tilespmem:s8], [sflag:$0x2] =	stream.linear.gather [hbm4b:s7+s2], $0x10, $0x38;
	[tilespmem:$0x300] =	vst v63  }
0x32: {  	_ =	swait.ge [sflag:s3], $0x10  }
0x33: {  	[sflag:s3] =	ssyncset.done $0x0  }
0x34: {  	[sflag:s3] =	ssyncadd.s32 $0xFFFFFFF0  }
0x35: {  	[tilespmem:s11], [sflag:$0x1] =	stream.indirect.gather [hbm4b:s9+s10], $0x1, s2, s10, $0xb8;
	[tilespmem:$0x300] =	vst v63  }
0x36: {  	_ =	swait.ge [sflag:s12], $0x10  }
0x37: {  	[sflag:s12] =	ssyncset.done $0x0  }
0x38: {  	[sflag:s12] =	ssyncadd.s32 $0xFFFFFFF0  }
0x39: {  	[tilespmem:s14], [sflag:$0x1] =	stream.indirect.gather [hbm4b:s13+s10], $0x1, s6, s10, $0xb8;
	[tilespmem:$0x300] =	vst v63  }
0x3a: {  	_ =	swait.ge [sflag:s12], $0x10  }
0x3b: {  	[sflag:s12] =	ssyncset.done $0x0  }
0x3c: {  	[sflag:s12] =	ssyncadd.s32 $0xFFFFFFF0  }
0x3d: {  	v0 =	vld [tilespmem:$0x200]  }
0x3e: {  	v1 =	vld [tilespmem:$0x180]  }
0x3f: {  	v2 =	vld [tilespmem:$0x100];
	_ =	sdelay $0x3  }
0x40: {  	v0 =	vsub.f32 v0, v1;
	_ =	sdelay $0x1  }
.Ltmp1:
0x41: {  	v0 =	vmul.f32 v2, v0;
	(pc) =	sbr.rel @p0 .LBB2_1-.Ltmp1, $4  }
0x42: {  	_ = 	snop  }
0x43: {  	[tilespmem:$0x280] =	vst v0  }
0x44: {  	[hbm4b:s15+s2] =	stream.linear.scatter [tilespmem:s16], [sflag:$0x2], $0x80, $0x38;
	[tilespmem:$0x300] =	vst v63  }
0x45: {  	_ =	swait.ge [sflag:s3], $0x80  }
.LBB2_2:
0x46: {  	[sflag:s3] =	ssyncset.done $0x0  }
0x47: {  	[sflag:s3] =	ssyncadd.s32 $0xFFFFFF80  }
0x48: {  	_ =	sfence.sel $0x180000  }
0x49: {  	[bflag:$0x0] =	sbarrier.arrive $0xFFFF  }
0x4a: {  	p0 =	sne.s32 s0, $0x0;
	_ =	strace $0x90000047  }
0x4b: {  	s0 =	sadd.s32 @!p0 $0x100000, s1;
	[bflag:$0x2] =	sbarrier.arrive $0xFFFF  }
0x4c: {  	[sflag:s0] =	ssyncadd.tile.s32 @!p0 $0x1;
	_ =	shalt  }
.Lfunc_end2:
_tile_overlayer_lowered:
.L_overlay_start_2:
0x4d: {  	(tag) =	ssettag $0x2  }
0x4e: {  	s0 =	rddreg [dreg:$0x0];
	s2 =	stileid.u32  }
0x4f: {  	s1 =	rddreg [dreg:$0x1];
	p0 =	sne.s32 s2, $0x0  }
0x50: {  	s3 =	rddreg [dreg:$0x2];
	[bflag:$0x3] =	sbarrier.arrive $0xFFFF;
	s2 =	simm.s32 @!p0 $0x1C02  }
0x51: {  	[timem:s3], [sflag:s2] =	dma.local @!p0 [hbm:s0], s1  }
0x52: {  	s0 =	simm.s32 @!p0 $0x2  }
0x53: {  	_ =	swait.ge @!p0 [sflag:s0], s1  }
0x54: {  	s1 =	ssub.s32 @!p0 $0x0, s1;
	[sflag:s0] =	ssyncset.done @!p0 $0x0  }
0x55: {  	[sflag:s0] =	ssyncadd.s32 @!p0 s1  }
0x56: {  	[bflag:$0x3] =	sbarrier.arrive $0xFFFF  }
0x57: {  	_ =	shalt  }

</sc_bundles>
